<compile_context>
chip_gen: v7x
topology: tpu7x:2x2x1
jax: 0.10.2.dev20260603
libtpu: 0.0.44.dev20260713+nightly
codegen_flags: <defaults>
</compile_context>

<pallas_src>
import functools

import jax
import jax.numpy as jnp
from jax import lax
from jax.experimental import pallas as pl
from jax.experimental.pallas import tpu as pltpu
from jax.experimental.pallas import tpu_sc as plsc

_VOCAB = 1000
_HIDDEN = 128
_BATCH = 1024
_SEQ = 50

_NC, _NS = 2, 16
_NW = _NC * _NS
_NP = 5
_W = _VOCAB // _NP
_VT = _W // 8
_NBT = _BATCH // 128
_NU = _SEQ * _NBT * _NP
_UPW = 63


def _table_body(e_ref, wt_ref, b_ref, m_ref):
    for p in range(_NP):
        sl = pl.ds(p * _W, _W)
        m_ref[p] = (
            jnp.dot(e_ref[...], wt_ref[:, sl],
                    preferred_element_type=jnp.float32)
            + b_ref[:, sl]
        )


def _gather_body(table_hbm, idx_hbm, out_hbm, idx_v, buf_g, buf_w,
                 g0, g1, w0, w1):
    gsems = (g0, g1)
    wsems = (w0, w1)
    w = lax.axis_index("s") * _NC + lax.axis_index("c")

    def unit_coords(u):
        p = lax.rem(u, _NP)
        blk = lax.div(u, _NP)
        s = lax.div(blk, _NBT)
        bt = lax.rem(blk, _NBT)
        return p, s, bt

    def start_gather(u, sl):
        p, s, bt = unit_coords(u)
        pltpu.sync_copy(idx_hbm.at[s, bt], idx_v.at[sl])
        pltpu.async_copy(
            table_hbm.at[p].at[idx_v.at[sl]],
            buf_g.at[pl.ds(sl * 128, 128)], gsems[sl])

    def wait_gather(sl):
        pltpu.make_async_copy(
            table_hbm.at[0, pl.ds(0, 128)],
            buf_g.at[pl.ds(sl * 128, 128)], gsems[sl]).wait()

    def start_write(u, sl):
        p, s, bt = unit_coords(u)
        pltpu.async_copy(
            buf_w.at[sl], out_hbm.at[s, pl.ds(p * _VT, _VT), bt], wsems[sl])

    def wait_write(sl):
        pltpu.make_async_copy(
            buf_w.at[sl], out_hbm.at[0, pl.ds(0, _VT), 0], wsems[sl]).wait()

    def transpose(sl):
        rvs = [lax.iota(jnp.int32, 16) + (sl * 128 + tb * 16)
               for tb in range(8)]

        def vt_body(vt, cv_base):
            for vs in range(8):
                cv = cv_base + vs
                vecs = [plsc.load_gather(buf_g, [rvs[tb], cv])
                        for tb in range(8)]
                for tb in range(8):
                    buf_w[sl, vt, vs, pl.ds(tb * 16, 16)] = vecs[tb]
            return cv_base + 8

        lax.fori_loop(0, _VT, vt_body, jnp.zeros((16,), jnp.int32))

    def unit(i, sl, guard_next=False):
        u = w + 32 * i
        u1 = w + 32 * (i + 1)

        def prefetch():
            start_gather(u1, 1 - sl)

        if guard_next:
            pl.when(u1 < _NU)(prefetch)
        else:
            prefetch()
        wait_gather(sl)
        pl.when(i >= 2)(lambda: wait_write(sl))
        transpose(sl)
        start_write(u, sl)

    start_gather(w, 0)

    def pair(i2, carry):
        i = 2 * i2
        unit(i, 0)
        unit(i + 1, 1,
             guard_next=True)
        return carry

    lax.fori_loop(0, 31, pair, 0)

    def tail():
        wait_gather(0)
        wait_write(0)
        transpose(0)
        start_write(w + 32 * 62, 0)

    pl.when(w + 32 * 62 < _NU)(tail)
    wait_write(0)
    wait_write(1)


def kernel(input_ids, embed_table, head_w, head_b):
    table = pl.pallas_call(
        _table_body,
        out_shape=jax.ShapeDtypeStruct((_NP, _VOCAB, _W), jnp.float32),
    )(embed_table, head_w.T, head_b.reshape(1, _VOCAB))

    idx3 = input_ids.astype(jnp.int32).T.reshape(_SEQ, _NBT, 128)
    mesh = plsc.VectorSubcoreMesh(
        core_axis_name="c", subcore_axis_name="s",
        num_cores=_NC, num_subcores=_NS,
    )
    out5 = pl.kernel(
        _gather_body,
        out_type=jax.ShapeDtypeStruct(
            (_SEQ, _VOCAB // 8, _NBT, 8, 128), jnp.float32),
        mesh=mesh,
        compiler_params=pltpu.CompilerParams(
            use_tc_tiling_on_sc=False, needs_layout_passes=False),
        scratch_types=[
            pltpu.VMEM((2, 128), jnp.int32),
            pltpu.VMEM((256, _W), jnp.float32),
            pltpu.VMEM((2, _VT, 8, 128), jnp.float32),
        ] + [pltpu.SemaphoreType.DMA] * 4,
    )(table, idx3)
    return jnp.transpose(out5, (2, 4, 0, 1, 3)).reshape(_BATCH, _SEQ, _VOCAB)

# --- scband reference (transcript-rebuilt; emitter-appended) ---
"""Pipeline reference for scband-tiny-model-80650895884905 (READ-ONLY COPY).

The authoritative reference and input builder live on the scoring server;
editing this copy changes nothing except your own understanding.
"""

import jax, jax.numpy as jnp
import numpy as np

VOCAB = 1000
HIDDEN = 128
BATCH = 1024
SEQ = 50


def setup_inputs(seed: int = 0) -> dict:
    key = jax.random.key(seed)
    k_idx, k_emb, k_w, k_b = jax.random.split(key, 4)
    input_ids = jax.random.randint(k_idx, (BATCH, SEQ), 0, VOCAB, dtype=jnp.int64 if jax.config.jax_enable_x64 else jnp.int32)
    embed_table = jax.random.normal(k_emb, (VOCAB, HIDDEN), dtype=jnp.float32)
    head_w = jax.random.normal(k_w, (VOCAB, HIDDEN), dtype=jnp.float32) * (1.0 / np.sqrt(HIDDEN))
    head_b = jax.random.normal(k_b, (VOCAB,), dtype=jnp.float32) * 0.01
    return {"input_ids": input_ids, "embed_table": embed_table, "head_w": head_w, "head_b": head_b}


def reference(input_ids, embed_table, head_w, head_b):
    # h = embedding lookup (gather)
    h = jnp.take(embed_table, input_ids, axis=0)  # [B, S, H]
    # logits = Linear(hidden, vocab): h @ W^T + b
    logits = jnp.einsum('bsh,vh->bsv', h, head_w) + head_b
    return logits

if __name__ == "__main__":
    import jax
    _d = setup_inputs()
    print(jax.jit(kernel)(*tuple(_d.values())))

</pallas_src>

<mosaic_0001>
#map = affine_map<(d0, d1) -> (0, 0, 0)>
#map1 = affine_map<(d0, d1) -> (0, 0, 0, 0, 0)>
module attributes {stable_mosaic.version = 14 : i64} {
  func.func @_gather_body(%arg0: i32, %arg1: i32, %arg2: memref<5x1000x200xf32, #tpu.memory_space<hbm>>, %arg3: memref<50x8x128xi32, #tpu.memory_space<hbm>>, %arg4: memref<50x125x8x8x128xf32, #tpu.memory_space<hbm>>, %arg5: memref<2x128xi32, #tpu.memory_space<vmem>>, %arg6: memref<256x200xf32, #tpu.memory_space<vmem>>, %arg7: memref<2x25x8x128xf32, #tpu.memory_space<vmem>>, %arg8: memref<!tpu.dma_semaphore, #tpu.memory_space<semaphore_mem>>, %arg9: memref<!tpu.dma_semaphore, #tpu.memory_space<semaphore_mem>>, %arg10: memref<!tpu.dma_semaphore, #tpu.memory_space<semaphore_mem>>, %arg11: memref<!tpu.dma_semaphore, #tpu.memory_space<semaphore_mem>>) attributes {dimension_semantics = [#tpu.dimension_semantics<core_parallel>, #tpu.dimension_semantics<subcore_parallel>], iteration_bounds = array<i64: 2, 16>, scalar_prefetch = 0 : i64, scratch_operands = 7 : i64, tpu.core_type = #tpu.core_type<sc_vector_subcore>, window_params = [{transform_indices = #map}, {transform_indices = #map}, {transform_indices = #map1}]} {
    %mul3A = arith.constant 2 : i32
    %mul3A_0 = arith.muli %arg1, %mul3A : i32
    %add3A = arith.addi %mul3A_0, %arg0 : i32
    %rem3A = arith.constant 5 : i32
    %rem3A_1 = arith.remsi %add3A, %rem3A : i32
    %div3A = arith.constant 5 : i32
    %div3A_2 = arith.divsi %add3A, %div3A : i32
    %div3A_3 = arith.constant 8 : i32
    %div3A_4 = arith.divsi %div3A_2, %div3A_3 : i32
    %rem3A_5 = arith.constant 8 : i32
    %rem3A_6 = arith.remsi %div3A_2, %rem3A_5 : i32
    %run_scoped3A = arith.constant 0 : i32
    "tpu.region"() ({
      %run_scoped3A_74 = tpu.sem_alloc : memref<!tpu.dma_semaphore, #tpu.memory_space<semaphore_mem>>
      %dma_start3A_75 = arith.constant 0 : i32
      %dma_start3A_76 = tpu.memref_slice %arg5[%run_scoped3A, %dma_start3A_75] : memref<2x128xi32, #tpu.memory_space<vmem>> -> memref<1x128xi32, #tpu.memory_space<vmem>>
      %dma_start3A_77 = tpu.memref_squeeze %dma_start3A_76 : memref<1x128xi32, #tpu.memory_space<vmem>> -> memref<128xi32, #tpu.memory_space<vmem>>
      %dma_start3A_78 = arith.constant 0 : i32
      %dma_start3A_79 = tpu.memref_slice %arg3[%div3A_4, %rem3A_6, %dma_start3A_78] : memref<50x8x128xi32, #tpu.memory_space<hbm>> -> memref<1x1x128xi32, #tpu.memory_space<hbm>>
      %dma_start3A_80 = tpu.memref_squeeze %dma_start3A_79 : memref<1x1x128xi32, #tpu.memory_space<hbm>> -> memref<128xi32, #tpu.memory_space<hbm>>
      %dma_start3A_81 = arith.constant 0 : i32
      %dma_start3A_82 = tpu.memref_slice %arg5[%run_scoped3A, %dma_start3A_81] : memref<2x128xi32, #tpu.memory_space<vmem>> -> memref<1x128xi32, #tpu.memory_space<vmem>>
      %dma_start3A_83 = tpu.memref_squeeze %dma_start3A_82 : memref<1x128xi32, #tpu.memory_space<vmem>> -> memref<128xi32, #tpu.memory_space<vmem>>
      %dma_start3A_84 = arith.constant 0 : i32
      %dma_start3A_85 = tpu.memref_slice %arg3[%div3A_4, %rem3A_6, %dma_start3A_84] : memref<50x8x128xi32, #tpu.memory_space<hbm>> -> memref<1x1x128xi32, #tpu.memory_space<hbm>>
      %dma_start3A_86 = tpu.memref_squeeze %dma_start3A_85 : memref<1x1x128xi32, #tpu.memory_space<hbm>> -> memref<128xi32, #tpu.memory_space<hbm>>
      tpu.enqueue_dma source(%dma_start3A_86 : memref<128xi32, #tpu.memory_space<hbm>>) target(%dma_start3A_83 : memref<128xi32, #tpu.memory_space<vmem>>) target_semaphore(%run_scoped3A_74 : memref<!tpu.dma_semaphore, #tpu.memory_space<semaphore_mem>>)
      %dma_wait3A_87 = arith.constant 0 : i32
      %dma_wait3A_88 = tpu.memref_slice %arg5[%run_scoped3A, %dma_wait3A_87] : memref<2x128xi32, #tpu.memory_space<vmem>> -> memref<1x128xi32, #tpu.memory_space<vmem>>
      %dma_wait3A_89 = tpu.memref_squeeze %dma_wait3A_88 : memref<1x128xi32, #tpu.memory_space<vmem>> -> memref<128xi32, #tpu.memory_space<vmem>>
      %dma_wait3A_90 = arith.constant 0 : i32
      %dma_wait3A_91 = tpu.memref_slice %arg3[%div3A_4, %rem3A_6, %dma_wait3A_90] : memref<50x8x128xi32, #tpu.memory_space<hbm>> -> memref<1x1x128xi32, #tpu.memory_space<hbm>>
      %dma_wait3A_92 = tpu.memref_squeeze %dma_wait3A_91 : memref<1x1x128xi32, #tpu.memory_space<hbm>> -> memref<128xi32, #tpu.memory_space<hbm>>
      %dma_wait3A_93 = arith.constant 0 : i32
      %dma_wait3A_94 = tpu.memref_slice %arg5[%run_scoped3A, %dma_wait3A_93] : memref<2x128xi32, #tpu.memory_space<vmem>> -> memref<1x128xi32, #tpu.memory_space<vmem>>
      %dma_wait3A_95 = tpu.memref_squeeze %dma_wait3A_94 : memref<1x128xi32, #tpu.memory_space<vmem>> -> memref<128xi32, #tpu.memory_space<vmem>>
      %dma_wait3A_96 = arith.constant 0 : i32
      %dma_wait3A_97 = tpu.memref_slice %arg3[%div3A_4, %rem3A_6, %dma_wait3A_96] : memref<50x8x128xi32, #tpu.memory_space<hbm>> -> memref<1x1x128xi32, #tpu.memory_space<hbm>>
      %dma_wait3A_98 = tpu.memref_squeeze %dma_wait3A_97 : memref<1x1x128xi32, #tpu.memory_space<hbm>> -> memref<128xi32, #tpu.memory_space<hbm>>
      tpu.wait_dma2 semaphore(%run_scoped3A_74 : memref<!tpu.dma_semaphore, #tpu.memory_space<semaphore_mem>>) src(%dma_wait3A_98 : memref<128xi32, #tpu.memory_space<hbm>>) dst(%dma_wait3A_95 : memref<128xi32, #tpu.memory_space<vmem>>)
      tpu.yield
    }) : () -> ()
    %dma_start3A = arith.constant 0 : i32
    %dma_start3A_7 = arith.constant 0 : i32
    %dma_start3A_8 = arith.constant 0 : i32
    %dma_start3A_9 = tpu.memref_slice %arg6[%dma_start3A_7, %dma_start3A_8] : memref<256x200xf32, #tpu.memory_space<vmem>> -> memref<128x200xf32, #tpu.memory_space<vmem>>
    %dma_start3A_10 = arith.constant 0 : i32
    %dma_start3A_11 = tpu.memref_slice %arg5[%dma_start3A, %dma_start3A_10] : memref<2x128xi32, #tpu.memory_space<vmem>> -> memref<1x128xi32, #tpu.memory_space<vmem>>
    %dma_start3A_12 = tpu.memref_squeeze %dma_start3A_11 : memref<1x128xi32, #tpu.memory_space<vmem>> -> memref<128xi32, #tpu.memory_space<vmem>>
    %dma_start3A_13 = arith.constant 0 : i32
    %dma_start3A_14 = arith.constant 0 : i32
    %dma_start3A_15 = tpu.memref_slice %arg2[%rem3A_1, %dma_start3A_13, %dma_start3A_14] : memref<5x1000x200xf32, #tpu.memory_space<hbm>> -> memref<1x1000x200xf32, #tpu.memory_space<hbm>>
    %dma_start3A_16 = tpu.memref_squeeze %dma_start3A_15 : memref<1x1000x200xf32, #tpu.memory_space<hbm>> -> memref<1000x200xf32, #tpu.memory_space<hbm>>
    %dma_start3A_17 = arith.constant 0 : i32
    %dma_start3A_18 = arith.constant 0 : i32
    %dma_start3A_19 = tpu.memref_slice %dma_start3A_16[%dma_start3A_17, %dma_start3A_18] : memref<1000x200xf32, #tpu.memory_space<hbm>> -> memref<1000x200xf32, #tpu.memory_space<hbm>>
    tpu.enqueue_indirect_dma source(%dma_start3A_19 : memref<1000x200xf32, #tpu.memory_space<hbm>>) target(%dma_start3A_9 : memref<128x200xf32, #tpu.memory_space<vmem>>) offsets(%dma_start3A_12 : memref<128xi32, #tpu.memory_space<vmem>>) semaphore(%arg8 : memref<!tpu.dma_semaphore, #tpu.memory_space<semaphore_mem>>)
    %scan3A = arith.constant 0 : i32
    %scan3A_20 = arith.constant 0 : i32
    %scan3A_21 = arith.constant 31 : i32
    %scan3A_22 = arith.addi %scan3A_20, %scan3A_21 : i32
    %scan3A_23 = arith.constant 1 : i32
    scf.for %scan3A_74 = %scan3A_20 to %scan3A_22 step %scan3A_23  : i32 {
      %mul3A_75 = arith.constant 2 : i32
      %mul3A_76 = arith.muli %mul3A_75, %scan3A_74 : i32
      %mul3A_77 = arith.constant 32 : i32
      %mul3A_78 = arith.muli %mul3A_77, %mul3A_76 : i32
      %add3A_79 = arith.addi %add3A, %mul3A_78 : i32
      %add3A_80 = arith.constant 1 : i32
      %add3A_81 = arith.addi %mul3A_76, %add3A_80 : i32
      %mul3A_82 = arith.constant 32 : i32
      %mul3A_83 = arith.muli %mul3A_82, %add3A_81 : i32
      %add3A_84 = arith.addi %add3A, %mul3A_83 : i32
      %rem3A_85 = arith.constant 5 : i32
      %rem3A_86 = arith.remsi %add3A_84, %rem3A_85 : i32
      %div3A_87 = arith.constant 5 : i32
      %div3A_88 = arith.divsi %add3A_84, %div3A_87 : i32
      %div3A_89 = arith.constant 8 : i32
      %div3A_90 = arith.divsi %div3A_88, %div3A_89 : i32
      %rem3A_91 = arith.constant 8 : i32
      %rem3A_92 = arith.remsi %div3A_88, %rem3A_91 : i32
      %run_scoped3A_93 = arith.constant 1 : i32
      "tpu.region"() ({
        %run_scoped3A_298 = tpu.sem_alloc : memref<!tpu.dma_semaphore, #tpu.memory_space<semaphore_mem>>
        %dma_start3A_299 = arith.constant 0 : i32
        %dma_start3A_300 = tpu.memref_slice %arg5[%run_scoped3A_93, %dma_start3A_299] : memref<2x128xi32, #tpu.memory_space<vmem>> -> memref<1x128xi32, #tpu.memory_space<vmem>>
        %dma_start3A_301 = tpu.memref_squeeze %dma_start3A_300 : memref<1x128xi32, #tpu.memory_space<vmem>> -> memref<128xi32, #tpu.memory_space<vmem>>
        %dma_start3A_302 = arith.constant 0 : i32
        %dma_start3A_303 = tpu.memref_slice %arg3[%div3A_90, %rem3A_92, %dma_start3A_302] : memref<50x8x128xi32, #tpu.memory_space<hbm>> -> memref<1x1x128xi32, #tpu.memory_space<hbm>>
        %dma_start3A_304 = tpu.memref_squeeze %dma_start3A_303 : memref<1x1x128xi32, #tpu.memory_space<hbm>> -> memref<128xi32, #tpu.memory_space<hbm>>
        %dma_start3A_305 = arith.constant 0 : i32
        %dma_start3A_306 = tpu.memref_slice %arg5[%run_scoped3A_93, %dma_start3A_305] : memref<2x128xi32, #tpu.memory_space<vmem>> -> memref<1x128xi32, #tpu.memory_space<vmem>>
        %dma_start3A_307 = tpu.memref_squeeze %dma_start3A_306 : memref<1x128xi32, #tpu.memory_space<vmem>> -> memref<128xi32, #tpu.memory_space<vmem>>
        %dma_start3A_308 = arith.constant 0 : i32
        %dma_start3A_309 = tpu.memref_slice %arg3[%div3A_90, %rem3A_92, %dma_start3A_308] : memref<50x8x128xi32, #tpu.memory_space<hbm>> -> memref<1x1x128xi32, #tpu.memory_space<hbm>>
        %dma_start3A_310 = tpu.memref_squeeze %dma_start3A_309 : memref<1x1x128xi32, #tpu.memory_space<hbm>> -> memref<128xi32, #tpu.memory_space<hbm>>
        tpu.enqueue_dma source(%dma_start3A_310 : memref<128xi32, #tpu.memory_space<hbm>>) target(%dma_start3A_307 : memref<128xi32, #tpu.memory_space<vmem>>) target_semaphore(%run_scoped3A_298 : memref<!tpu.dma_semaphore, #tpu.memory_space<semaphore_mem>>)
        %dma_wait3A_311 = arith.constant 0 : i32
        %dma_wait3A_312 = tpu.memref_slice %arg5[%run_scoped3A_93, %dma_wait3A_311] : memref<2x128xi32, #tpu.memory_space<vmem>> -> memref<1x128xi32, #tpu.memory_space<vmem>>
        %dma_wait3A_313 = tpu.memref_squeeze %dma_wait3A_312 : memref<1x128xi32, #tpu.memory_space<vmem>> -> memref<128xi32, #tpu.memory_space<vmem>>
        %dma_wait3A_314 = arith.constant 0 : i32
        %dma_wait3A_315 = tpu.memref_slice %arg3[%div3A_90, %rem3A_92, %dma_wait3A_314] : memref<50x8x128xi32, #tpu.memory_space<hbm>> -> memref<1x1x128xi32, #tpu.memory_space<hbm>>
        %dma_wait3A_316 = tpu.memref_squeeze %dma_wait3A_315 : memref<1x1x128xi32, #tpu.memory_space<hbm>> -> memref<128xi32, #tpu.memory_space<hbm>>
        %dma_wait3A_317 = arith.constant 0 : i32
        %dma_wait3A_318 = tpu.memref_slice %arg5[%run_scoped3A_93, %dma_wait3A_317] : memref<2x128xi32, #tpu.memory_space<vmem>> -> memref<1x128xi32, #tpu.memory_space<vmem>>
        %dma_wait3A_319 = tpu.memref_squeeze %dma_wait3A_318 : memref<1x128xi32, #tpu.memory_space<vmem>> -> memref<128xi32, #tpu.memory_space<vmem>>
        %dma_wait3A_320 = arith.constant 0 : i32
        %dma_wait3A_321 = tpu.memref_slice %arg3[%div3A_90, %rem3A_92, %dma_wait3A_320] : memref<50x8x128xi32, #tpu.memory_space<hbm>> -> memref<1x1x128xi32, #tpu.memory_space<hbm>>
        %dma_wait3A_322 = tpu.memref_squeeze %dma_wait3A_321 : memref<1x1x128xi32, #tpu.memory_space<hbm>> -> memref<128xi32, #tpu.memory_space<hbm>>
        tpu.wait_dma2 semaphore(%run_scoped3A_298 : memref<!tpu.dma_semaphore, #tpu.memory_space<semaphore_mem>>) src(%dma_wait3A_322 : memref<128xi32, #tpu.memory_space<hbm>>) dst(%dma_wait3A_319 : memref<128xi32, #tpu.memory_space<vmem>>)
        tpu.yield
      }) : () -> ()
      %dma_start3A_94 = arith.constant 1 : i32
      %dma_start3A_95 = arith.constant 128 : i32
      %dma_start3A_96 = arith.constant 0 : i32
      %dma_start3A_97 = tpu.memref_slice %arg6[%dma_start3A_95, %dma_start3A_96] : memref<256x200xf32, #tpu.memory_space<vmem>> -> memref<128x200xf32, #tpu.memory_space<vmem>>
      %dma_start3A_98 = arith.constant 0 : i32
      %dma_start3A_99 = tpu.memref_slice %arg5[%dma_start3A_94, %dma_start3A_98] : memref<2x128xi32, #tpu.memory_space<vmem>> -> memref<1x128xi32, #tpu.memory_space<vmem>>
      %dma_start3A_100 = tpu.memref_squeeze %dma_start3A_99 : memref<1x128xi32, #tpu.memory_space<vmem>> -> memref<128xi32, #tpu.memory_space<vmem>>
      %dma_start3A_101 = arith.constant 0 : i32
      %dma_start3A_102 = arith.constant 0 : i32
      %dma_start3A_103 = tpu.memref_slice %arg2[%rem3A_86, %dma_start3A_101, %dma_start3A_102] : memref<5x1000x200xf32, #tpu.memory_space<hbm>> -> memref<1x1000x200xf32, #tpu.memory_space<hbm>>
      %dma_start3A_104 = tpu.memref_squeeze %dma_start3A_103 : memref<1x1000x200xf32, #tpu.memory_space<hbm>> -> memref<1000x200xf32, #tpu.memory_space<hbm>>
      %dma_start3A_105 = arith.constant 0 : i32
      %dma_start3A_106 = arith.constant 0 : i32
      %dma_start3A_107 = tpu.memref_slice %dma_start3A_104[%dma_start3A_105, %dma_start3A_106] : memref<1000x200xf32, #tpu.memory_space<hbm>> -> memref<1000x200xf32, #tpu.memory_space<hbm>>
      tpu.enqueue_indirect_dma source(%dma_start3A_107 : memref<1000x200xf32, #tpu.memory_space<hbm>>) target(%dma_start3A_97 : memref<128x200xf32, #tpu.memory_space<vmem>>) offsets(%dma_start3A_100 : memref<128xi32, #tpu.memory_space<vmem>>) semaphore(%arg9 : memref<!tpu.dma_semaphore, #tpu.memory_space<semaphore_mem>>)
      %dma_wait3A_108 = arith.constant 0 : i32
      %dma_wait3A_109 = arith.constant 0 : i32
      %dma_wait3A_110 = arith.constant 0 : i32
      %dma_wait3A_111 = tpu.memref_slice %arg6[%dma_wait3A_109, %dma_wait3A_110] : memref<256x200xf32, #tpu.memory_space<vmem>> -> memref<128x200xf32, #tpu.memory_space<vmem>>
      %dma_wait3A_112 = arith.constant 0 : i32
      %dma_wait3A_113 = arith.constant 0 : i32
      %dma_wait3A_114 = tpu.memref_slice %arg2[%dma_wait3A_108, %dma_wait3A_112, %dma_wait3A_113] : memref<5x1000x200xf32, #tpu.memory_space<hbm>> -> memref<1x128x200xf32, #tpu.memory_space<hbm>>
      %dma_wait3A_115 = tpu.memref_squeeze %dma_wait3A_114 : memref<1x128x200xf32, #tpu.memory_space<hbm>> -> memref<128x200xf32, #tpu.memory_space<hbm>>
      %dma_wait3A_116 = arith.constant 0 : i32
      %dma_wait3A_117 = arith.constant 0 : i32
      %dma_wait3A_118 = tpu.memref_slice %arg6[%dma_wait3A_116, %dma_wait3A_117] : memref<256x200xf32, #tpu.memory_space<vmem>> -> memref<128x200xf32, #tpu.memory_space<vmem>>
      %dma_wait3A_119 = arith.constant 0 : i32
      %dma_wait3A_120 = arith.constant 0 : i32
      %dma_wait3A_121 = tpu.memref_slice %arg2[%dma_wait3A_108, %dma_wait3A_119, %dma_wait3A_120] : memref<5x1000x200xf32, #tpu.memory_space<hbm>> -> memref<1x128x200xf32, #tpu.memory_space<hbm>>
      %dma_wait3A_122 = tpu.memref_squeeze %dma_wait3A_121 : memref<1x128x200xf32, #tpu.memory_space<hbm>> -> memref<128x200xf32, #tpu.memory_space<hbm>>
      tpu.wait_dma2 semaphore(%arg8 : memref<!tpu.dma_semaphore, #tpu.memory_space<semaphore_mem>>) src(%dma_wait3A_122 : memref<128x200xf32, #tpu.memory_space<hbm>>) dst(%dma_wait3A_118 : memref<128x200xf32, #tpu.memory_space<vmem>>)
      %ge3A = arith.constant 2 : i32
      %ge3A_123 = arith.cmpi sge, %mul3A_76, %ge3A : i32
      %convert_element_type3A_124 = arith.extui %ge3A_123 : i1 to i32
      %cond3A_125 = arith.constant 0 : i32
      %cond3A_126 = arith.cmpi ne, %convert_element_type3A_124, %cond3A_125 : i32
      scf.if %cond3A_126 {
        %dma_wait3A_298 = arith.constant 0 : i32
        %dma_wait3A_299 = arith.constant 0 : i32
        %dma_wait3A_300 = arith.constant 0 : i32
        %dma_wait3A_301 = arith.constant 0 : i32
        %dma_wait3A_302 = arith.constant 0 : i32
        %dma_wait3A_303 = arith.constant 0 : i32
        %dma_wait3A_304 = tpu.memref_slice %arg7[%dma_wait3A_298, %dma_wait3A_301, %dma_wait3A_302, %dma_wait3A_303] : memref<2x25x8x128xf32, #tpu.memory_space<vmem>> -> memref<1x25x8x128xf32, #tpu.memory_space<vmem>>
        %dma_wait3A_305 = tpu.memref_squeeze %dma_wait3A_304 : memref<1x25x8x128xf32, #tpu.memory_space<vmem>> -> memref<25x8x128xf32, #tpu.memory_space<vmem>>
        %dma_wait3A_306 = arith.constant 0 : i32
        %dma_wait3A_307 = arith.constant 0 : i32
        %dma_wait3A_308 = arith.constant 0 : i32
        %dma_wait3A_309 = tpu.memref_slice %arg4[%dma_wait3A_299, %dma_wait3A_306, %dma_wait3A_300, %dma_wait3A_307, %dma_wait3A_308] : memref<50x125x8x8x128xf32, #tpu.memory_space<hbm>> -> memref<1x25x1x8x128xf32, #tpu.memory_space<hbm>>
        %dma_wait3A_310 = tpu.memref_squeeze %dma_wait3A_309 : memref<1x25x1x8x128xf32, #tpu.memory_space<hbm>> -> memref<25x8x128xf32, #tpu.memory_space<hbm>>
        %dma_wait3A_311 = arith.constant 0 : i32
        %dma_wait3A_312 = arith.constant 0 : i32
        %dma_wait3A_313 = arith.constant 0 : i32
        %dma_wait3A_314 = tpu.memref_slice %arg4[%dma_wait3A_299, %dma_wait3A_311, %dma_wait3A_300, %dma_wait3A_312, %dma_wait3A_313] : memref<50x125x8x8x128xf32, #tpu.memory_space<hbm>> -> memref<1x25x1x8x128xf32, #tpu.memory_space<hbm>>
        %dma_wait3A_315 = tpu.memref_squeeze %dma_wait3A_314 : memref<1x25x1x8x128xf32, #tpu.memory_space<hbm>> -> memref<25x8x128xf32, #tpu.memory_space<hbm>>
        %dma_wait3A_316 = arith.constant 0 : i32
        %dma_wait3A_317 = arith.constant 0 : i32
        %dma_wait3A_318 = arith.constant 0 : i32
        %dma_wait3A_319 = tpu.memref_slice %arg7[%dma_wait3A_298, %dma_wait3A_316, %dma_wait3A_317, %dma_wait3A_318] : memref<2x25x8x128xf32, #tpu.memory_space<vmem>> -> memref<1x25x8x128xf32, #tpu.memory_space<vmem>>
        %dma_wait3A_320 = tpu.memref_squeeze %dma_wait3A_319 : memref<1x25x8x128xf32, #tpu.memory_space<vmem>> -> memref<25x8x128xf32, #tpu.memory_space<vmem>>
        tpu.wait_dma2 semaphore(%arg10 : memref<!tpu.dma_semaphore, #tpu.memory_space<semaphore_mem>>) src(%dma_wait3A_320 : memref<25x8x128xf32, #tpu.memory_space<vmem>>) dst(%dma_wait3A_315 : memref<25x8x128xf32, #tpu.memory_space<hbm>>)
      } else {
      }
      %iota3A = tpu.iota {dimensions = array<i32: 0>} : vector<16xi32>
      %add3A_127 = arith.constant 0 : i32
      %add3A_128 = vector.broadcast %add3A_127 : i32 to vector<16xi32>
      %add3A_129 = arith.addi %iota3A, %add3A_128 : vector<16xi32>
      %iota3A_130 = tpu.iota {dimensions = array<i32: 0>} : vector<16xi32>
      %add3A_131 = arith.constant 16 : i32
      %add3A_132 = vector.broadcast %add3A_131 : i32 to vector<16xi32>
      %add3A_133 = arith.addi %iota3A_130, %add3A_132 : vector<16xi32>
      %iota3A_134 = tpu.iota {dimensions = array<i32: 0>} : vector<16xi32>
      %add3A_135 = arith.constant 32 : i32
      %add3A_136 = vector.broadcast %add3A_135 : i32 to vector<16xi32>
      %add3A_137 = arith.addi %iota3A_134, %add3A_136 : vector<16xi32>
      %iota3A_138 = tpu.iota {dimensions = array<i32: 0>} : vector<16xi32>
      %add3A_139 = arith.constant 48 : i32
      %add3A_140 = vector.broadcast %add3A_139 : i32 to vector<16xi32>
      %add3A_141 = arith.addi %iota3A_138, %add3A_140 : vector<16xi32>
      %iota3A_142 = tpu.iota {dimensions = array<i32: 0>} : vector<16xi32>
      %add3A_143 = arith.constant 64 : i32
      %add3A_144 = vector.broadcast %add3A_143 : i32 to vector<16xi32>
      %add3A_145 = arith.addi %iota3A_142, %add3A_144 : vector<16xi32>
      %iota3A_146 = tpu.iota {dimensions = array<i32: 0>} : vector<16xi32>
      %add3A_147 = arith.constant 80 : i32
      %add3A_148 = vector.broadcast %add3A_147 : i32 to vector<16xi32>
      %add3A_149 = arith.addi %iota3A_146, %add3A_148 : vector<16xi32>
      %iota3A_150 = tpu.iota {dimensions = array<i32: 0>} : vector<16xi32>
      %add3A_151 = arith.constant 96 : i32
      %add3A_152 = vector.broadcast %add3A_151 : i32 to vector<16xi32>
      %add3A_153 = arith.addi %iota3A_150, %add3A_152 : vector<16xi32>
      %iota3A_154 = tpu.iota {dimensions = array<i32: 0>} : vector<16xi32>
      %add3A_155 = arith.constant 112 : i32
      %add3A_156 = vector.broadcast %add3A_155 : i32 to vector<16xi32>
      %add3A_157 = arith.addi %iota3A_154, %add3A_156 : vector<16xi32>
      %broadcast_in_dim3A = arith.constant 0 : i32
      %broadcast_in_dim3A_158 = vector.broadcast %broadcast_in_dim3A : i32 to vector<16xi32>
      %scan3A_159 = arith.constant 0 : i32
      %scan3A_160 = arith.constant 25 : i32
      %scan3A_161 = arith.addi %scan3A_159, %scan3A_160 : i32
      %scan3A_162 = arith.constant 1 : i32
      %scan3A_163 = scf.for %scan3A_298 = %scan3A_159 to %scan3A_161 step %scan3A_162 iter_args(%scan3A_299 = %broadcast_in_dim3A_158) -> (vector<16xi32>)  : i32 {
        %add3A_300 = arith.constant 0 : i32
        %add3A_301 = vector.broadcast %add3A_300 : i32 to vector<16xi32>
        %add3A_302 = arith.addi %scan3A_299, %add3A_301 : vector<16xi32>
        %gather3A = tpu.vector_load_idx %arg6[%add3A_129, %add3A_302] : memref<256x200xf32, #tpu.memory_space<vmem>>[vector<16xi32>, vector<16xi32>], vector<16xf32>,
        %gather3A_303 = tpu.vector_load_idx %arg6[%add3A_133, %add3A_302] : memref<256x200xf32, #tpu.memory_space<vmem>>[vector<16xi32>, vector<16xi32>], vector<16xf32>,
        %gather3A_304 = tpu.vector_load_idx %arg6[%add3A_137, %add3A_302] : memref<256x200xf32, #tpu.memory_space<vmem>>[vector<16xi32>, vector<16xi32>], vector<16xf32>,
        %gather3A_305 = tpu.vector_load_idx %arg6[%add3A_141, %add3A_302] : memref<256x200xf32, #tpu.memory_space<vmem>>[vector<16xi32>, vector<16xi32>], vector<16xf32>,
        %gather3A_306 = tpu.vector_load_idx %arg6[%add3A_145, %add3A_302] : memref<256x200xf32, #tpu.memory_space<vmem>>[vector<16xi32>, vector<16xi32>], vector<16xf32>,
        %gather3A_307 = tpu.vector_load_idx %arg6[%add3A_149, %add3A_302] : memref<256x200xf32, #tpu.memory_space<vmem>>[vector<16xi32>, vector<16xi32>], vector<16xf32>,
        %gather3A_308 = tpu.vector_load_idx %arg6[%add3A_153, %add3A_302] : memref<256x200xf32, #tpu.memory_space<vmem>>[vector<16xi32>, vector<16xi32>], vector<16xf32>,
        %gather3A_309 = tpu.vector_load_idx %arg6[%add3A_157, %add3A_302] : memref<256x200xf32, #tpu.memory_space<vmem>>[vector<16xi32>, vector<16xi32>], vector<16xf32>,
        %swap3A = arith.constant 0 : i32
        %swap3A_310 = arith.constant 0 : i32
        %swap3A_311 = arith.index_cast %swap3A : i32 to index
        %swap3A_312 = arith.index_cast %scan3A_298 : i32 to index
        %swap3A_313 = arith.index_cast %swap3A_310 : i32 to index
        %swap3A_314 = arith.constant 0 : index
        %swap3A_315 = tpu.vector_load %arg7[%swap3A_311, %swap3A_312, %swap3A_313, %swap3A_314] {strides = array<i32>} : memref<2x25x8x128xf32, #tpu.memory_space<vmem>>, vector<16xf32>,
        tpu.vector_store %arg7[%swap3A_311, %swap3A_312, %swap3A_313, %swap3A_314], %gather3A {strides = array<i32>} : memref<2x25x8x128xf32, #tpu.memory_space<vmem>>, vector<16xf32>,
        %swap3A_316 = arith.constant 0 : i32
        %swap3A_317 = arith.constant 0 : i32
        %swap3A_318 = arith.index_cast %swap3A_316 : i32 to index
        %swap3A_319 = arith.index_cast %scan3A_298 : i32 to index
        %swap3A_320 = arith.index_cast %swap3A_317 : i32 to index
        %swap3A_321 = arith.constant 16 : index
        %swap3A_322 = tpu.vector_load %arg7[%swap3A_318, %swap3A_319, %swap3A_320, %swap3A_321] {strides = array<i32>} : memref<2x25x8x128xf32, #tpu.memory_space<vmem>>, vector<16xf32>,
        tpu.vector_store %arg7[%swap3A_318, %swap3A_319, %swap3A_320, %swap3A_321], %gather3A_303 {strides = array<i32>} : memref<2x25x8x128xf32, #tpu.memory_space<vmem>>, vector<16xf32>,
        %swap3A_323 = arith.constant 0 : i32
        %swap3A_324 = arith.constant 0 : i32
        %swap3A_325 = arith.index_cast %swap3A_323 : i32 to index
        %swap3A_326 = arith.index_cast %scan3A_298 : i32 to index
        %swap3A_327 = arith.index_cast %swap3A_324 : i32 to index
        %swap3A_328 = arith.constant 32 : index
        %swap3A_329 = tpu.vector_load %arg7[%swap3A_325, %swap3A_326, %swap3A_327, %swap3A_328] {strides = array<i32>} : memref<2x25x8x128xf32, #tpu.memory_space<vmem>>, vector<16xf32>,
        tpu.vector_store %arg7[%swap3A_325, %swap3A_326, %swap3A_327, %swap3A_328], %gather3A_304 {strides = array<i32>} : memref<2x25x8x128xf32, #tpu.memory_space<vmem>>, vector<16xf32>,
        %swap3A_330 = arith.constant 0 : i32
        %swap3A_331 = arith.constant 0 : i32
        %swap3A_332 = arith.index_cast %swap3A_330 : i32 to index
        %swap3A_333 = arith.index_cast %scan3A_298 : i32 to index
        %swap3A_334 = arith.index_cast %swap3A_331 : i32 to index
        %swap3A_335 = arith.constant 48 : index
        %swap3A_336 = tpu.vector_load %arg7[%swap3A_332, %swap3A_333, %swap3A_334, %swap3A_335] {strides = array<i32>} : memref<2x25x8x128xf32, #tpu.memory_space<vmem>>, vector<16xf32>,
        tpu.vector_store %arg7[%swap3A_332, %swap3A_333, %swap3A_334, %swap3A_335], %gather3A_305 {strides = array<i32>} : memref<2x25x8x128xf32, #tpu.memory_space<vmem>>, vector<16xf32>,
        %swap3A_337 = arith.constant 0 : i32
        %swap3A_338 = arith.constant 0 : i32
        %swap3A_339 = arith.index_cast %swap3A_337 : i32 to index
        %swap3A_340 = arith.index_cast %scan3A_298 : i32 to index
        %swap3A_341 = arith.index_cast %swap3A_338 : i32 to index
        %swap3A_342 = arith.constant 64 : index
        %swap3A_343 = tpu.vector_load %arg7[%swap3A_339, %swap3A_340, %swap3A_341, %swap3A_342] {strides = array<i32>} : memref<2x25x8x128xf32, #tpu.memory_space<vmem>>, vector<16xf32>,
        tpu.vector_store %arg7[%swap3A_339, %swap3A_340, %swap3A_341, %swap3A_342], %gather3A_306 {strides = array<i32>} : memref<2x25x8x128xf32, #tpu.memory_space<vmem>>, vector<16xf32>,
        %swap3A_344 = arith.constant 0 : i32
        %swap3A_345 = arith.constant 0 : i32
        %swap3A_346 = arith.index_cast %swap3A_344 : i32 to index
        %swap3A_347 = arith.index_cast %scan3A_298 : i32 to index
        %swap3A_348 = arith.index_cast %swap3A_345 : i32 to index
        %swap3A_349 = arith.constant 80 : index
        %swap3A_350 = tpu.vector_load %arg7[%swap3A_346, %swap3A_347, %swap3A_348, %swap3A_349] {strides = array<i32>} : memref<2x25x8x128xf32, #tpu.memory_space<vmem>>, vector<16xf32>,
        tpu.vector_store %arg7[%swap3A_346, %swap3A_347, %swap3A_348, %swap3A_349], %gather3A_307 {strides = array<i32>} : memref<2x25x8x128xf32, #tpu.memory_space<vmem>>, vector<16xf32>,
        %swap3A_351 = arith.constant 0 : i32
        %swap3A_352 = arith.constant 0 : i32
        %swap3A_353 = arith.index_cast %swap3A_351 : i32 to index
        %swap3A_354 = arith.index_cast %scan3A_298 : i32 to index
        %swap3A_355 = arith.index_cast %swap3A_352 : i32 to index
        %swap3A_356 = arith.constant 96 : index
        %swap3A_357 = tpu.vector_load %arg7[%swap3A_353, %swap3A_354, %swap3A_355, %swap3A_356] {strides = array<i32>} : memref<2x25x8x128xf32, #tpu.memory_space<vmem>>, vector<16xf32>,
        tpu.vector_store %arg7[%swap3A_353, %swap3A_354, %swap3A_355, %swap3A_356], %gather3A_308 {strides = array<i32>} : memref<2x25x8x128xf32, #tpu.memory_space<vmem>>, vector<16xf32>,
        %swap3A_358 = arith.constant 0 : i32
        %swap3A_359 = arith.constant 0 : i32
        %swap3A_360 = arith.index_cast %swap3A_358 : i32 to index
        %swap3A_361 = arith.index_cast %scan3A_298 : i32 to index
        %swap3A_362 = arith.index_cast %swap3A_359 : i32 to index
        %swap3A_363 = arith.constant 112 : index
        %swap3A_364 = tpu.vector_load %arg7[%swap3A_360, %swap3A_361, %swap3A_362, %swap3A_363] {strides = array<i32>} : memref<2x25x8x128xf32, #tpu.memory_space<vmem>>, vector<16xf32>,
        tpu.vector_store %arg7[%swap3A_360, %swap3A_361, %swap3A_362, %swap3A_363], %gather3A_309 {strides = array<i32>} : memref<2x25x8x128xf32, #tpu.memory_space<vmem>>, vector<16xf32>,
        %add3A_365 = arith.constant 1 : i32
        %add3A_366 = vector.broadcast %add3A_365 : i32 to vector<16xi32>
        %add3A_367 = arith.addi %scan3A_299, %add3A_366 : vector<16xi32>
        %gather3A_368 = tpu.vector_load_idx %arg6[%add3A_129, %add3A_367] : memref<256x200xf32, #tpu.memory_space<vmem>>[vector<16xi32>, vector<16xi32>], vector<16xf32>,
        %gather3A_369 = tpu.vector_load_idx %arg6[%add3A_133, %add3A_367] : memref<256x200xf32, #tpu.memory_space<vmem>>[vector<16xi32>, vector<16xi32>], vector<16xf32>,
        %gather3A_370 = tpu.vector_load_idx %arg6[%add3A_137, %add3A_367] : memref<256x200xf32, #tpu.memory_space<vmem>>[vector<16xi32>, vector<16xi32>], vector<16xf32>,
        %gather3A_371 = tpu.vector_load_idx %arg6[%add3A_141, %add3A_367] : memref<256x200xf32, #tpu.memory_space<vmem>>[vector<16xi32>, vector<16xi32>], vector<16xf32>,
        %gather3A_372 = tpu.vector_load_idx %arg6[%add3A_145, %add3A_367] : memref<256x200xf32, #tpu.memory_space<vmem>>[vector<16xi32>, vector<16xi32>], vector<16xf32>,
        %gather3A_373 = tpu.vector_load_idx %arg6[%add3A_149, %add3A_367] : memref<256x200xf32, #tpu.memory_space<vmem>>[vector<16xi32>, vector<16xi32>], vector<16xf32>,
        %gather3A_374 = tpu.vector_load_idx %arg6[%add3A_153, %add3A_367] : memref<256x200xf32, #tpu.memory_space<vmem>>[vector<16xi32>, vector<16xi32>], vector<16xf32>,
        %gather3A_375 = tpu.vector_load_idx %arg6[%add3A_157, %add3A_367] : memref<256x200xf32, #tpu.memory_space<vmem>>[vector<16xi32>, vector<16xi32>], vector<16xf32>,
        %swap3A_376 = arith.constant 0 : i32
        %swap3A_377 = arith.constant 1 : i32
        %swap3A_378 = arith.index_cast %swap3A_376 : i32 to index
        %swap3A_379 = arith.index_cast %scan3A_298 : i32 to index
        %swap3A_380 = arith.index_cast %swap3A_377 : i32 to index
        %swap3A_381 = arith.constant 0 : index
        %swap3A_382 = tpu.vector_load %arg7[%swap3A_378, %swap3A_379, %swap3A_380, %swap3A_381] {strides = array<i32>} : memref<2x25x8x128xf32, #tpu.memory_space<vmem>>, vector<16xf32>,
        tpu.vector_store %arg7[%swap3A_378, %swap3A_379, %swap3A_380, %swap3A_381], %gather3A_368 {strides = array<i32>} : memref<2x25x8x128xf32, #tpu.memory_space<vmem>>, vector<16xf32>,
        %swap3A_383 = arith.constant 0 : i32
        %swap3A_384 = arith.constant 1 : i32
        %swap3A_385 = arith.index_cast %swap3A_383 : i32 to index
        %swap3A_386 = arith.index_cast %scan3A_298 : i32 to index
        %swap3A_387 = arith.index_cast %swap3A_384 : i32 to index
        %swap3A_388 = arith.constant 16 : index
        %swap3A_389 = tpu.vector_load %arg7[%swap3A_385, %swap3A_386, %swap3A_387, %swap3A_388] {strides = array<i32>} : memref<2x25x8x128xf32, #tpu.memory_space<vmem>>, vector<16xf32>,
        tpu.vector_store %arg7[%swap3A_385, %swap3A_386, %swap3A_387, %swap3A_388], %gather3A_369 {strides = array<i32>} : memref<2x25x8x128xf32, #tpu.memory_space<vmem>>, vector<16xf32>,
        %swap3A_390 = arith.constant 0 : i32
        %swap3A_391 = arith.constant 1 : i32
        %swap3A_392 = arith.index_cast %swap3A_390 : i32 to index
        %swap3A_393 = arith.index_cast %scan3A_298 : i32 to index
        %swap3A_394 = arith.index_cast %swap3A_391 : i32 to index
        %swap3A_395 = arith.constant 32 : index
        %swap3A_396 = tpu.vector_load %arg7[%swap3A_392, %swap3A_393, %swap3A_394, %swap3A_395] {strides = array<i32>} : memref<2x25x8x128xf32, #tpu.memory_space<vmem>>, vector<16xf32>,
        tpu.vector_store %arg7[%swap3A_392, %swap3A_393, %swap3A_394, %swap3A_395], %gather3A_370 {strides = array<i32>} : memref<2x25x8x128xf32, #tpu.memory_space<vmem>>, vector<16xf32>,
        %swap3A_397 = arith.constant 0 : i32
        %swap3A_398 = arith.constant 1 : i32
        %swap3A_399 = arith.index_cast %swap3A_397 : i32 to index
        %swap3A_400 = arith.index_cast %scan3A_298 : i32 to index
        %swap3A_401 = arith.index_cast %swap3A_398 : i32 to index
        %swap3A_402 = arith.constant 48 : index
        %swap3A_403 = tpu.vector_load %arg7[%swap3A_399, %swap3A_400, %swap3A_401, %swap3A_402] {strides = array<i32>} : memref<2x25x8x128xf32, #tpu.memory_space<vmem>>, vector<16xf32>,
        tpu.vector_store %arg7[%swap3A_399, %swap3A_400, %swap3A_401, %swap3A_402], %gather3A_371 {strides = array<i32>} : memref<2x25x8x128xf32, #tpu.memory_space<vmem>>, vector<16xf32>,
        %swap3A_404 = arith.constant 0 : i32
        %swap3A_405 = arith.constant 1 : i32
        %swap3A_406 = arith.index_cast %swap3A_404 : i32 to index
        %swap3A_407 = arith.index_cast %scan3A_298 : i32 to index
        %swap3A_408 = arith.index_cast %swap3A_405 : i32 to index
        %swap3A_409 = arith.constant 64 : index
        %swap3A_410 = tpu.vector_load %arg7[%swap3A_406, %swap3A_407, %swap3A_408, %swap3A_409] {strides = array<i32>} : memref<2x25x8x128xf32, #tpu.memory_space<vmem>>, vector<16xf32>,
        tpu.vector_store %arg7[%swap3A_406, %swap3A_407, %swap3A_408, %swap3A_409], %gather3A_372 {strides = array<i32>} : memref<2x25x8x128xf32, #tpu.memory_space<vmem>>, vector<16xf32>,
        %swap3A_411 = arith.constant 0 : i32
        %swap3A_412 = arith.constant 1 : i32
        %swap3A_413 = arith.index_cast %swap3A_411 : i32 to index
        %swap3A_414 = arith.index_cast %scan3A_298 : i32 to index
        %swap3A_415 = arith.index_cast %swap3A_412 : i32 to index
        %swap3A_416 = arith.constant 80 : index
        %swap3A_417 = tpu.vector_load %arg7[%swap3A_413, %swap3A_414, %swap3A_415, %swap3A_416] {strides = array<i32>} : memref<2x25x8x128xf32, #tpu.memory_space<vmem>>, vector<16xf32>,
        tpu.vector_store %arg7[%swap3A_413, %swap3A_414, %swap3A_415, %swap3A_416], %gather3A_373 {strides = array<i32>} : memref<2x25x8x128xf32, #tpu.memory_space<vmem>>, vector<16xf32>,
        %swap3A_418 = arith.constant 0 : i32
        %swap3A_419 = arith.constant 1 : i32
        %swap3A_420 = arith.index_cast %swap3A_418 : i32 to index
        %swap3A_421 = arith.index_cast %scan3A_298 : i32 to index
        %swap3A_422 = arith.index_cast %swap3A_419 : i32 to index
        %swap3A_423 = arith.constant 96 : index
        %swap3A_424 = tpu.vector_load %arg7[%swap3A_420, %swap3A_421, %swap3A_422, %swap3A_423] {strides = array<i32>} : memref<2x25x8x128xf32, #tpu.memory_space<vmem>>, vector<16xf32>,
        tpu.vector_store %arg7[%swap3A_420, %swap3A_421, %swap3A_422, %swap3A_423], %gather3A_374 {strides = array<i32>} : memref<2x25x8x128xf32, #tpu.memory_space<vmem>>, vector<16xf32>,
        %swap3A_425 = arith.constant 0 : i32
        %swap3A_426 = arith.constant 1 : i32
        %swap3A_427 = arith.index_cast %swap3A_425 : i32 to index
        %swap3A_428 = arith.index_cast %scan3A_298 : i32 to index
        %swap3A_429 = arith.index_cast %swap3A_426 : i32 to index
        %swap3A_430 = arith.constant 112 : index
        %swap3A_431 = tpu.vector_load %arg7[%swap3A_427, %swap3A_428, %swap3A_429, %swap3A_430] {strides = array<i32>} : memref<2x25x8x128xf32, #tpu.memory_space<vmem>>, vector<16xf32>,
        tpu.vector_store %arg7[%swap3A_427, %swap3A_428, %swap3A_429, %swap3A_430], %gather3A_375 {strides = array<i32>} : memref<2x25x8x128xf32, #tpu.memory_space<vmem>>, vector<16xf32>,
        %add3A_432 = arith.constant 2 : i32
        %add3A_433 = vector.broadcast %add3A_432 : i32 to vector<16xi32>
        %add3A_434 = arith.addi %scan3A_299, %add3A_433 : vector<16xi32>
        %gather3A_435 = tpu.vector_load_idx %arg6[%add3A_129, %add3A_434] : memref<256x200xf32, #tpu.memory_space<vmem>>[vector<16xi32>, vector<16xi32>], vector<16xf32>,
        %gather3A_436 = tpu.vector_load_idx %arg6[%add3A_133, %add3A_434] : memref<256x200xf32, #tpu.memory_space<vmem>>[vector<16xi32>, vector<16xi32>], vector<16xf32>,
        %gather3A_437 = tpu.vector_load_idx %arg6[%add3A_137, %add3A_434] : memref<256x200xf32, #tpu.memory_space<vmem>>[vector<16xi32>, vector<16xi32>], vector<16xf32>,
        %gather3A_438 = tpu.vector_load_idx %arg6[%add3A_141, %add3A_434] : memref<256x200xf32, #tpu.memory_space<vmem>>[vector<16xi32>, vector<16xi32>], vector<16xf32>,
        %gather3A_439 = tpu.vector_load_idx %arg6[%add3A_145, %add3A_434] : memref<256x200xf32, #tpu.memory_space<vmem>>[vector<16xi32>, vector<16xi32>], vector<16xf32>,
        %gather3A_440 = tpu.vector_load_idx %arg6[%add3A_149, %add3A_434] : memref<256x200xf32, #tpu.memory_space<vmem>>[vector<16xi32>, vector<16xi32>], vector<16xf32>,
        %gather3A_441 = tpu.vector_load_idx %arg6[%add3A_153, %add3A_434] : memref<256x200xf32, #tpu.memory_space<vmem>>[vector<16xi32>, vector<16xi32>], vector<16xf32>,
        %gather3A_442 = tpu.vector_load_idx %arg6[%add3A_157, %add3A_434] : memref<256x200xf32, #tpu.memory_space<vmem>>[vector<16xi32>, vector<16xi32>], vector<16xf32>,
        %swap3A_443 = arith.constant 0 : i32
        %swap3A_444 = arith.constant 2 : i32
        %swap3A_445 = arith.index_cast %swap3A_443 : i32 to index
        %swap3A_446 = arith.index_cast %scan3A_298 : i32 to index
        %swap3A_447 = arith.index_cast %swap3A_444 : i32 to index
        %swap3A_448 = arith.constant 0 : index
        %swap3A_449 = tpu.vector_load %arg7[%swap3A_445, %swap3A_446, %swap3A_447, %swap3A_448] {strides = array<i32>} : memref<2x25x8x128xf32, #tpu.memory_space<vmem>>, vector<16xf32>,
        tpu.vector_store %arg7[%swap3A_445, %swap3A_446, %swap3A_447, %swap3A_448], %gather3A_435 {strides = array<i32>} : memref<2x25x8x128xf32, #tpu.memory_space<vmem>>, vector<16xf32>,
        %swap3A_450 = arith.constant 0 : i32
        %swap3A_451 = arith.constant 2 : i32
        %swap3A_452 = arith.index_cast %swap3A_450 : i32 to index
        %swap3A_453 = arith.index_cast %scan3A_298 : i32 to index
        %swap3A_454 = arith.index_cast %swap3A_451 : i32 to index
        %swap3A_455 = arith.constant 16 : index
        %swap3A_456 = tpu.vector_load %arg7[%swap3A_452, %swap3A_453, %swap3A_454, %swap3A_455] {strides = array<i32>} : memref<2x25x8x128xf32, #tpu.memory_space<vmem>>, vector<16xf32>,
        tpu.vector_store %arg7[%swap3A_452, %swap3A_453, %swap3A_454, %swap3A_455], %gather3A_436 {strides = array<i32>} : memref<2x25x8x128xf32, #tpu.memory_space<vmem>>, vector<16xf32>,
        %swap3A_457 = arith.constant 0 : i32
        %swap3A_458 = arith.constant 2 : i32
        %swap3A_459 = arith.index_cast %swap3A_457 : i32 to index
        %swap3A_460 = arith.index_cast %scan3A_298 : i32 to index
        %swap3A_461 = arith.index_cast %swap3A_458 : i32 to index
        %swap3A_462 = arith.constant 32 : index
        %swap3A_463 = tpu.vector_load %arg7[%swap3A_459, %swap3A_460, %swap3A_461, %swap3A_462] {strides = array<i32>} : memref<2x25x8x128xf32, #tpu.memory_space<vmem>>, vector<16xf32>,
        tpu.vector_store %arg7[%swap3A_459, %swap3A_460, %swap3A_461, %swap3A_462], %gather3A_437 {strides = array<i32>} : memref<2x25x8x128xf32, #tpu.memory_space<vmem>>, vector<16xf32>,
        %swap3A_464 = arith.constant 0 : i32
        %swap3A_465 = arith.constant 2 : i32
        %swap3A_466 = arith.index_cast %swap3A_464 : i32 to index
        %swap3A_467 = arith.index_cast %scan3A_298 : i32 to index
        %swap3A_468 = arith.index_cast %swap3A_465 : i32 to index
        %swap3A_469 = arith.constant 48 : index
        %swap3A_470 = tpu.vector_load %arg7[%swap3A_466, %swap3A_467, %swap3A_468, %swap3A_469] {strides = array<i32>} : memref<2x25x8x128xf32, #tpu.memory_space<vmem>>, vector<16xf32>,
        tpu.vector_store %arg7[%swap3A_466, %swap3A_467, %swap3A_468, %swap3A_469], %gather3A_438 {strides = array<i32>} : memref<2x25x8x128xf32, #tpu.memory_space<vmem>>, vector<16xf32>,
        %swap3A_471 = arith.constant 0 : i32
        %swap3A_472 = arith.constant 2 : i32
        %swap3A_473 = arith.index_cast %swap3A_471 : i32 to index
        %swap3A_474 = arith.index_cast %scan3A_298 : i32 to index
        %swap3A_475 = arith.index_cast %swap3A_472 : i32 to index
        %swap3A_476 = arith.constant 64 : index
        %swap3A_477 = tpu.vector_load %arg7[%swap3A_473, %swap3A_474, %swap3A_475, %swap3A_476] {strides = array<i32>} : memref<2x25x8x128xf32, #tpu.memory_space<vmem>>, vector<16xf32>,
        tpu.vector_store %arg7[%swap3A_473, %swap3A_474, %swap3A_475, %swap3A_476], %gather3A_439 {strides = array<i32>} : memref<2x25x8x128xf32, #tpu.memory_space<vmem>>, vector<16xf32>,
        %swap3A_478 = arith.constant 0 : i32
        %swap3A_479 = arith.constant 2 : i32
        %swap3A_480 = arith.index_cast %swap3A_478 : i32 to index
        %swap3A_481 = arith.index_cast %scan3A_298 : i32 to index
        %swap3A_482 = arith.index_cast %swap3A_479 : i32 to index
        %swap3A_483 = arith.constant 80 : index
        %swap3A_484 = tpu.vector_load %arg7[%swap3A_480, %swap3A_481, %swap3A_482, %swap3A_483] {strides = array<i32>} : memref<2x25x8x128xf32, #tpu.memory_space<vmem>>, vector<16xf32>,
        tpu.vector_store %arg7[%swap3A_480, %swap3A_481, %swap3A_482, %swap3A_483], %gather3A_440 {strides = array<i32>} : memref<2x25x8x128xf32, #tpu.memory_space<vmem>>, vector<16xf32>,
        %swap3A_485 = arith.constant 0 : i32
        %swap3A_486 = arith.constant 2 : i32
        %swap3A_487 = arith.index_cast %swap3A_485 : i32 to index
        %swap3A_488 = arith.index_cast %scan3A_298 : i32 to index
        %swap3A_489 = arith.index_cast %swap3A_486 : i32 to index
        %swap3A_490 = arith.constant 96 : index
        %swap3A_491 = tpu.vector_load %arg7[%swap3A_487, %swap3A_488, %swap3A_489, %swap3A_490] {strides = array<i32>} : memref<2x25x8x128xf32, #tpu.memory_space<vmem>>, vector<16xf32>,
        tpu.vector_store %arg7[%swap3A_487, %swap3A_488, %swap3A_489, %swap3A_490], %gather3A_441 {strides = array<i32>} : memref<2x25x8x128xf32, #tpu.memory_space<vmem>>, vector<16xf32>,
        %swap3A_492 = arith.constant 0 : i32
        %swap3A_493 = arith.constant 2 : i32
        %swap3A_494 = arith.index_cast %swap3A_492 : i32 to index
        %swap3A_495 = arith.index_cast %scan3A_298 : i32 to index
        %swap3A_496 = arith.index_cast %swap3A_493 : i32 to index
        %swap3A_497 = arith.constant 112 : index
        %swap3A_498 = tpu.vector_load %arg7[%swap3A_494, %swap3A_495, %swap3A_496, %swap3A_497] {strides = array<i32>} : memref<2x25x8x128xf32, #tpu.memory_space<vmem>>, vector<16xf32>,
        tpu.vector_store %arg7[%swap3A_494, %swap3A_495, %swap3A_496, %swap3A_497], %gather3A_442 {strides = array<i32>} : memref<2x25x8x128xf32, #tpu.memory_space<vmem>>, vector<16xf32>,
        %add3A_499 = arith.constant 3 : i32
        %add3A_500 = vector.broadcast %add3A_499 : i32 to vector<16xi32>
        %add3A_501 = arith.addi %scan3A_299, %add3A_500 : vector<16xi32>
        %gather3A_502 = tpu.vector_load_idx %arg6[%add3A_129, %add3A_501] : memref<256x200xf32, #tpu.memory_space<vmem>>[vector<16xi32>, vector<16xi32>], vector<16xf32>,
        %gather3A_503 = tpu.vector_load_idx %arg6[%add3A_133, %add3A_501] : memref<256x200xf32, #tpu.memory_space<vmem>>[vector<16xi32>, vector<16xi32>], vector<16xf32>,
        %gather3A_504 = tpu.vector_load_idx %arg6[%add3A_137, %add3A_501] : memref<256x200xf32, #tpu.memory_space<vmem>>[vector<16xi32>, vector<16xi32>], vector<16xf32>,
        %gather3A_505 = tpu.vector_load_idx %arg6[%add3A_141, %add3A_501] : memref<256x200xf32, #tpu.memory_space<vmem>>[vector<16xi32>, vector<16xi32>], vector<16xf32>,
        %gather3A_506 = tpu.vector_load_idx %arg6[%add3A_145, %add3A_501] : memref<256x200xf32, #tpu.memory_space<vmem>>[vector<16xi32>, vector<16xi32>], vector<16xf32>,
        %gather3A_507 = tpu.vector_load_idx %arg6[%add3A_149, %add3A_501] : memref<256x200xf32, #tpu.memory_space<vmem>>[vector<16xi32>, vector<16xi32>], vector<16xf32>,
        %gather3A_508 = tpu.vector_load_idx %arg6[%add3A_153, %add3A_501] : memref<256x200xf32, #tpu.memory_space<vmem>>[vector<16xi32>, vector<16xi32>], vector<16xf32>,
        %gather3A_509 = tpu.vector_load_idx %arg6[%add3A_157, %add3A_501] : memref<256x200xf32, #tpu.memory_space<vmem>>[vector<16xi32>, vector<16xi32>], vector<16xf32>,
        %swap3A_510 = arith.constant 0 : i32
        %swap3A_511 = arith.constant 3 : i32
        %swap3A_512 = arith.index_cast %swap3A_510 : i32 to index
        %swap3A_513 = arith.index_cast %scan3A_298 : i32 to index
        %swap3A_514 = arith.index_cast %swap3A_511 : i32 to index
        %swap3A_515 = arith.constant 0 : index
        %swap3A_516 = tpu.vector_load %arg7[%swap3A_512, %swap3A_513, %swap3A_514, %swap3A_515] {strides = array<i32>} : memref<2x25x8x128xf32, #tpu.memory_space<vmem>>, vector<16xf32>,
        tpu.vector_store %arg7[%swap3A_512, %swap3A_513, %swap3A_514, %swap3A_515], %gather3A_502 {strides = array<i32>} : memref<2x25x8x128xf32, #tpu.memory_space<vmem>>, vector<16xf32>,
        %swap3A_517 = arith.constant 0 : i32
        %swap3A_518 = arith.constant 3 : i32
        %swap3A_519 = arith.index_cast %swap3A_517 : i32 to index
        %swap3A_520 = arith.index_cast %scan3A_298 : i32 to index
        %swap3A_521 = arith.index_cast %swap3A_518 : i32 to index
        %swap3A_522 = arith.constant 16 : index
        %swap3A_523 = tpu.vector_load %arg7[%swap3A_519, %swap3A_520, %swap3A_521, %swap3A_522] {strides = array<i32>} : memref<2x25x8x128xf32, #tpu.memory_space<vmem>>, vector<16xf32>,
        tpu.vector_store %arg7[%swap3A_519, %swap3A_520, %swap3A_521, %swap3A_522], %gather3A_503 {strides = array<i32>} : memref<2x25x8x128xf32, #tpu.memory_space<vmem>>, vector<16xf32>,
        %swap3A_524 = arith.constant 0 : i32
        %swap3A_525 = arith.constant 3 : i32
        %swap3A_526 = arith.index_cast %swap3A_524 : i32 to index
        %swap3A_527 = arith.index_cast %scan3A_298 : i32 to index
        %swap3A_528 = arith.index_cast %swap3A_525 : i32 to index
        %swap3A_529 = arith.constant 32 : index
        %swap3A_530 = tpu.vector_load %arg7[%swap3A_526, %swap3A_527, %swap3A_528, %swap3A_529] {strides = array<i32>} : memref<2x25x8x128xf32, #tpu.memory_space<vmem>>, vector<16xf32>,
        tpu.vector_store %arg7[%swap3A_526, %swap3A_527, %swap3A_528, %swap3A_529], %gather3A_504 {strides = array<i32>} : memref<2x25x8x128xf32, #tpu.memory_space<vmem>>, vector<16xf32>,
        %swap3A_531 = arith.constant 0 : i32
        %swap3A_532 = arith.constant 3 : i32
        %swap3A_533 = arith.index_cast %swap3A_531 : i32 to index
        %swap3A_534 = arith.index_cast %scan3A_298 : i32 to index
        %swap3A_535 = arith.index_cast %swap3A_532 : i32 to index
        %swap3A_536 = arith.constant 48 : index
        %swap3A_537 = tpu.vector_load %arg7[%swap3A_533, %swap3A_534, %swap3A_535, %swap3A_536] {strides = array<i32>} : memref<2x25x8x128xf32, #tpu.memory_space<vmem>>, vector<16xf32>,
        tpu.vector_store %arg7[%swap3A_533, %swap3A_534, %swap3A_535, %swap3A_536], %gather3A_505 {strides = array<i32>} : memref<2x25x8x128xf32, #tpu.memory_space<vmem>>, vector<16xf32>,
        %swap3A_538 = arith.constant 0 : i32
        %swap3A_539 = arith.constant 3 : i32
        %swap3A_540 = arith.index_cast %swap3A_538 : i32 to index
        %swap3A_541 = arith.index_cast %scan3A_298 : i32 to index
        %swap3A_542 = arith.index_cast %swap3A_539 : i32 to index
        %swap3A_543 = arith.constant 64 : index
        %swap3A_544 = tpu.vector_load %arg7[%swap3A_540, %swap3A_541, %swap3A_542, %swap3A_543] {strides = array<i32>} : memref<2x25x8x128xf32, #tpu.memory_space<vmem>>, vector<16xf32>,
        tpu.vector_store %arg7[%swap3A_540, %swap3A_541, %swap3A_542, %swap3A_543], %gather3A_506 {strides = array<i32>} : memref<2x25x8x128xf32, #tpu.memory_space<vmem>>, vector<16xf32>,
        %swap3A_545 = arith.constant 0 : i32
        %swap3A_546 = arith.constant 3 : i32
        %swap3A_547 = arith.index_cast %swap3A_545 : i32 to index
        %swap3A_548 = arith.index_cast %scan3A_298 : i32 to index
        %swap3A_549 = arith.index_cast %swap3A_546 : i32 to index
        %swap3A_550 = arith.constant 80 : index
        %swap3A_551 = tpu.vector_load %arg7[%swap3A_547, %swap3A_548, %swap3A_549, %swap3A_550] {strides = array<i32>} : memref<2x25x8x128xf32, #tpu.memory_space<vmem>>, vector<16xf32>,
        tpu.vector_store %arg7[%swap3A_547, %swap3A_548, %swap3A_549, %swap3A_550], %gather3A_507 {strides = array<i32>} : memref<2x25x8x128xf32, #tpu.memory_space<vmem>>, vector<16xf32>,
        %swap3A_552 = arith.constant 0 : i32
        %swap3A_553 = arith.constant 3 : i32
        %swap3A_554 = arith.index_cast %swap3A_552 : i32 to index
        %swap3A_555 = arith.index_cast %scan3A_298 : i32 to index
        %swap3A_556 = arith.index_cast %swap3A_553 : i32 to index
        %swap3A_557 = arith.constant 96 : index
        %swap3A_558 = tpu.vector_load %arg7[%swap3A_554, %swap3A_555, %swap3A_556, %swap3A_557] {strides = array<i32>} : memref<2x25x8x128xf32, #tpu.memory_space<vmem>>, vector<16xf32>,
        tpu.vector_store %arg7[%swap3A_554, %swap3A_555, %swap3A_556, %swap3A_557], %gather3A_508 {strides = array<i32>} : memref<2x25x8x128xf32, #tpu.memory_space<vmem>>, vector<16xf32>,
        %swap3A_559 = arith.constant 0 : i32
        %swap3A_560 = arith.constant 3 : i32
        %swap3A_561 = arith.index_cast %swap3A_559 : i32 to index
        %swap3A_562 = arith.index_cast %scan3A_298 : i32 to index
        %swap3A_563 = arith.index_cast %swap3A_560 : i32 to index
        %swap3A_564 = arith.constant 112 : index
        %swap3A_565 = tpu.vector_load %arg7[%swap3A_561, %swap3A_562, %swap3A_563, %swap3A_564] {strides = array<i32>} : memref<2x25x8x128xf32, #tpu.memory_space<vmem>>, vector<16xf32>,
        tpu.vector_store %arg7[%swap3A_561, %swap3A_562, %swap3A_563, %swap3A_564], %gather3A_509 {strides = array<i32>} : memref<2x25x8x128xf32, #tpu.memory_space<vmem>>, vector<16xf32>,
        %add3A_566 = arith.constant 4 : i32
        %add3A_567 = vector.broadcast %add3A_566 : i32 to vector<16xi32>
        %add3A_568 = arith.addi %scan3A_299, %add3A_567 : vector<16xi32>
        %gather3A_569 = tpu.vector_load_idx %arg6[%add3A_129, %add3A_568] : memref<256x200xf32, #tpu.memory_space<vmem>>[vector<16xi32>, vector<16xi32>], vector<16xf32>,
        %gather3A_570 = tpu.vector_load_idx %arg6[%add3A_133, %add3A_568] : memref<256x200xf32, #tpu.memory_space<vmem>>[vector<16xi32>, vector<16xi32>], vector<16xf32>,
        %gather3A_571 = tpu.vector_load_idx %arg6[%add3A_137, %add3A_568] : memref<256x200xf32, #tpu.memory_space<vmem>>[vector<16xi32>, vector<16xi32>], vector<16xf32>,
        %gather3A_572 = tpu.vector_load_idx %arg6[%add3A_141, %add3A_568] : memref<256x200xf32, #tpu.memory_space<vmem>>[vector<16xi32>, vector<16xi32>], vector<16xf32>,
        %gather3A_573 = tpu.vector_load_idx %arg6[%add3A_145, %add3A_568] : memref<256x200xf32, #tpu.memory_space<vmem>>[vector<16xi32>, vector<16xi32>], vector<16xf32>,
        %gather3A_574 = tpu.vector_load_idx %arg6[%add3A_149, %add3A_568] : memref<256x200xf32, #tpu.memory_space<vmem>>[vector<16xi32>, vector<16xi32>], vector<16xf32>,
        %gather3A_575 = tpu.vector_load_idx %arg6[%add3A_153, %add3A_568] : memref<256x200xf32, #tpu.memory_space<vmem>>[vector<16xi32>, vector<16xi32>], vector<16xf32>,
        %gather3A_576 = tpu.vector_load_idx %arg6[%add3A_157, %add3A_568] : memref<256x200xf32, #tpu.memory_space<vmem>>[vector<16xi32>, vector<16xi32>], vector<16xf32>,
        %swap3A_577 = arith.constant 0 : i32
        %swap3A_578 = arith.constant 4 : i32
        %swap3A_579 = arith.index_cast %swap3A_577 : i32 to index
        %swap3A_580 = arith.index_cast %scan3A_298 : i32 to index
        %swap3A_581 = arith.index_cast %swap3A_578 : i32 to index
        %swap3A_582 = arith.constant 0 : index
        %swap3A_583 = tpu.vector_load %arg7[%swap3A_579, %swap3A_580, %swap3A_581, %swap3A_582] {strides = array<i32>} : memref<2x25x8x128xf32, #tpu.memory_space<vmem>>, vector<16xf32>,
        tpu.vector_store %arg7[%swap3A_579, %swap3A_580, %swap3A_581, %swap3A_582], %gather3A_569 {strides = array<i32>} : memref<2x25x8x128xf32, #tpu.memory_space<vmem>>, vector<16xf32>,
        %swap3A_584 = arith.constant 0 : i32
        %swap3A_585 = arith.constant 4 : i32
        %swap3A_586 = arith.index_cast %swap3A_584 : i32 to index
        %swap3A_587 = arith.index_cast %scan3A_298 : i32 to index
        %swap3A_588 = arith.index_cast %swap3A_585 : i32 to index
        %swap3A_589 = arith.constant 16 : index
        %swap3A_590 = tpu.vector_load %arg7[%swap3A_586, %swap3A_587, %swap3A_588, %swap3A_589] {strides = array<i32>} : memref<2x25x8x128xf32, #tpu.memory_space<vmem>>, vector<16xf32>,
        tpu.vector_store %arg7[%swap3A_586, %swap3A_587, %swap3A_588, %swap3A_589], %gather3A_570 {strides = array<i32>} : memref<2x25x8x128xf32, #tpu.memory_space<vmem>>, vector<16xf32>,
        %swap3A_591 = arith.constant 0 : i32
        %swap3A_592 = arith.constant 4 : i32
        %swap3A_593 = arith.index_cast %swap3A_591 : i32 to index
        %swap3A_594 = arith.index_cast %scan3A_298 : i32 to index
        %swap3A_595 = arith.index_cast %swap3A_592 : i32 to index
        %swap3A_596 = arith.constant 32 : index
        %swap3A_597 = tpu.vector_load %arg7[%swap3A_593, %swap3A_594, %swap3A_595, %swap3A_596] {strides = array<i32>} : memref<2x25x8x128xf32, #tpu.memory_space<vmem>>, vector<16xf32>,
        tpu.vector_store %arg7[%swap3A_593, %swap3A_594, %swap3A_595, %swap3A_596], %gather3A_571 {strides = array<i32>} : memref<2x25x8x128xf32, #tpu.memory_space<vmem>>, vector<16xf32>,
        %swap3A_598 = arith.constant 0 : i32
        %swap3A_599 = arith.constant 4 : i32
        %swap3A_600 = arith.index_cast %swap3A_598 : i32 to index
        %swap3A_601 = arith.index_cast %scan3A_298 : i32 to index
        %swap3A_602 = arith.index_cast %swap3A_599 : i32 to index
        %swap3A_603 = arith.constant 48 : index
        %swap3A_604 = tpu.vector_load %arg7[%swap3A_600, %swap3A_601, %swap3A_602, %swap3A_603] {strides = array<i32>} : memref<2x25x8x128xf32, #tpu.memory_space<vmem>>, vector<16xf32>,
        tpu.vector_store %arg7[%swap3A_600, %swap3A_601, %swap3A_602, %swap3A_603], %gather3A_572 {strides = array<i32>} : memref<2x25x8x128xf32, #tpu.memory_space<vmem>>, vector<16xf32>,
        %swap3A_605 = arith.constant 0 : i32
        %swap3A_606 = arith.constant 4 : i32
        %swap3A_607 = arith.index_cast %swap3A_605 : i32 to index
        %swap3A_608 = arith.index_cast %scan3A_298 : i32 to index
        %swap3A_609 = arith.index_cast %swap3A_606 : i32 to index
        %swap3A_610 = arith.constant 64 : index
        %swap3A_611 = tpu.vector_load %arg7[%swap3A_607, %swap3A_608, %swap3A_609, %swap3A_610] {strides = array<i32>} : memref<2x25x8x128xf32, #tpu.memory_space<vmem>>, vector<16xf32>,
        tpu.vector_store %arg7[%swap3A_607, %swap3A_608, %swap3A_609, %swap3A_610], %gather3A_573 {strides = array<i32>} : memref<2x25x8x128xf32, #tpu.memory_space<vmem>>, vector<16xf32>,
        %swap3A_612 = arith.constant 0 : i32
        %swap3A_613 = arith.constant 4 : i32
        %swap3A_614 = arith.index_cast %swap3A_612 : i32 to index
        %swap3A_615 = arith.index_cast %scan3A_298 : i32 to index
        %swap3A_616 = arith.index_cast %swap3A_613 : i32 to index
        %swap3A_617 = arith.constant 80 : index
        %swap3A_618 = tpu.vector_load %arg7[%swap3A_614, %swap3A_615, %swap3A_616, %swap3A_617] {strides = array<i32>} : memref<2x25x8x128xf32, #tpu.memory_space<vmem>>, vector<16xf32>,
        tpu.vector_store %arg7[%swap3A_614, %swap3A_615, %swap3A_616, %swap3A_617], %gather3A_574 {strides = array<i32>} : memref<2x25x8x128xf32, #tpu.memory_space<vmem>>, vector<16xf32>,
        %swap3A_619 = arith.constant 0 : i32
        %swap3A_620 = arith.constant 4 : i32
        %swap3A_621 = arith.index_cast %swap3A_619 : i32 to index
        %swap3A_622 = arith.index_cast %scan3A_298 : i32 to index
        %swap3A_623 = arith.index_cast %swap3A_620 : i32 to index
        %swap3A_624 = arith.constant 96 : index
        %swap3A_625 = tpu.vector_load %arg7[%swap3A_621, %swap3A_622, %swap3A_623, %swap3A_624] {strides = array<i32>} : memref<2x25x8x128xf32, #tpu.memory_space<vmem>>, vector<16xf32>,
        tpu.vector_store %arg7[%swap3A_621, %swap3A_622, %swap3A_623, %swap3A_624], %gather3A_575 {strides = array<i32>} : memref<2x25x8x128xf32, #tpu.memory_space<vmem>>, vector<16xf32>,
        %swap3A_626 = arith.constant 0 : i32
        %swap3A_627 = arith.constant 4 : i32
        %swap3A_628 = arith.index_cast %swap3A_626 : i32 to index
        %swap3A_629 = arith.index_cast %scan3A_298 : i32 to index
        %swap3A_630 = arith.index_cast %swap3A_627 : i32 to index
        %swap3A_631 = arith.constant 112 : index
        %swap3A_632 = tpu.vector_load %arg7[%swap3A_628, %swap3A_629, %swap3A_630, %swap3A_631] {strides = array<i32>} : memref<2x25x8x128xf32, #tpu.memory_space<vmem>>, vector<16xf32>,
        tpu.vector_store %arg7[%swap3A_628, %swap3A_629, %swap3A_630, %swap3A_631], %gather3A_576 {strides = array<i32>} : memref<2x25x8x128xf32, #tpu.memory_space<vmem>>, vector<16xf32>,
        %add3A_633 = arith.constant 5 : i32
        %add3A_634 = vector.broadcast %add3A_633 : i32 to vector<16xi32>
        %add3A_635 = arith.addi %scan3A_299, %add3A_634 : vector<16xi32>
        %gather3A_636 = tpu.vector_load_idx %arg6[%add3A_129, %add3A_635] : memref<256x200xf32, #tpu.memory_space<vmem>>[vector<16xi32>, vector<16xi32>], vector<16xf32>,
        %gather3A_637 = tpu.vector_load_idx %arg6[%add3A_133, %add3A_635] : memref<256x200xf32, #tpu.memory_space<vmem>>[vector<16xi32>, vector<16xi32>], vector<16xf32>,
        %gather3A_638 = tpu.vector_load_idx %arg6[%add3A_137, %add3A_635] : memref<256x200xf32, #tpu.memory_space<vmem>>[vector<16xi32>, vector<16xi32>], vector<16xf32>,
        %gather3A_639 = tpu.vector_load_idx %arg6[%add3A_141, %add3A_635] : memref<256x200xf32, #tpu.memory_space<vmem>>[vector<16xi32>, vector<16xi32>], vector<16xf32>,
        %gather3A_640 = tpu.vector_load_idx %arg6[%add3A_145, %add3A_635] : memref<256x200xf32, #tpu.memory_space<vmem>>[vector<16xi32>, vector<16xi32>], vector<16xf32>,
        %gather3A_641 = tpu.vector_load_idx %arg6[%add3A_149, %add3A_635] : memref<256x200xf32, #tpu.memory_space<vmem>>[vector<16xi32>, vector<16xi32>], vector<16xf32>,
        %gather3A_642 = tpu.vector_load_idx %arg6[%add3A_153, %add3A_635] : memref<256x200xf32, #tpu.memory_space<vmem>>[vector<16xi32>, vector<16xi32>], vector<16xf32>,
        %gather3A_643 = tpu.vector_load_idx %arg6[%add3A_157, %add3A_635] : memref<256x200xf32, #tpu.memory_space<vmem>>[vector<16xi32>, vector<16xi32>], vector<16xf32>,
        %swap3A_644 = arith.constant 0 : i32
        %swap3A_645 = arith.constant 5 : i32
        %swap3A_646 = arith.index_cast %swap3A_644 : i32 to index
        %swap3A_647 = arith.index_cast %scan3A_298 : i32 to index
        %swap3A_648 = arith.index_cast %swap3A_645 : i32 to index
        %swap3A_649 = arith.constant 0 : index
        %swap3A_650 = tpu.vector_load %arg7[%swap3A_646, %swap3A_647, %swap3A_648, %swap3A_649] {strides = array<i32>} : memref<2x25x8x128xf32, #tpu.memory_space<vmem>>, vector<16xf32>,
        tpu.vector_store %arg7[%swap3A_646, %swap3A_647, %swap3A_648, %swap3A_649], %gather3A_636 {strides = array<i32>} : memref<2x25x8x128xf32, #tpu.memory_space<vmem>>, vector<16xf32>,
        %swap3A_651 = arith.constant 0 : i32
        %swap3A_652 = arith.constant 5 : i32
        %swap3A_653 = arith.index_cast %swap3A_651 : i32 to index
        %swap3A_654 = arith.index_cast %scan3A_298 : i32 to index
        %swap3A_655 = arith.index_cast %swap3A_652 : i32 to index
        %swap3A_656 = arith.constant 16 : index
        %swap3A_657 = tpu.vector_load %arg7[%swap3A_653, %swap3A_654, %swap3A_655, %swap3A_656] {strides = array<i32>} : memref<2x25x8x128xf32, #tpu.memory_space<vmem>>, vector<16xf32>,
        tpu.vector_store %arg7[%swap3A_653, %swap3A_654, %swap3A_655, %swap3A_656], %gather3A_637 {strides = array<i32>} : memref<2x25x8x128xf32, #tpu.memory_space<vmem>>, vector<16xf32>,
        %swap3A_658 = arith.constant 0 : i32
        %swap3A_659 = arith.constant 5 : i32
        %swap3A_660 = arith.index_cast %swap3A_658 : i32 to index
        %swap3A_661 = arith.index_cast %scan3A_298 : i32 to index
        %swap3A_662 = arith.index_cast %swap3A_659 : i32 to index
        %swap3A_663 = arith.constant 32 : index
        %swap3A_664 = tpu.vector_load %arg7[%swap3A_660, %swap3A_661, %swap3A_662, %swap3A_663] {strides = array<i32>} : memref<2x25x8x128xf32, #tpu.memory_space<vmem>>, vector<16xf32>,
        tpu.vector_store %arg7[%swap3A_660, %swap3A_661, %swap3A_662, %swap3A_663], %gather3A_638 {strides = array<i32>} : memref<2x25x8x128xf32, #tpu.memory_space<vmem>>, vector<16xf32>,
        %swap3A_665 = arith.constant 0 : i32
        %swap3A_666 = arith.constant 5 : i32
        %swap3A_667 = arith.index_cast %swap3A_665 : i32 to index
        %swap3A_668 = arith.index_cast %scan3A_298 : i32 to index
        %swap3A_669 = arith.index_cast %swap3A_666 : i32 to index
        %swap3A_670 = arith.constant 48 : index
        %swap3A_671 = tpu.vector_load %arg7[%swap3A_667, %swap3A_668, %swap3A_669, %swap3A_670] {strides = array<i32>} : memref<2x25x8x128xf32, #tpu.memory_space<vmem>>, vector<16xf32>,
        tpu.vector_store %arg7[%swap3A_667, %swap3A_668, %swap3A_669, %swap3A_670], %gather3A_639 {strides = array<i32>} : memref<2x25x8x128xf32, #tpu.memory_space<vmem>>, vector<16xf32>,
        %swap3A_672 = arith.constant 0 : i32
        %swap3A_673 = arith.constant 5 : i32
        %swap3A_674 = arith.index_cast %swap3A_672 : i32 to index
        %swap3A_675 = arith.index_cast %scan3A_298 : i32 to index
        %swap3A_676 = arith.index_cast %swap3A_673 : i32 to index
        %swap3A_677 = arith.constant 64 : index
        %swap3A_678 = tpu.vector_load %arg7[%swap3A_674, %swap3A_675, %swap3A_676, %swap3A_677] {strides = array<i32>} : memref<2x25x8x128xf32, #tpu.memory_space<vmem>>, vector<16xf32>,
        tpu.vector_store %arg7[%swap3A_674, %swap3A_675, %swap3A_676, %swap3A_677], %gather3A_640 {strides = array<i32>} : memref<2x25x8x128xf32, #tpu.memory_space<vmem>>, vector<16xf32>,
        %swap3A_679 = arith.constant 0 : i32
        %swap3A_680 = arith.constant 5 : i32
        %swap3A_681 = arith.index_cast %swap3A_679 : i32 to index
        %swap3A_682 = arith.index_cast %scan3A_298 : i32 to index
        %swap3A_683 = arith.index_cast %swap3A_680 : i32 to index
        %swap3A_684 = arith.constant 80 : index
        %swap3A_685 = tpu.vector_load %arg7[%swap3A_681, %swap3A_682, %swap3A_683, %swap3A_684] {strides = array<i32>} : memref<2x25x8x128xf32, #tpu.memory_space<vmem>>, vector<16xf32>,
        tpu.vector_store %arg7[%swap3A_681, %swap3A_682, %swap3A_683, %swap3A_684], %gather3A_641 {strides = array<i32>} : memref<2x25x8x128xf32, #tpu.memory_space<vmem>>, vector<16xf32>,
        %swap3A_686 = arith.constant 0 : i32
        %swap3A_687 = arith.constant 5 : i32
        %swap3A_688 = arith.index_cast %swap3A_686 : i32 to index
        %swap3A_689 = arith.index_cast %scan3A_298 : i32 to index
        %swap3A_690 = arith.index_cast %swap3A_687 : i32 to index
        %swap3A_691 = arith.constant 96 : index
        %swap3A_692 = tpu.vector_load %arg7[%swap3A_688, %swap3A_689, %swap3A_690, %swap3A_691] {strides = array<i32>} : memref<2x25x8x128xf32, #tpu.memory_space<vmem>>, vector<16xf32>,
        tpu.vector_store %arg7[%swap3A_688, %swap3A_689, %swap3A_690, %swap3A_691], %gather3A_642 {strides = array<i32>} : memref<2x25x8x128xf32, #tpu.memory_space<vmem>>, vector<16xf32>,
        %swap3A_693 = arith.constant 0 : i32
        %swap3A_694 = arith.constant 5 : i32
        %swap3A_695 = arith.index_cast %swap3A_693 : i32 to index
        %swap3A_696 = arith.index_cast %scan3A_298 : i32 to index
        %swap3A_697 = arith.index_cast %swap3A_694 : i32 to index
        %swap3A_698 = arith.constant 112 : index
        %swap3A_699 = tpu.vector_load %arg7[%swap3A_695, %swap3A_696, %swap3A_697, %swap3A_698] {strides = array<i32>} : memref<2x25x8x128xf32, #tpu.memory_space<vmem>>, vector<16xf32>,
        tpu.vector_store %arg7[%swap3A_695, %swap3A_696, %swap3A_697, %swap3A_698], %gather3A_643 {strides = array<i32>} : memref<2x25x8x128xf32, #tpu.memory_space<vmem>>, vector<16xf32>,
        %add3A_700 = arith.constant 6 : i32
        %add3A_701 = vector.broadcast %add3A_700 : i32 to vector<16xi32>
        %add3A_702 = arith.addi %scan3A_299, %add3A_701 : vector<16xi32>
        %gather3A_703 = tpu.vector_load_idx %arg6[%add3A_129, %add3A_702] : memref<256x200xf32, #tpu.memory_space<vmem>>[vector<16xi32>, vector<16xi32>], vector<16xf32>,
        %gather3A_704 = tpu.vector_load_idx %arg6[%add3A_133, %add3A_702] : memref<256x200xf32, #tpu.memory_space<vmem>>[vector<16xi32>, vector<16xi32>], vector<16xf32>,
        %gather3A_705 = tpu.vector_load_idx %arg6[%add3A_137, %add3A_702] : memref<256x200xf32, #tpu.memory_space<vmem>>[vector<16xi32>, vector<16xi32>], vector<16xf32>,
        %gather3A_706 = tpu.vector_load_idx %arg6[%add3A_141, %add3A_702] : memref<256x200xf32, #tpu.memory_space<vmem>>[vector<16xi32>, vector<16xi32>], vector<16xf32>,
        %gather3A_707 = tpu.vector_load_idx %arg6[%add3A_145, %add3A_702] : memref<256x200xf32, #tpu.memory_space<vmem>>[vector<16xi32>, vector<16xi32>], vector<16xf32>,
        %gather3A_708 = tpu.vector_load_idx %arg6[%add3A_149, %add3A_702] : memref<256x200xf32, #tpu.memory_space<vmem>>[vector<16xi32>, vector<16xi32>], vector<16xf32>,
        %gather3A_709 = tpu.vector_load_idx %arg6[%add3A_153, %add3A_702] : memref<256x200xf32, #tpu.memory_space<vmem>>[vector<16xi32>, vector<16xi32>], vector<16xf32>,
        %gather3A_710 = tpu.vector_load_idx %arg6[%add3A_157, %add3A_702] : memref<256x200xf32, #tpu.memory_space<vmem>>[vector<16xi32>, vector<16xi32>], vector<16xf32>,
        %swap3A_711 = arith.constant 0 : i32
        %swap3A_712 = arith.constant 6 : i32
        %swap3A_713 = arith.index_cast %swap3A_711 : i32 to index
        %swap3A_714 = arith.index_cast %scan3A_298 : i32 to index
        %swap3A_715 = arith.index_cast %swap3A_712 : i32 to index
        %swap3A_716 = arith.constant 0 : index
        %swap3A_717 = tpu.vector_load %arg7[%swap3A_713, %swap3A_714, %swap3A_715, %swap3A_716] {strides = array<i32>} : memref<2x25x8x128xf32, #tpu.memory_space<vmem>>, vector<16xf32>,
        tpu.vector_store %arg7[%swap3A_713, %swap3A_714, %swap3A_715, %swap3A_716], %gather3A_703 {strides = array<i32>} : memref<2x25x8x128xf32, #tpu.memory_space<vmem>>, vector<16xf32>,
        %swap3A_718 = arith.constant 0 : i32
        %swap3A_719 = arith.constant 6 : i32
        %swap3A_720 = arith.index_cast %swap3A_718 : i32 to index
        %swap3A_721 = arith.index_cast %scan3A_298 : i32 to index
        %swap3A_722 = arith.index_cast %swap3A_719 : i32 to index
        %swap3A_723 = arith.constant 16 : index
        %swap3A_724 = tpu.vector_load %arg7[%swap3A_720, %swap3A_721, %swap3A_722, %swap3A_723] {strides = array<i32>} : memref<2x25x8x128xf32, #tpu.memory_space<vmem>>, vector<16xf32>,
        tpu.vector_store %arg7[%swap3A_720, %swap3A_721, %swap3A_722, %swap3A_723], %gather3A_704 {strides = array<i32>} : memref<2x25x8x128xf32, #tpu.memory_space<vmem>>, vector<16xf32>,
        %swap3A_725 = arith.constant 0 : i32
        %swap3A_726 = arith.constant 6 : i32
        %swap3A_727 = arith.index_cast %swap3A_725 : i32 to index
        %swap3A_728 = arith.index_cast %scan3A_298 : i32 to index
        %swap3A_729 = arith.index_cast %swap3A_726 : i32 to index
        %swap3A_730 = arith.constant 32 : index
        %swap3A_731 = tpu.vector_load %arg7[%swap3A_727, %swap3A_728, %swap3A_729, %swap3A_730] {strides = array<i32>} : memref<2x25x8x128xf32, #tpu.memory_space<vmem>>, vector<16xf32>,
        tpu.vector_store %arg7[%swap3A_727, %swap3A_728, %swap3A_729, %swap3A_730], %gather3A_705 {strides = array<i32>} : memref<2x25x8x128xf32, #tpu.memory_space<vmem>>, vector<16xf32>,
        %swap3A_732 = arith.constant 0 : i32
        %swap3A_733 = arith.constant 6 : i32
        %swap3A_734 = arith.index_cast %swap3A_732 : i32 to index
        %swap3A_735 = arith.index_cast %scan3A_298 : i32 to index
        %swap3A_736 = arith.index_cast %swap3A_733 : i32 to index
        %swap3A_737 = arith.constant 48 : index
        %swap3A_738 = tpu.vector_load %arg7[%swap3A_734, %swap3A_735, %swap3A_736, %swap3A_737] {strides = array<i32>} : memref<2x25x8x128xf32, #tpu.memory_space<vmem>>, vector<16xf32>,
        tpu.vector_store %arg7[%swap3A_734, %swap3A_735, %swap3A_736, %swap3A_737], %gather3A_706 {strides = array<i32>} : memref<2x25x8x128xf32, #tpu.memory_space<vmem>>, vector<16xf32>,
        %swap3A_739 = arith.constant 0 : i32
        %swap3A_740 = arith.constant 6 : i32
        %swap3A_741 = arith.index_cast %swap3A_739 : i32 to index
        %swap3A_742 = arith.index_cast %scan3A_298 : i32 to index
        %swap3A_743 = arith.index_cast %swap3A_740 : i32 to index
        %swap3A_744 = arith.constant 64 : index
        %swap3A_745 = tpu.vector_load %arg7[%swap3A_741, %swap3A_742, %swap3A_743, %swap3A_744] {strides = array<i32>} : memref<2x25x8x128xf32, #tpu.memory_space<vmem>>, vector<16xf32>,
        tpu.vector_store %arg7[%swap3A_741, %swap3A_742, %swap3A_743, %swap3A_744], %gather3A_707 {strides = array<i32>} : memref<2x25x8x128xf32, #tpu.memory_space<vmem>>, vector<16xf32>,
        %swap3A_746 = arith.constant 0 : i32
        %swap3A_747 = arith.constant 6 : i32
        %swap3A_748 = arith.index_cast %swap3A_746 : i32 to index
        %swap3A_749 = arith.index_cast %scan3A_298 : i32 to index
        %swap3A_750 = arith.index_cast %swap3A_747 : i32 to index
        %swap3A_751 = arith.constant 80 : index
        %swap3A_752 = tpu.vector_load %arg7[%swap3A_748, %swap3A_749, %swap3A_750, %swap3A_751] {strides = array<i32>} : memref<2x25x8x128xf32, #tpu.memory_space<vmem>>, vector<16xf32>,
        tpu.vector_store %arg7[%swap3A_748, %swap3A_749, %swap3A_750, %swap3A_751], %gather3A_708 {strides = array<i32>} : memref<2x25x8x128xf32, #tpu.memory_space<vmem>>, vector<16xf32>,
        %swap3A_753 = arith.constant 0 : i32
        %swap3A_754 = arith.constant 6 : i32
        %swap3A_755 = arith.index_cast %swap3A_753 : i32 to index
        %swap3A_756 = arith.index_cast %scan3A_298 : i32 to index
        %swap3A_757 = arith.index_cast %swap3A_754 : i32 to index
        %swap3A_758 = arith.constant 96 : index
        %swap3A_759 = tpu.vector_load %arg7[%swap3A_755, %swap3A_756, %swap3A_757, %swap3A_758] {strides = array<i32>} : memref<2x25x8x128xf32, #tpu.memory_space<vmem>>, vector<16xf32>,
        tpu.vector_store %arg7[%swap3A_755, %swap3A_756, %swap3A_757, %swap3A_758], %gather3A_709 {strides = array<i32>} : memref<2x25x8x128xf32, #tpu.memory_space<vmem>>, vector<16xf32>,
        %swap3A_760 = arith.constant 0 : i32
        %swap3A_761 = arith.constant 6 : i32
        %swap3A_762 = arith.index_cast %swap3A_760 : i32 to index
        %swap3A_763 = arith.index_cast %scan3A_298 : i32 to index
        %swap3A_764 = arith.index_cast %swap3A_761 : i32 to index
        %swap3A_765 = arith.constant 112 : index
        %swap3A_766 = tpu.vector_load %arg7[%swap3A_762, %swap3A_763, %swap3A_764, %swap3A_765] {strides = array<i32>} : memref<2x25x8x128xf32, #tpu.memory_space<vmem>>, vector<16xf32>,
        tpu.vector_store %arg7[%swap3A_762, %swap3A_763, %swap3A_764, %swap3A_765], %gather3A_710 {strides = array<i32>} : memref<2x25x8x128xf32, #tpu.memory_space<vmem>>, vector<16xf32>,
        %add3A_767 = arith.constant 7 : i32
        %add3A_768 = vector.broadcast %add3A_767 : i32 to vector<16xi32>
        %add3A_769 = arith.addi %scan3A_299, %add3A_768 : vector<16xi32>
        %gather3A_770 = tpu.vector_load_idx %arg6[%add3A_129, %add3A_769] : memref<256x200xf32, #tpu.memory_space<vmem>>[vector<16xi32>, vector<16xi32>], vector<16xf32>,
        %gather3A_771 = tpu.vector_load_idx %arg6[%add3A_133, %add3A_769] : memref<256x200xf32, #tpu.memory_space<vmem>>[vector<16xi32>, vector<16xi32>], vector<16xf32>,
        %gather3A_772 = tpu.vector_load_idx %arg6[%add3A_137, %add3A_769] : memref<256x200xf32, #tpu.memory_space<vmem>>[vector<16xi32>, vector<16xi32>], vector<16xf32>,
        %gather3A_773 = tpu.vector_load_idx %arg6[%add3A_141, %add3A_769] : memref<256x200xf32, #tpu.memory_space<vmem>>[vector<16xi32>, vector<16xi32>], vector<16xf32>,
        %gather3A_774 = tpu.vector_load_idx %arg6[%add3A_145, %add3A_769] : memref<256x200xf32, #tpu.memory_space<vmem>>[vector<16xi32>, vector<16xi32>], vector<16xf32>,
        %gather3A_775 = tpu.vector_load_idx %arg6[%add3A_149, %add3A_769] : memref<256x200xf32, #tpu.memory_space<vmem>>[vector<16xi32>, vector<16xi32>], vector<16xf32>,
        %gather3A_776 = tpu.vector_load_idx %arg6[%add3A_153, %add3A_769] : memref<256x200xf32, #tpu.memory_space<vmem>>[vector<16xi32>, vector<16xi32>], vector<16xf32>,
        %gather3A_777 = tpu.vector_load_idx %arg6[%add3A_157, %add3A_769] : memref<256x200xf32, #tpu.memory_space<vmem>>[vector<16xi32>, vector<16xi32>], vector<16xf32>,
        %swap3A_778 = arith.constant 0 : i32
        %swap3A_779 = arith.constant 7 : i32
        %swap3A_780 = arith.index_cast %swap3A_778 : i32 to index
        %swap3A_781 = arith.index_cast %scan3A_298 : i32 to index
        %swap3A_782 = arith.index_cast %swap3A_779 : i32 to index
        %swap3A_783 = arith.constant 0 : index
        %swap3A_784 = tpu.vector_load %arg7[%swap3A_780, %swap3A_781, %swap3A_782, %swap3A_783] {strides = array<i32>} : memref<2x25x8x128xf32, #tpu.memory_space<vmem>>, vector<16xf32>,
        tpu.vector_store %arg7[%swap3A_780, %swap3A_781, %swap3A_782, %swap3A_783], %gather3A_770 {strides = array<i32>} : memref<2x25x8x128xf32, #tpu.memory_space<vmem>>, vector<16xf32>,
        %swap3A_785 = arith.constant 0 : i32
        %swap3A_786 = arith.constant 7 : i32
        %swap3A_787 = arith.index_cast %swap3A_785 : i32 to index
        %swap3A_788 = arith.index_cast %scan3A_298 : i32 to index
        %swap3A_789 = arith.index_cast %swap3A_786 : i32 to index
        %swap3A_790 = arith.constant 16 : index
        %swap3A_791 = tpu.vector_load %arg7[%swap3A_787, %swap3A_788, %swap3A_789, %swap3A_790] {strides = array<i32>} : memref<2x25x8x128xf32, #tpu.memory_space<vmem>>, vector<16xf32>,
        tpu.vector_store %arg7[%swap3A_787, %swap3A_788, %swap3A_789, %swap3A_790], %gather3A_771 {strides = array<i32>} : memref<2x25x8x128xf32, #tpu.memory_space<vmem>>, vector<16xf32>,
        %swap3A_792 = arith.constant 0 : i32
        %swap3A_793 = arith.constant 7 : i32
        %swap3A_794 = arith.index_cast %swap3A_792 : i32 to index
        %swap3A_795 = arith.index_cast %scan3A_298 : i32 to index
        %swap3A_796 = arith.index_cast %swap3A_793 : i32 to index
        %swap3A_797 = arith.constant 32 : index
        %swap3A_798 = tpu.vector_load %arg7[%swap3A_794, %swap3A_795, %swap3A_796, %swap3A_797] {strides = array<i32>} : memref<2x25x8x128xf32, #tpu.memory_space<vmem>>, vector<16xf32>,
        tpu.vector_store %arg7[%swap3A_794, %swap3A_795, %swap3A_796, %swap3A_797], %gather3A_772 {strides = array<i32>} : memref<2x25x8x128xf32, #tpu.memory_space<vmem>>, vector<16xf32>,
        %swap3A_799 = arith.constant 0 : i32
        %swap3A_800 = arith.constant 7 : i32
        %swap3A_801 = arith.index_cast %swap3A_799 : i32 to index
        %swap3A_802 = arith.index_cast %scan3A_298 : i32 to index
        %swap3A_803 = arith.index_cast %swap3A_800 : i32 to index
        %swap3A_804 = arith.constant 48 : index
        %swap3A_805 = tpu.vector_load %arg7[%swap3A_801, %swap3A_802, %swap3A_803, %swap3A_804] {strides = array<i32>} : memref<2x25x8x128xf32, #tpu.memory_space<vmem>>, vector<16xf32>,
        tpu.vector_store %arg7[%swap3A_801, %swap3A_802, %swap3A_803, %swap3A_804], %gather3A_773 {strides = array<i32>} : memref<2x25x8x128xf32, #tpu.memory_space<vmem>>, vector<16xf32>,
        %swap3A_806 = arith.constant 0 : i32
        %swap3A_807 = arith.constant 7 : i32
        %swap3A_808 = arith.index_cast %swap3A_806 : i32 to index
        %swap3A_809 = arith.index_cast %scan3A_298 : i32 to index
        %swap3A_810 = arith.index_cast %swap3A_807 : i32 to index
        %swap3A_811 = arith.constant 64 : index
        %swap3A_812 = tpu.vector_load %arg7[%swap3A_808, %swap3A_809, %swap3A_810, %swap3A_811] {strides = array<i32>} : memref<2x25x8x128xf32, #tpu.memory_space<vmem>>, vector<16xf32>,
        tpu.vector_store %arg7[%swap3A_808, %swap3A_809, %swap3A_810, %swap3A_811], %gather3A_774 {strides = array<i32>} : memref<2x25x8x128xf32, #tpu.memory_space<vmem>>, vector<16xf32>,
        %swap3A_813 = arith.constant 0 : i32
        %swap3A_814 = arith.constant 7 : i32
        %swap3A_815 = arith.index_cast %swap3A_813 : i32 to index
        %swap3A_816 = arith.index_cast %scan3A_298 : i32 to index
        %swap3A_817 = arith.index_cast %swap3A_814 : i32 to index
        %swap3A_818 = arith.constant 80 : index
        %swap3A_819 = tpu.vector_load %arg7[%swap3A_815, %swap3A_816, %swap3A_817, %swap3A_818] {strides = array<i32>} : memref<2x25x8x128xf32, #tpu.memory_space<vmem>>, vector<16xf32>,
        tpu.vector_store %arg7[%swap3A_815, %swap3A_816, %swap3A_817, %swap3A_818], %gather3A_775 {strides = array<i32>} : memref<2x25x8x128xf32, #tpu.memory_space<vmem>>, vector<16xf32>,
        %swap3A_820 = arith.constant 0 : i32
        %swap3A_821 = arith.constant 7 : i32
        %swap3A_822 = arith.index_cast %swap3A_820 : i32 to index
        %swap3A_823 = arith.index_cast %scan3A_298 : i32 to index
        %swap3A_824 = arith.index_cast %swap3A_821 : i32 to index
        %swap3A_825 = arith.constant 96 : index
        %swap3A_826 = tpu.vector_load %arg7[%swap3A_822, %swap3A_823, %swap3A_824, %swap3A_825] {strides = array<i32>} : memref<2x25x8x128xf32, #tpu.memory_space<vmem>>, vector<16xf32>,
        tpu.vector_store %arg7[%swap3A_822, %swap3A_823, %swap3A_824, %swap3A_825], %gather3A_776 {strides = array<i32>} : memref<2x25x8x128xf32, #tpu.memory_space<vmem>>, vector<16xf32>,
        %swap3A_827 = arith.constant 0 : i32
        %swap3A_828 = arith.constant 7 : i32
        %swap3A_829 = arith.index_cast %swap3A_827 : i32 to index
        %swap3A_830 = arith.index_cast %scan3A_298 : i32 to index
        %swap3A_831 = arith.index_cast %swap3A_828 : i32 to index
        %swap3A_832 = arith.constant 112 : index
        %swap3A_833 = tpu.vector_load %arg7[%swap3A_829, %swap3A_830, %swap3A_831, %swap3A_832] {strides = array<i32>} : memref<2x25x8x128xf32, #tpu.memory_space<vmem>>, vector<16xf32>,
        tpu.vector_store %arg7[%swap3A_829, %swap3A_830, %swap3A_831, %swap3A_832], %gather3A_777 {strides = array<i32>} : memref<2x25x8x128xf32, #tpu.memory_space<vmem>>, vector<16xf32>,
        %add3A_834 = arith.constant 8 : i32
        %add3A_835 = vector.broadcast %add3A_834 : i32 to vector<16xi32>
        %add3A_836 = arith.addi %scan3A_299, %add3A_835 : vector<16xi32>
        scf.yield %add3A_836 : vector<16xi32>
      }
      %scan3A_164 = arith.constant 25 : i32
      %rem3A_165 = arith.constant 5 : i32
      %rem3A_166 = arith.remsi %add3A_79, %rem3A_165 : i32
      %div3A_167 = arith.constant 5 : i32
      %div3A_168 = arith.divsi %add3A_79, %div3A_167 : i32
      %div3A_169 = arith.constant 8 : i32
      %div3A_170 = arith.divsi %div3A_168, %div3A_169 : i32
      %rem3A_171 = arith.constant 8 : i32
      %rem3A_172 = arith.remsi %div3A_168, %rem3A_171 : i32
      %mul3A_173 = arith.constant 25 : i32
      %mul3A_174 = arith.muli %rem3A_166, %mul3A_173 : i32
      %dma_start3A_175 = arith.constant 0 : i32
      %dma_start3A_176 = arith.constant 0 : i32
      %dma_start3A_177 = arith.constant 0 : i32
      %dma_start3A_178 = arith.constant 0 : i32
      %dma_start3A_179 = tpu.memref_slice %arg7[%dma_start3A_175, %dma_start3A_176, %dma_start3A_177, %dma_start3A_178] : memref<2x25x8x128xf32, #tpu.memory_space<vmem>> -> memref<1x25x8x128xf32, #tpu.memory_space<vmem>>
      %dma_start3A_180 = tpu.memref_squeeze %dma_start3A_179 : memref<1x25x8x128xf32, #tpu.memory_space<vmem>> -> memref<25x8x128xf32, #tpu.memory_space<vmem>>
      %dma_start3A_181 = arith.constant 0 : i32
      %dma_start3A_182 = arith.constant 0 : i32
      %dma_start3A_183 = tpu.memref_slice %arg4[%div3A_170, %mul3A_174, %rem3A_172, %dma_start3A_181, %dma_start3A_182] : memref<50x125x8x8x128xf32, #tpu.memory_space<hbm>> -> memref<1x25x1x8x128xf32, #tpu.memory_space<hbm>>
      %dma_start3A_184 = tpu.memref_squeeze %dma_start3A_183 : memref<1x25x1x8x128xf32, #tpu.memory_space<hbm>> -> memref<25x8x128xf32, #tpu.memory_space<hbm>>
      %dma_start3A_185 = arith.constant 0 : i32
      %dma_start3A_186 = arith.constant 0 : i32
      %dma_start3A_187 = tpu.memref_slice %arg4[%div3A_170, %mul3A_174, %rem3A_172, %dma_start3A_185, %dma_start3A_186] : memref<50x125x8x8x128xf32, #tpu.memory_space<hbm>> -> memref<1x25x1x8x128xf32, #tpu.memory_space<hbm>>
      %dma_start3A_188 = tpu.memref_squeeze %dma_start3A_187 : memref<1x25x1x8x128xf32, #tpu.memory_space<hbm>> -> memref<25x8x128xf32, #tpu.memory_space<hbm>>
      %dma_start3A_189 = arith.constant 0 : i32
      %dma_start3A_190 = arith.constant 0 : i32
      %dma_start3A_191 = arith.constant 0 : i32
      %dma_start3A_192 = tpu.memref_slice %arg7[%dma_start3A_175, %dma_start3A_189, %dma_start3A_190, %dma_start3A_191] : memref<2x25x8x128xf32, #tpu.memory_space<vmem>> -> memref<1x25x8x128xf32, #tpu.memory_space<vmem>>
      %dma_start3A_193 = tpu.memref_squeeze %dma_start3A_192 : memref<1x25x8x128xf32, #tpu.memory_space<vmem>> -> memref<25x8x128xf32, #tpu.memory_space<vmem>>
      tpu.enqueue_dma source(%dma_start3A_193 : memref<25x8x128xf32, #tpu.memory_space<vmem>>) target(%dma_start3A_188 : memref<25x8x128xf32, #tpu.memory_space<hbm>>) target_semaphore(%arg10 : memref<!tpu.dma_semaphore, #tpu.memory_space<semaphore_mem>>)
      %add3A_194 = arith.constant 1 : i32
      %add3A_195 = arith.addi %mul3A_76, %add3A_194 : i32
      %mul3A_196 = arith.constant 32 : i32
      %mul3A_197 = arith.muli %mul3A_196, %add3A_195 : i32
      %add3A_198 = arith.addi %add3A, %mul3A_197 : i32
      %add3A_199 = arith.constant 1 : i32
      %add3A_200 = arith.addi %add3A_195, %add3A_199 : i32
      %mul3A_201 = arith.constant 32 : i32
      %mul3A_202 = arith.muli %mul3A_201, %add3A_200 : i32
      %add3A_203 = arith.addi %add3A, %mul3A_202 : i32
      %lt3A_204 = arith.constant 2000 : i32
      %lt3A_205 = arith.cmpi slt, %add3A_203, %lt3A_204 : i32
      %convert_element_type3A_206 = arith.extui %lt3A_205 : i1 to i32
      %cond3A_207 = arith.constant 0 : i32
      %cond3A_208 = arith.cmpi ne, %convert_element_type3A_206, %cond3A_207 : i32
      scf.if %cond3A_208 {
        %rem3A_298 = arith.constant 5 : i32
        %rem3A_299 = arith.remsi %add3A_203, %rem3A_298 : i32
        %div3A_300 = arith.constant 5 : i32
        %div3A_301 = arith.divsi %add3A_203, %div3A_300 : i32
        %div3A_302 = arith.constant 8 : i32
        %div3A_303 = arith.divsi %div3A_301, %div3A_302 : i32
        %rem3A_304 = arith.constant 8 : i32
        %rem3A_305 = arith.remsi %div3A_301, %rem3A_304 : i32
        %run_scoped3A_306 = arith.constant 0 : i32
        "tpu.region"() ({
          %run_scoped3A_321 = tpu.sem_alloc : memref<!tpu.dma_semaphore, #tpu.memory_space<semaphore_mem>>
          %dma_start3A_322 = arith.constant 0 : i32
          %dma_start3A_323 = tpu.memref_slice %arg5[%run_scoped3A_306, %dma_start3A_322] : memref<2x128xi32, #tpu.memory_space<vmem>> -> memref<1x128xi32, #tpu.memory_space<vmem>>
          %dma_start3A_324 = tpu.memref_squeeze %dma_start3A_323 : memref<1x128xi32, #tpu.memory_space<vmem>> -> memref<128xi32, #tpu.memory_space<vmem>>
          %dma_start3A_325 = arith.constant 0 : i32
          %dma_start3A_326 = tpu.memref_slice %arg3[%div3A_303, %rem3A_305, %dma_start3A_325] : memref<50x8x128xi32, #tpu.memory_space<hbm>> -> memref<1x1x128xi32, #tpu.memory_space<hbm>>
          %dma_start3A_327 = tpu.memref_squeeze %dma_start3A_326 : memref<1x1x128xi32, #tpu.memory_space<hbm>> -> memref<128xi32, #tpu.memory_space<hbm>>
          %dma_start3A_328 = arith.constant 0 : i32
          %dma_start3A_329 = tpu.memref_slice %arg5[%run_scoped3A_306, %dma_start3A_328] : memref<2x128xi32, #tpu.memory_space<vmem>> -> memref<1x128xi32, #tpu.memory_space<vmem>>
          %dma_start3A_330 = tpu.memref_squeeze %dma_start3A_329 : memref<1x128xi32, #tpu.memory_space<vmem>> -> memref<128xi32, #tpu.memory_space<vmem>>
          %dma_start3A_331 = arith.constant 0 : i32
          %dma_start3A_332 = tpu.memref_slice %arg3[%div3A_303, %rem3A_305, %dma_start3A_331] : memref<50x8x128xi32, #tpu.memory_space<hbm>> -> memref<1x1x128xi32, #tpu.memory_space<hbm>>
          %dma_start3A_333 = tpu.memref_squeeze %dma_start3A_332 : memref<1x1x128xi32, #tpu.memory_space<hbm>> -> memref<128xi32, #tpu.memory_space<hbm>>
          tpu.enqueue_dma source(%dma_start3A_333 : memref<128xi32, #tpu.memory_space<hbm>>) target(%dma_start3A_330 : memref<128xi32, #tpu.memory_space<vmem>>) target_semaphore(%run_scoped3A_321 : memref<!tpu.dma_semaphore, #tpu.memory_space<semaphore_mem>>)
          %dma_wait3A_334 = arith.constant 0 : i32
          %dma_wait3A_335 = tpu.memref_slice %arg5[%run_scoped3A_306, %dma_wait3A_334] : memref<2x128xi32, #tpu.memory_space<vmem>> -> memref<1x128xi32, #tpu.memory_space<vmem>>
          %dma_wait3A_336 = tpu.memref_squeeze %dma_wait3A_335 : memref<1x128xi32, #tpu.memory_space<vmem>> -> memref<128xi32, #tpu.memory_space<vmem>>
          %dma_wait3A_337 = arith.constant 0 : i32
          %dma_wait3A_338 = tpu.memref_slice %arg3[%div3A_303, %rem3A_305, %dma_wait3A_337] : memref<50x8x128xi32, #tpu.memory_space<hbm>> -> memref<1x1x128xi32, #tpu.memory_space<hbm>>
          %dma_wait3A_339 = tpu.memref_squeeze %dma_wait3A_338 : memref<1x1x128xi32, #tpu.memory_space<hbm>> -> memref<128xi32, #tpu.memory_space<hbm>>
          %dma_wait3A_340 = arith.constant 0 : i32
          %dma_wait3A_341 = tpu.memref_slice %arg5[%run_scoped3A_306, %dma_wait3A_340] : memref<2x128xi32, #tpu.memory_space<vmem>> -> memref<1x128xi32, #tpu.memory_space<vmem>>
          %dma_wait3A_342 = tpu.memref_squeeze %dma_wait3A_341 : memref<1x128xi32, #tpu.memory_space<vmem>> -> memref<128xi32, #tpu.memory_space<vmem>>
          %dma_wait3A_343 = arith.constant 0 : i32
          %dma_wait3A_344 = tpu.memref_slice %arg3[%div3A_303, %rem3A_305, %dma_wait3A_343] : memref<50x8x128xi32, #tpu.memory_space<hbm>> -> memref<1x1x128xi32, #tpu.memory_space<hbm>>
          %dma_wait3A_345 = tpu.memref_squeeze %dma_wait3A_344 : memref<1x1x128xi32, #tpu.memory_space<hbm>> -> memref<128xi32, #tpu.memory_space<hbm>>
          tpu.wait_dma2 semaphore(%run_scoped3A_321 : memref<!tpu.dma_semaphore, #tpu.memory_space<semaphore_mem>>) src(%dma_wait3A_345 : memref<128xi32, #tpu.memory_space<hbm>>) dst(%dma_wait3A_342 : memref<128xi32, #tpu.memory_space<vmem>>)
          tpu.yield
        }) : () -> ()
        %dma_start3A_307 = arith.constant 0 : i32
        %dma_start3A_308 = arith.constant 0 : i32
        %dma_start3A_309 = arith.constant 0 : i32
        %dma_start3A_310 = tpu.memref_slice %arg6[%dma_start3A_308, %dma_start3A_309] : memref<256x200xf32, #tpu.memory_space<vmem>> -> memref<128x200xf32, #tpu.memory_space<vmem>>
        %dma_start3A_311 = arith.constant 0 : i32
        %dma_start3A_312 = tpu.memref_slice %arg5[%dma_start3A_307, %dma_start3A_311] : memref<2x128xi32, #tpu.memory_space<vmem>> -> memref<1x128xi32, #tpu.memory_space<vmem>>
        %dma_start3A_313 = tpu.memref_squeeze %dma_start3A_312 : memref<1x128xi32, #tpu.memory_space<vmem>> -> memref<128xi32, #tpu.memory_space<vmem>>
        %dma_start3A_314 = arith.constant 0 : i32
        %dma_start3A_315 = arith.constant 0 : i32
        %dma_start3A_316 = tpu.memref_slice %arg2[%rem3A_299, %dma_start3A_314, %dma_start3A_315] : memref<5x1000x200xf32, #tpu.memory_space<hbm>> -> memref<1x1000x200xf32, #tpu.memory_space<hbm>>
        %dma_start3A_317 = tpu.memref_squeeze %dma_start3A_316 : memref<1x1000x200xf32, #tpu.memory_space<hbm>> -> memref<1000x200xf32, #tpu.memory_space<hbm>>
        %dma_start3A_318 = arith.constant 0 : i32
        %dma_start3A_319 = arith.constant 0 : i32
        %dma_start3A_320 = tpu.memref_slice %dma_start3A_317[%dma_start3A_318, %dma_start3A_319] : memref<1000x200xf32, #tpu.memory_space<hbm>> -> memref<1000x200xf32, #tpu.memory_space<hbm>>
        tpu.enqueue_indirect_dma source(%dma_start3A_320 : memref<1000x200xf32, #tpu.memory_space<hbm>>) target(%dma_start3A_310 : memref<128x200xf32, #tpu.memory_space<vmem>>) offsets(%dma_start3A_313 : memref<128xi32, #tpu.memory_space<vmem>>) semaphore(%arg8 : memref<!tpu.dma_semaphore, #tpu.memory_space<semaphore_mem>>)
      } else {
      }
      %dma_wait3A_209 = arith.constant 0 : i32
      %dma_wait3A_210 = arith.constant 128 : i32
      %dma_wait3A_211 = arith.constant 0 : i32
      %dma_wait3A_212 = tpu.memref_slice %arg6[%dma_wait3A_210, %dma_wait3A_211] : memref<256x200xf32, #tpu.memory_space<vmem>> -> memref<128x200xf32, #tpu.memory_space<vmem>>
      %dma_wait3A_213 = arith.constant 0 : i32
      %dma_wait3A_214 = arith.constant 0 : i32
      %dma_wait3A_215 = tpu.memref_slice %arg2[%dma_wait3A_209, %dma_wait3A_213, %dma_wait3A_214] : memref<5x1000x200xf32, #tpu.memory_space<hbm>> -> memref<1x128x200xf32, #tpu.memory_space<hbm>>
      %dma_wait3A_216 = tpu.memref_squeeze %dma_wait3A_215 : memref<1x128x200xf32, #tpu.memory_space<hbm>> -> memref<128x200xf32, #tpu.memory_space<hbm>>
      %dma_wait3A_217 = arith.constant 128 : i32
      %dma_wait3A_218 = arith.constant 0 : i32
      %dma_wait3A_219 = tpu.memref_slice %arg6[%dma_wait3A_217, %dma_wait3A_218] : memref<256x200xf32, #tpu.memory_space<vmem>> -> memref<128x200xf32, #tpu.memory_space<vmem>>
      %dma_wait3A_220 = arith.constant 0 : i32
      %dma_wait3A_221 = arith.constant 0 : i32
      %dma_wait3A_222 = tpu.memref_slice %arg2[%dma_wait3A_209, %dma_wait3A_220, %dma_wait3A_221] : memref<5x1000x200xf32, #tpu.memory_space<hbm>> -> memref<1x128x200xf32, #tpu.memory_space<hbm>>
      %dma_wait3A_223 = tpu.memref_squeeze %dma_wait3A_222 : memref<1x128x200xf32, #tpu.memory_space<hbm>> -> memref<128x200xf32, #tpu.memory_space<hbm>>
      tpu.wait_dma2 semaphore(%arg9 : memref<!tpu.dma_semaphore, #tpu.memory_space<semaphore_mem>>) src(%dma_wait3A_223 : memref<128x200xf32, #tpu.memory_space<hbm>>) dst(%dma_wait3A_219 : memref<128x200xf32, #tpu.memory_space<vmem>>)
      %ge3A_224 = arith.constant 2 : i32
      %ge3A_225 = arith.cmpi sge, %add3A_195, %ge3A_224 : i32
      %convert_element_type3A_226 = arith.extui %ge3A_225 : i1 to i32
      %cond3A_227 = arith.constant 0 : i32
      %cond3A_228 = arith.cmpi ne, %convert_element_type3A_226, %cond3A_227 : i32
      scf.if %cond3A_228 {
        %dma_wait3A_298 = arith.constant 1 : i32
        %dma_wait3A_299 = arith.constant 0 : i32
        %dma_wait3A_300 = arith.constant 0 : i32
        %dma_wait3A_301 = arith.constant 0 : i32
        %dma_wait3A_302 = arith.constant 0 : i32
        %dma_wait3A_303 = arith.constant 0 : i32
        %dma_wait3A_304 = tpu.memref_slice %arg7[%dma_wait3A_298, %dma_wait3A_301, %dma_wait3A_302, %dma_wait3A_303] : memref<2x25x8x128xf32, #tpu.memory_space<vmem>> -> memref<1x25x8x128xf32, #tpu.memory_space<vmem>>
        %dma_wait3A_305 = tpu.memref_squeeze %dma_wait3A_304 : memref<1x25x8x128xf32, #tpu.memory_space<vmem>> -> memref<25x8x128xf32, #tpu.memory_space<vmem>>
        %dma_wait3A_306 = arith.constant 0 : i32
        %dma_wait3A_307 = arith.constant 0 : i32
        %dma_wait3A_308 = arith.constant 0 : i32
        %dma_wait3A_309 = tpu.memref_slice %arg4[%dma_wait3A_299, %dma_wait3A_306, %dma_wait3A_300, %dma_wait3A_307, %dma_wait3A_308] : memref<50x125x8x8x128xf32, #tpu.memory_space<hbm>> -> memref<1x25x1x8x128xf32, #tpu.memory_space<hbm>>
        %dma_wait3A_310 = tpu.memref_squeeze %dma_wait3A_309 : memref<1x25x1x8x128xf32, #tpu.memory_space<hbm>> -> memref<25x8x128xf32, #tpu.memory_space<hbm>>
        %dma_wait3A_311 = arith.constant 0 : i32
        %dma_wait3A_312 = arith.constant 0 : i32
        %dma_wait3A_313 = arith.constant 0 : i32
        %dma_wait3A_314 = tpu.memref_slice %arg4[%dma_wait3A_299, %dma_wait3A_311, %dma_wait3A_300, %dma_wait3A_312, %dma_wait3A_313] : memref<50x125x8x8x128xf32, #tpu.memory_space<hbm>> -> memref<1x25x1x8x128xf32, #tpu.memory_space<hbm>>
        %dma_wait3A_315 = tpu.memref_squeeze %dma_wait3A_314 : memref<1x25x1x8x128xf32, #tpu.memory_space<hbm>> -> memref<25x8x128xf32, #tpu.memory_space<hbm>>
        %dma_wait3A_316 = arith.constant 0 : i32
        %dma_wait3A_317 = arith.constant 0 : i32
        %dma_wait3A_318 = arith.constant 0 : i32
        %dma_wait3A_319 = tpu.memref_slice %arg7[%dma_wait3A_298, %dma_wait3A_316, %dma_wait3A_317, %dma_wait3A_318] : memref<2x25x8x128xf32, #tpu.memory_space<vmem>> -> memref<1x25x8x128xf32, #tpu.memory_space<vmem>>
        %dma_wait3A_320 = tpu.memref_squeeze %dma_wait3A_319 : memref<1x25x8x128xf32, #tpu.memory_space<vmem>> -> memref<25x8x128xf32, #tpu.memory_space<vmem>>
        tpu.wait_dma2 semaphore(%arg11 : memref<!tpu.dma_semaphore, #tpu.memory_space<semaphore_mem>>) src(%dma_wait3A_320 : memref<25x8x128xf32, #tpu.memory_space<vmem>>) dst(%dma_wait3A_315 : memref<25x8x128xf32, #tpu.memory_space<hbm>>)
      } else {
      }
      %iota3A_229 = tpu.iota {dimensions = array<i32: 0>} : vector<16xi32>
      %add3A_230 = arith.constant 128 : i32
      %add3A_231 = vector.broadcast %add3A_230 : i32 to vector<16xi32>
      %add3A_232 = arith.addi %iota3A_229, %add3A_231 : vector<16xi32>
      %iota3A_233 = tpu.iota {dimensions = array<i32: 0>} : vector<16xi32>
      %add3A_234 = arith.constant 144 : i32
      %add3A_235 = vector.broadcast %add3A_234 : i32 to vector<16xi32>
      %add3A_236 = arith.addi %iota3A_233, %add3A_235 : vector<16xi32>
      %iota3A_237 = tpu.iota {dimensions = array<i32: 0>} : vector<16xi32>
      %add3A_238 = arith.constant 160 : i32
      %add3A_239 = vector.broadcast %add3A_238 : i32 to vector<16xi32>
      %add3A_240 = arith.addi %iota3A_237, %add3A_239 : vector<16xi32>
      %iota3A_241 = tpu.iota {dimensions = array<i32: 0>} : vector<16xi32>
      %add3A_242 = arith.constant 176 : i32
      %add3A_243 = vector.broadcast %add3A_242 : i32 to vector<16xi32>
      %add3A_244 = arith.addi %iota3A_241, %add3A_243 : vector<16xi32>
      %iota3A_245 = tpu.iota {dimensions = array<i32: 0>} : vector<16xi32>
      %add3A_246 = arith.constant 192 : i32
      %add3A_247 = vector.broadcast %add3A_246 : i32 to vector<16xi32>
      %add3A_248 = arith.addi %iota3A_245, %add3A_247 : vector<16xi32>
      %iota3A_249 = tpu.iota {dimensions = array<i32: 0>} : vector<16xi32>
      %add3A_250 = arith.constant 208 : i32
      %add3A_251 = vector.broadcast %add3A_250 : i32 to vector<16xi32>
      %add3A_252 = arith.addi %iota3A_249, %add3A_251 : vector<16xi32>
      %iota3A_253 = tpu.iota {dimensions = array<i32: 0>} : vector<16xi32>
      %add3A_254 = arith.constant 224 : i32
      %add3A_255 = vector.broadcast %add3A_254 : i32 to vector<16xi32>
      %add3A_256 = arith.addi %iota3A_253, %add3A_255 : vector<16xi32>
      %iota3A_257 = tpu.iota {dimensions = array<i32: 0>} : vector<16xi32>
      %add3A_258 = arith.constant 240 : i32
      %add3A_259 = vector.broadcast %add3A_258 : i32 to vector<16xi32>
      %add3A_260 = arith.addi %iota3A_257, %add3A_259 : vector<16xi32>
      %broadcast_in_dim3A_261 = arith.constant 0 : i32
      %broadcast_in_dim3A_262 = vector.broadcast %broadcast_in_dim3A_261 : i32 to vector<16xi32>
      %scan3A_263 = arith.constant 0 : i32
      %scan3A_264 = arith.constant 25 : i32
      %scan3A_265 = arith.addi %scan3A_263, %scan3A_264 : i32
      %scan3A_266 = arith.constant 1 : i32
      %scan3A_267 = scf.for %scan3A_298 = %scan3A_263 to %scan3A_265 step %scan3A_266 iter_args(%scan3A_299 = %broadcast_in_dim3A_262) -> (vector<16xi32>)  : i32 {
        %add3A_300 = arith.constant 0 : i32
        %add3A_301 = vector.broadcast %add3A_300 : i32 to vector<16xi32>
        %add3A_302 = arith.addi %scan3A_299, %add3A_301 : vector<16xi32>
        %gather3A = tpu.vector_load_idx %arg6[%add3A_232, %add3A_302] : memref<256x200xf32, #tpu.memory_space<vmem>>[vector<16xi32>, vector<16xi32>], vector<16xf32>,
        %gather3A_303 = tpu.vector_load_idx %arg6[%add3A_236, %add3A_302] : memref<256x200xf32, #tpu.memory_space<vmem>>[vector<16xi32>, vector<16xi32>], vector<16xf32>,
        %gather3A_304 = tpu.vector_load_idx %arg6[%add3A_240, %add3A_302] : memref<256x200xf32, #tpu.memory_space<vmem>>[vector<16xi32>, vector<16xi32>], vector<16xf32>,
        %gather3A_305 = tpu.vector_load_idx %arg6[%add3A_244, %add3A_302] : memref<256x200xf32, #tpu.memory_space<vmem>>[vector<16xi32>, vector<16xi32>], vector<16xf32>,
        %gather3A_306 = tpu.vector_load_idx %arg6[%add3A_248, %add3A_302] : memref<256x200xf32, #tpu.memory_space<vmem>>[vector<16xi32>, vector<16xi32>], vector<16xf32>,
        %gather3A_307 = tpu.vector_load_idx %arg6[%add3A_252, %add3A_302] : memref<256x200xf32, #tpu.memory_space<vmem>>[vector<16xi32>, vector<16xi32>], vector<16xf32>,
        %gather3A_308 = tpu.vector_load_idx %arg6[%add3A_256, %add3A_302] : memref<256x200xf32, #tpu.memory_space<vmem>>[vector<16xi32>, vector<16xi32>], vector<16xf32>,
        %gather3A_309 = tpu.vector_load_idx %arg6[%add3A_260, %add3A_302] : memref<256x200xf32, #tpu.memory_space<vmem>>[vector<16xi32>, vector<16xi32>], vector<16xf32>,
        %swap3A = arith.constant 1 : i32
        %swap3A_310 = arith.constant 0 : i32
        %swap3A_311 = arith.index_cast %swap3A : i32 to index
        %swap3A_312 = arith.index_cast %scan3A_298 : i32 to index
        %swap3A_313 = arith.index_cast %swap3A_310 : i32 to index
        %swap3A_314 = arith.constant 0 : index
        %swap3A_315 = tpu.vector_load %arg7[%swap3A_311, %swap3A_312, %swap3A_313, %swap3A_314] {strides = array<i32>} : memref<2x25x8x128xf32, #tpu.memory_space<vmem>>, vector<16xf32>,
        tpu.vector_store %arg7[%swap3A_311, %swap3A_312, %swap3A_313, %swap3A_314], %gather3A {strides = array<i32>} : memref<2x25x8x128xf32, #tpu.memory_space<vmem>>, vector<16xf32>,
        %swap3A_316 = arith.constant 1 : i32
        %swap3A_317 = arith.constant 0 : i32
        %swap3A_318 = arith.index_cast %swap3A_316 : i32 to index
        %swap3A_319 = arith.index_cast %scan3A_298 : i32 to index
        %swap3A_320 = arith.index_cast %swap3A_317 : i32 to index
        %swap3A_321 = arith.constant 16 : index
        %swap3A_322 = tpu.vector_load %arg7[%swap3A_318, %swap3A_319, %swap3A_320, %swap3A_321] {strides = array<i32>} : memref<2x25x8x128xf32, #tpu.memory_space<vmem>>, vector<16xf32>,
        tpu.vector_store %arg7[%swap3A_318, %swap3A_319, %swap3A_320, %swap3A_321], %gather3A_303 {strides = array<i32>} : memref<2x25x8x128xf32, #tpu.memory_space<vmem>>, vector<16xf32>,
        %swap3A_323 = arith.constant 1 : i32
        %swap3A_324 = arith.constant 0 : i32
        %swap3A_325 = arith.index_cast %swap3A_323 : i32 to index
        %swap3A_326 = arith.index_cast %scan3A_298 : i32 to index
        %swap3A_327 = arith.index_cast %swap3A_324 : i32 to index
        %swap3A_328 = arith.constant 32 : index
        %swap3A_329 = tpu.vector_load %arg7[%swap3A_325, %swap3A_326, %swap3A_327, %swap3A_328] {strides = array<i32>} : memref<2x25x8x128xf32, #tpu.memory_space<vmem>>, vector<16xf32>,
        tpu.vector_store %arg7[%swap3A_325, %swap3A_326, %swap3A_327, %swap3A_328], %gather3A_304 {strides = array<i32>} : memref<2x25x8x128xf32, #tpu.memory_space<vmem>>, vector<16xf32>,
        %swap3A_330 = arith.constant 1 : i32
        %swap3A_331 = arith.constant 0 : i32
        %swap3A_332 = arith.index_cast %swap3A_330 : i32 to index
        %swap3A_333 = arith.index_cast %scan3A_298 : i32 to index
        %swap3A_334 = arith.index_cast %swap3A_331 : i32 to index
        %swap3A_335 = arith.constant 48 : index
        %swap3A_336 = tpu.vector_load %arg7[%swap3A_332, %swap3A_333, %swap3A_334, %swap3A_335] {strides = array<i32>} : memref<2x25x8x128xf32, #tpu.memory_space<vmem>>, vector<16xf32>,
        tpu.vector_store %arg7[%swap3A_332, %swap3A_333, %swap3A_334, %swap3A_335], %gather3A_305 {strides = array<i32>} : memref<2x25x8x128xf32, #tpu.memory_space<vmem>>, vector<16xf32>,
        %swap3A_337 = arith.constant 1 : i32
        %swap3A_338 = arith.constant 0 : i32
        %swap3A_339 = arith.index_cast %swap3A_337 : i32 to index
        %swap3A_340 = arith.index_cast %scan3A_298 : i32 to index
        %swap3A_341 = arith.index_cast %swap3A_338 : i32 to index
        %swap3A_342 = arith.constant 64 : index
        %swap3A_343 = tpu.vector_load %arg7[%swap3A_339, %swap3A_340, %swap3A_341, %swap3A_342] {strides = array<i32>} : memref<2x25x8x128xf32, #tpu.memory_space<vmem>>, vector<16xf32>,
        tpu.vector_store %arg7[%swap3A_339, %swap3A_340, %swap3A_341, %swap3A_342], %gather3A_306 {strides = array<i32>} : memref<2x25x8x128xf32, #tpu.memory_space<vmem>>, vector<16xf32>,
        %swap3A_344 = arith.constant 1 : i32
        %swap3A_345 = arith.constant 0 : i32
        %swap3A_346 = arith.index_cast %swap3A_344 : i32 to index
        %swap3A_347 = arith.index_cast %scan3A_298 : i32 to index
        %swap3A_348 = arith.index_cast %swap3A_345 : i32 to index
        %swap3A_349 = arith.constant 80 : index
        %swap3A_350 = tpu.vector_load %arg7[%swap3A_346, %swap3A_347, %swap3A_348, %swap3A_349] {strides = array<i32>} : memref<2x25x8x128xf32, #tpu.memory_space<vmem>>, vector<16xf32>,
        tpu.vector_store %arg7[%swap3A_346, %swap3A_347, %swap3A_348, %swap3A_349], %gather3A_307 {strides = array<i32>} : memref<2x25x8x128xf32, #tpu.memory_space<vmem>>, vector<16xf32>,
        %swap3A_351 = arith.constant 1 : i32
        %swap3A_352 = arith.constant 0 : i32
        %swap3A_353 = arith.index_cast %swap3A_351 : i32 to index
        %swap3A_354 = arith.index_cast %scan3A_298 : i32 to index
        %swap3A_355 = arith.index_cast %swap3A_352 : i32 to index
        %swap3A_356 = arith.constant 96 : index
        %swap3A_357 = tpu.vector_load %arg7[%swap3A_353, %swap3A_354, %swap3A_355, %swap3A_356] {strides = array<i32>} : memref<2x25x8x128xf32, #tpu.memory_space<vmem>>, vector<16xf32>,
        tpu.vector_store %arg7[%swap3A_353, %swap3A_354, %swap3A_355, %swap3A_356], %gather3A_308 {strides = array<i32>} : memref<2x25x8x128xf32, #tpu.memory_space<vmem>>, vector<16xf32>,
        %swap3A_358 = arith.constant 1 : i32
        %swap3A_359 = arith.constant 0 : i32
        %swap3A_360 = arith.index_cast %swap3A_358 : i32 to index
        %swap3A_361 = arith.index_cast %scan3A_298 : i32 to index
        %swap3A_362 = arith.index_cast %swap3A_359 : i32 to index
        %swap3A_363 = arith.constant 112 : index
        %swap3A_364 = tpu.vector_load %arg7[%swap3A_360, %swap3A_361, %swap3A_362, %swap3A_363] {strides = array<i32>} : memref<2x25x8x128xf32, #tpu.memory_space<vmem>>, vector<16xf32>,
        tpu.vector_store %arg7[%swap3A_360, %swap3A_361, %swap3A_362, %swap3A_363], %gather3A_309 {strides = array<i32>} : memref<2x25x8x128xf32, #tpu.memory_space<vmem>>, vector<16xf32>,
        %add3A_365 = arith.constant 1 : i32
        %add3A_366 = vector.broadcast %add3A_365 : i32 to vector<16xi32>
        %add3A_367 = arith.addi %scan3A_299, %add3A_366 : vector<16xi32>
        %gather3A_368 = tpu.vector_load_idx %arg6[%add3A_232, %add3A_367] : memref<256x200xf32, #tpu.memory_space<vmem>>[vector<16xi32>, vector<16xi32>], vector<16xf32>,
        %gather3A_369 = tpu.vector_load_idx %arg6[%add3A_236, %add3A_367] : memref<256x200xf32, #tpu.memory_space<vmem>>[vector<16xi32>, vector<16xi32>], vector<16xf32>,
        %gather3A_370 = tpu.vector_load_idx %arg6[%add3A_240, %add3A_367] : memref<256x200xf32, #tpu.memory_space<vmem>>[vector<16xi32>, vector<16xi32>], vector<16xf32>,
        %gather3A_371 = tpu.vector_load_idx %arg6[%add3A_244, %add3A_367] : memref<256x200xf32, #tpu.memory_space<vmem>>[vector<16xi32>, vector<16xi32>], vector<16xf32>,
        %gather3A_372 = tpu.vector_load_idx %arg6[%add3A_248, %add3A_367] : memref<256x200xf32, #tpu.memory_space<vmem>>[vector<16xi32>, vector<16xi32>], vector<16xf32>,
        %gather3A_373 = tpu.vector_load_idx %arg6[%add3A_252, %add3A_367] : memref<256x200xf32, #tpu.memory_space<vmem>>[vector<16xi32>, vector<16xi32>], vector<16xf32>,
        %gather3A_374 = tpu.vector_load_idx %arg6[%add3A_256, %add3A_367] : memref<256x200xf32, #tpu.memory_space<vmem>>[vector<16xi32>, vector<16xi32>], vector<16xf32>,
        %gather3A_375 = tpu.vector_load_idx %arg6[%add3A_260, %add3A_367] : memref<256x200xf32, #tpu.memory_space<vmem>>[vector<16xi32>, vector<16xi32>], vector<16xf32>,
        %swap3A_376 = arith.constant 1 : i32
        %swap3A_377 = arith.constant 1 : i32
        %swap3A_378 = arith.index_cast %swap3A_376 : i32 to index
        %swap3A_379 = arith.index_cast %scan3A_298 : i32 to index
        %swap3A_380 = arith.index_cast %swap3A_377 : i32 to index
        %swap3A_381 = arith.constant 0 : index
        %swap3A_382 = tpu.vector_load %arg7[%swap3A_378, %swap3A_379, %swap3A_380, %swap3A_381] {strides = array<i32>} : memref<2x25x8x128xf32, #tpu.memory_space<vmem>>, vector<16xf32>,
        tpu.vector_store %arg7[%swap3A_378, %swap3A_379, %swap3A_380, %swap3A_381], %gather3A_368 {strides = array<i32>} : memref<2x25x8x128xf32, #tpu.memory_space<vmem>>, vector<16xf32>,
        %swap3A_383 = arith.constant 1 : i32
        %swap3A_384 = arith.constant 1 : i32
        %swap3A_385 = arith.index_cast %swap3A_383 : i32 to index
        %swap3A_386 = arith.index_cast %scan3A_298 : i32 to index
        %swap3A_387 = arith.index_cast %swap3A_384 : i32 to index
        %swap3A_388 = arith.constant 16 : index
        %swap3A_389 = tpu.vector_load %arg7[%swap3A_385, %swap3A_386, %swap3A_387, %swap3A_388] {strides = array<i32>} : memref<2x25x8x128xf32, #tpu.memory_space<vmem>>, vector<16xf32>,
        tpu.vector_store %arg7[%swap3A_385, %swap3A_386, %swap3A_387, %swap3A_388], %gather3A_369 {strides = array<i32>} : memref<2x25x8x128xf32, #tpu.memory_space<vmem>>, vector<16xf32>,
        %swap3A_390 = arith.constant 1 : i32
        %swap3A_391 = arith.constant 1 : i32
        %swap3A_392 = arith.index_cast %swap3A_390 : i32 to index
        %swap3A_393 = arith.index_cast %scan3A_298 : i32 to index
        %swap3A_394 = arith.index_cast %swap3A_391 : i32 to index
        %swap3A_395 = arith.constant 32 : index
        %swap3A_396 = tpu.vector_load %arg7[%swap3A_392, %swap3A_393, %swap3A_394, %swap3A_395] {strides = array<i32>} : memref<2x25x8x128xf32, #tpu.memory_space<vmem>>, vector<16xf32>,
        tpu.vector_store %arg7[%swap3A_392, %swap3A_393, %swap3A_394, %swap3A_395], %gather3A_370 {strides = array<i32>} : memref<2x25x8x128xf32, #tpu.memory_space<vmem>>, vector<16xf32>,
        %swap3A_397 = arith.constant 1 : i32
        %swap3A_398 = arith.constant 1 : i32
        %swap3A_399 = arith.index_cast %swap3A_397 : i32 to index
        %swap3A_400 = arith.index_cast %scan3A_298 : i32 to index
        %swap3A_401 = arith.index_cast %swap3A_398 : i32 to index
        %swap3A_402 = arith.constant 48 : index
        %swap3A_403 = tpu.vector_load %arg7[%swap3A_399, %swap3A_400, %swap3A_401, %swap3A_402] {strides = array<i32>} : memref<2x25x8x128xf32, #tpu.memory_space<vmem>>, vector<16xf32>,
        tpu.vector_store %arg7[%swap3A_399, %swap3A_400, %swap3A_401, %swap3A_402], %gather3A_371 {strides = array<i32>} : memref<2x25x8x128xf32, #tpu.memory_space<vmem>>, vector<16xf32>,
        %swap3A_404 = arith.constant 1 : i32
        %swap3A_405 = arith.constant 1 : i32
        %swap3A_406 = arith.index_cast %swap3A_404 : i32 to index
        %swap3A_407 = arith.index_cast %scan3A_298 : i32 to index
        %swap3A_408 = arith.index_cast %swap3A_405 : i32 to index
        %swap3A_409 = arith.constant 64 : index
        %swap3A_410 = tpu.vector_load %arg7[%swap3A_406, %swap3A_407, %swap3A_408, %swap3A_409] {strides = array<i32>} : memref<2x25x8x128xf32, #tpu.memory_space<vmem>>, vector<16xf32>,
        tpu.vector_store %arg7[%swap3A_406, %swap3A_407, %swap3A_408, %swap3A_409], %gather3A_372 {strides = array<i32>} : memref<2x25x8x128xf32, #tpu.memory_space<vmem>>, vector<16xf32>,
        %swap3A_411 = arith.constant 1 : i32
        %swap3A_412 = arith.constant 1 : i32
        %swap3A_413 = arith.index_cast %swap3A_411 : i32 to index
        %swap3A_414 = arith.index_cast %scan3A_298 : i32 to index
        %swap3A_415 = arith.index_cast %swap3A_412 : i32 to index
        %swap3A_416 = arith.constant 80 : index
        %swap3A_417 = tpu.vector_load %arg7[%swap3A_413, %swap3A_414, %swap3A_415, %swap3A_416] {strides = array<i32>} : memref<2x25x8x128xf32, #tpu.memory_space<vmem>>, vector<16xf32>,
        tpu.vector_store %arg7[%swap3A_413, %swap3A_414, %swap3A_415, %swap3A_416], %gather3A_373 {strides = array<i32>} : memref<2x25x8x128xf32, #tpu.memory_space<vmem>>, vector<16xf32>,
        %swap3A_418 = arith.constant 1 : i32
        %swap3A_419 = arith.constant 1 : i32
        %swap3A_420 = arith.index_cast %swap3A_418 : i32 to index
        %swap3A_421 = arith.index_cast %scan3A_298 : i32 to index
        %swap3A_422 = arith.index_cast %swap3A_419 : i32 to index
        %swap3A_423 = arith.constant 96 : index
        %swap3A_424 = tpu.vector_load %arg7[%swap3A_420, %swap3A_421, %swap3A_422, %swap3A_423] {strides = array<i32>} : memref<2x25x8x128xf32, #tpu.memory_space<vmem>>, vector<16xf32>,
        tpu.vector_store %arg7[%swap3A_420, %swap3A_421, %swap3A_422, %swap3A_423], %gather3A_374 {strides = array<i32>} : memref<2x25x8x128xf32, #tpu.memory_space<vmem>>, vector<16xf32>,
        %swap3A_425 = arith.constant 1 : i32
        %swap3A_426 = arith.constant 1 : i32
        %swap3A_427 = arith.index_cast %swap3A_425 : i32 to index
        %swap3A_428 = arith.index_cast %scan3A_298 : i32 to index
        %swap3A_429 = arith.index_cast %swap3A_426 : i32 to index
        %swap3A_430 = arith.constant 112 : index
        %swap3A_431 = tpu.vector_load %arg7[%swap3A_427, %swap3A_428, %swap3A_429, %swap3A_430] {strides = array<i32>} : memref<2x25x8x128xf32, #tpu.memory_space<vmem>>, vector<16xf32>,
        tpu.vector_store %arg7[%swap3A_427, %swap3A_428, %swap3A_429, %swap3A_430], %gather3A_375 {strides = array<i32>} : memref<2x25x8x128xf32, #tpu.memory_space<vmem>>, vector<16xf32>,
        %add3A_432 = arith.constant 2 : i32
        %add3A_433 = vector.broadcast %add3A_432 : i32 to vector<16xi32>
        %add3A_434 = arith.addi %scan3A_299, %add3A_433 : vector<16xi32>
        %gather3A_435 = tpu.vector_load_idx %arg6[%add3A_232, %add3A_434] : memref<256x200xf32, #tpu.memory_space<vmem>>[vector<16xi32>, vector<16xi32>], vector<16xf32>,
        %gather3A_436 = tpu.vector_load_idx %arg6[%add3A_236, %add3A_434] : memref<256x200xf32, #tpu.memory_space<vmem>>[vector<16xi32>, vector<16xi32>], vector<16xf32>,
        %gather3A_437 = tpu.vector_load_idx %arg6[%add3A_240, %add3A_434] : memref<256x200xf32, #tpu.memory_space<vmem>>[vector<16xi32>, vector<16xi32>], vector<16xf32>,
        %gather3A_438 = tpu.vector_load_idx %arg6[%add3A_244, %add3A_434] : memref<256x200xf32, #tpu.memory_space<vmem>>[vector<16xi32>, vector<16xi32>], vector<16xf32>,
        %gather3A_439 = tpu.vector_load_idx %arg6[%add3A_248, %add3A_434] : memref<256x200xf32, #tpu.memory_space<vmem>>[vector<16xi32>, vector<16xi32>], vector<16xf32>,
        %gather3A_440 = tpu.vector_load_idx %arg6[%add3A_252, %add3A_434] : memref<256x200xf32, #tpu.memory_space<vmem>>[vector<16xi32>, vector<16xi32>], vector<16xf32>,
        %gather3A_441 = tpu.vector_load_idx %arg6[%add3A_256, %add3A_434] : memref<256x200xf32, #tpu.memory_space<vmem>>[vector<16xi32>, vector<16xi32>], vector<16xf32>,
        %gather3A_442 = tpu.vector_load_idx %arg6[%add3A_260, %add3A_434] : memref<256x200xf32, #tpu.memory_space<vmem>>[vector<16xi32>, vector<16xi32>], vector<16xf32>,
        %swap3A_443 = arith.constant 1 : i32
        %swap3A_444 = arith.constant 2 : i32
        %swap3A_445 = arith.index_cast %swap3A_443 : i32 to index
        %swap3A_446 = arith.index_cast %scan3A_298 : i32 to index
        %swap3A_447 = arith.index_cast %swap3A_444 : i32 to index
        %swap3A_448 = arith.constant 0 : index
        %swap3A_449 = tpu.vector_load %arg7[%swap3A_445, %swap3A_446, %swap3A_447, %swap3A_448] {strides = array<i32>} : memref<2x25x8x128xf32, #tpu.memory_space<vmem>>, vector<16xf32>,
        tpu.vector_store %arg7[%swap3A_445, %swap3A_446, %swap3A_447, %swap3A_448], %gather3A_435 {strides = array<i32>} : memref<2x25x8x128xf32, #tpu.memory_space<vmem>>, vector<16xf32>,
        %swap3A_450 = arith.constant 1 : i32
        %swap3A_451 = arith.constant 2 : i32
        %swap3A_452 = arith.index_cast %swap3A_450 : i32 to index
        %swap3A_453 = arith.index_cast %scan3A_298 : i32 to index
        %swap3A_454 = arith.index_cast %swap3A_451 : i32 to index
        %swap3A_455 = arith.constant 16 : index
        %swap3A_456 = tpu.vector_load %arg7[%swap3A_452, %swap3A_453, %swap3A_454, %swap3A_455] {strides = array<i32>} : memref<2x25x8x128xf32, #tpu.memory_space<vmem>>, vector<16xf32>,
        tpu.vector_store %arg7[%swap3A_452, %swap3A_453, %swap3A_454, %swap3A_455], %gather3A_436 {strides = array<i32>} : memref<2x25x8x128xf32, #tpu.memory_space<vmem>>, vector<16xf32>,
        %swap3A_457 = arith.constant 1 : i32
        %swap3A_458 = arith.constant 2 : i32
        %swap3A_459 = arith.index_cast %swap3A_457 : i32 to index
        %swap3A_460 = arith.index_cast %scan3A_298 : i32 to index
        %swap3A_461 = arith.index_cast %swap3A_458 : i32 to index
        %swap3A_462 = arith.constant 32 : index
        %swap3A_463 = tpu.vector_load %arg7[%swap3A_459, %swap3A_460, %swap3A_461, %swap3A_462] {strides = array<i32>} : memref<2x25x8x128xf32, #tpu.memory_space<vmem>>, vector<16xf32>,
        tpu.vector_store %arg7[%swap3A_459, %swap3A_460, %swap3A_461, %swap3A_462], %gather3A_437 {strides = array<i32>} : memref<2x25x8x128xf32, #tpu.memory_space<vmem>>, vector<16xf32>,
        %swap3A_464 = arith.constant 1 : i32
        %swap3A_465 = arith.constant 2 : i32
        %swap3A_466 = arith.index_cast %swap3A_464 : i32 to index
        %swap3A_467 = arith.index_cast %scan3A_298 : i32 to index
        %swap3A_468 = arith.index_cast %swap3A_465 : i32 to index
        %swap3A_469 = arith.constant 48 : index
        %swap3A_470 = tpu.vector_load %arg7[%swap3A_466, %swap3A_467, %swap3A_468, %swap3A_469] {strides = array<i32>} : memref<2x25x8x128xf32, #tpu.memory_space<vmem>>, vector<16xf32>,
        tpu.vector_store %arg7[%swap3A_466, %swap3A_467, %swap3A_468, %swap3A_469], %gather3A_438 {strides = array<i32>} : memref<2x25x8x128xf32, #tpu.memory_space<vmem>>, vector<16xf32>,
        %swap3A_471 = arith.constant 1 : i32
        %swap3A_472 = arith.constant 2 : i32
        %swap3A_473 = arith.index_cast %swap3A_471 : i32 to index
        %swap3A_474 = arith.index_cast %scan3A_298 : i32 to index
        %swap3A_475 = arith.index_cast %swap3A_472 : i32 to index
        %swap3A_476 = arith.constant 64 : index
        %swap3A_477 = tpu.vector_load %arg7[%swap3A_473, %swap3A_474, %swap3A_475, %swap3A_476] {strides = array<i32>} : memref<2x25x8x128xf32, #tpu.memory_space<vmem>>, vector<16xf32>,
        tpu.vector_store %arg7[%swap3A_473, %swap3A_474, %swap3A_475, %swap3A_476], %gather3A_439 {strides = array<i32>} : memref<2x25x8x128xf32, #tpu.memory_space<vmem>>, vector<16xf32>,
        %swap3A_478 = arith.constant 1 : i32
        %swap3A_479 = arith.constant 2 : i32
        %swap3A_480 = arith.index_cast %swap3A_478 : i32 to index
        %swap3A_481 = arith.index_cast %scan3A_298 : i32 to index
        %swap3A_482 = arith.index_cast %swap3A_479 : i32 to index
        %swap3A_483 = arith.constant 80 : index
        %swap3A_484 = tpu.vector_load %arg7[%swap3A_480, %swap3A_481, %swap3A_482, %swap3A_483] {strides = array<i32>} : memref<2x25x8x128xf32, #tpu.memory_space<vmem>>, vector<16xf32>,
        tpu.vector_store %arg7[%swap3A_480, %swap3A_481, %swap3A_482, %swap3A_483], %gather3A_440 {strides = array<i32>} : memref<2x25x8x128xf32, #tpu.memory_space<vmem>>, vector<16xf32>,
        %swap3A_485 = arith.constant 1 : i32
        %swap3A_486 = arith.constant 2 : i32
        %swap3A_487 = arith.index_cast %swap3A_485 : i32 to index
        %swap3A_488 = arith.index_cast %scan3A_298 : i32 to index
        %swap3A_489 = arith.index_cast %swap3A_486 : i32 to index
        %swap3A_490 = arith.constant 96 : index
        %swap3A_491 = tpu.vector_load %arg7[%swap3A_487, %swap3A_488, %swap3A_489, %swap3A_490] {strides = array<i32>} : memref<2x25x8x128xf32, #tpu.memory_space<vmem>>, vector<16xf32>,
        tpu.vector_store %arg7[%swap3A_487, %swap3A_488, %swap3A_489, %swap3A_490], %gather3A_441 {strides = array<i32>} : memref<2x25x8x128xf32, #tpu.memory_space<vmem>>, vector<16xf32>,
        %swap3A_492 = arith.constant 1 : i32
        %swap3A_493 = arith.constant 2 : i32
        %swap3A_494 = arith.index_cast %swap3A_492 : i32 to index
        %swap3A_495 = arith.index_cast %scan3A_298 : i32 to index
        %swap3A_496 = arith.index_cast %swap3A_493 : i32 to index
        %swap3A_497 = arith.constant 112 : index
        %swap3A_498 = tpu.vector_load %arg7[%swap3A_494, %swap3A_495, %swap3A_496, %swap3A_497] {strides = array<i32>} : memref<2x25x8x128xf32, #tpu.memory_space<vmem>>, vector<16xf32>,
        tpu.vector_store %arg7[%swap3A_494, %swap3A_495, %swap3A_496, %swap3A_497], %gather3A_442 {strides = array<i32>} : memref<2x25x8x128xf32, #tpu.memory_space<vmem>>, vector<16xf32>,
        %add3A_499 = arith.constant 3 : i32
        %add3A_500 = vector.broadcast %add3A_499 : i32 to vector<16xi32>
        %add3A_501 = arith.addi %scan3A_299, %add3A_500 : vector<16xi32>
        %gather3A_502 = tpu.vector_load_idx %arg6[%add3A_232, %add3A_501] : memref<256x200xf32, #tpu.memory_space<vmem>>[vector<16xi32>, vector<16xi32>], vector<16xf32>,
        %gather3A_503 = tpu.vector_load_idx %arg6[%add3A_236, %add3A_501] : memref<256x200xf32, #tpu.memory_space<vmem>>[vector<16xi32>, vector<16xi32>], vector<16xf32>,
        %gather3A_504 = tpu.vector_load_idx %arg6[%add3A_240, %add3A_501] : memref<256x200xf32, #tpu.memory_space<vmem>>[vector<16xi32>, vector<16xi32>], vector<16xf32>,
        %gather3A_505 = tpu.vector_load_idx %arg6[%add3A_244, %add3A_501] : memref<256x200xf32, #tpu.memory_space<vmem>>[vector<16xi32>, vector<16xi32>], vector<16xf32>,
        %gather3A_506 = tpu.vector_load_idx %arg6[%add3A_248, %add3A_501] : memref<256x200xf32, #tpu.memory_space<vmem>>[vector<16xi32>, vector<16xi32>], vector<16xf32>,
        %gather3A_507 = tpu.vector_load_idx %arg6[%add3A_252, %add3A_501] : memref<256x200xf32, #tpu.memory_space<vmem>>[vector<16xi32>, vector<16xi32>], vector<16xf32>,
        %gather3A_508 = tpu.vector_load_idx %arg6[%add3A_256, %add3A_501] : memref<256x200xf32, #tpu.memory_space<vmem>>[vector<16xi32>, vector<16xi32>], vector<16xf32>,
        %gather3A_509 = tpu.vector_load_idx %arg6[%add3A_260, %add3A_501] : memref<256x200xf32, #tpu.memory_space<vmem>>[vector<16xi32>, vector<16xi32>], vector<16xf32>,
        %swap3A_510 = arith.constant 1 : i32
        %swap3A_511 = arith.constant 3 : i32
        %swap3A_512 = arith.index_cast %swap3A_510 : i32 to index
        %swap3A_513 = arith.index_cast %scan3A_298 : i32 to index
        %swap3A_514 = arith.index_cast %swap3A_511 : i32 to index
        %swap3A_515 = arith.constant 0 : index
        %swap3A_516 = tpu.vector_load %arg7[%swap3A_512, %swap3A_513, %swap3A_514, %swap3A_515] {strides = array<i32>} : memref<2x25x8x128xf32, #tpu.memory_space<vmem>>, vector<16xf32>,
        tpu.vector_store %arg7[%swap3A_512, %swap3A_513, %swap3A_514, %swap3A_515], %gather3A_502 {strides = array<i32>} : memref<2x25x8x128xf32, #tpu.memory_space<vmem>>, vector<16xf32>,
        %swap3A_517 = arith.constant 1 : i32
        %swap3A_518 = arith.constant 3 : i32
        %swap3A_519 = arith.index_cast %swap3A_517 : i32 to index
        %swap3A_520 = arith.index_cast %scan3A_298 : i32 to index
        %swap3A_521 = arith.index_cast %swap3A_518 : i32 to index
        %swap3A_522 = arith.constant 16 : index
        %swap3A_523 = tpu.vector_load %arg7[%swap3A_519, %swap3A_520, %swap3A_521, %swap3A_522] {strides = array<i32>} : memref<2x25x8x128xf32, #tpu.memory_space<vmem>>, vector<16xf32>,
        tpu.vector_store %arg7[%swap3A_519, %swap3A_520, %swap3A_521, %swap3A_522], %gather3A_503 {strides = array<i32>} : memref<2x25x8x128xf32, #tpu.memory_space<vmem>>, vector<16xf32>,
        %swap3A_524 = arith.constant 1 : i32
        %swap3A_525 = arith.constant 3 : i32
        %swap3A_526 = arith.index_cast %swap3A_524 : i32 to index
        %swap3A_527 = arith.index_cast %scan3A_298 : i32 to index
        %swap3A_528 = arith.index_cast %swap3A_525 : i32 to index
        %swap3A_529 = arith.constant 32 : index
        %swap3A_530 = tpu.vector_load %arg7[%swap3A_526, %swap3A_527, %swap3A_528, %swap3A_529] {strides = array<i32>} : memref<2x25x8x128xf32, #tpu.memory_space<vmem>>, vector<16xf32>,
        tpu.vector_store %arg7[%swap3A_526, %swap3A_527, %swap3A_528, %swap3A_529], %gather3A_504 {strides = array<i32>} : memref<2x25x8x128xf32, #tpu.memory_space<vmem>>, vector<16xf32>,
        %swap3A_531 = arith.constant 1 : i32
        %swap3A_532 = arith.constant 3 : i32
        %swap3A_533 = arith.index_cast %swap3A_531 : i32 to index
        %swap3A_534 = arith.index_cast %scan3A_298 : i32 to index
        %swap3A_535 = arith.index_cast %swap3A_532 : i32 to index
        %swap3A_536 = arith.constant 48 : index
        %swap3A_537 = tpu.vector_load %arg7[%swap3A_533, %swap3A_534, %swap3A_535, %swap3A_536] {strides = array<i32>} : memref<2x25x8x128xf32, #tpu.memory_space<vmem>>, vector<16xf32>,
        tpu.vector_store %arg7[%swap3A_533, %swap3A_534, %swap3A_535, %swap3A_536], %gather3A_505 {strides = array<i32>} : memref<2x25x8x128xf32, #tpu.memory_space<vmem>>, vector<16xf32>,
        %swap3A_538 = arith.constant 1 : i32
        %swap3A_539 = arith.constant 3 : i32
        %swap3A_540 = arith.index_cast %swap3A_538 : i32 to index
        %swap3A_541 = arith.index_cast %scan3A_298 : i32 to index
        %swap3A_542 = arith.index_cast %swap3A_539 : i32 to index
        %swap3A_543 = arith.constant 64 : index
        %swap3A_544 = tpu.vector_load %arg7[%swap3A_540, %swap3A_541, %swap3A_542, %swap3A_543] {strides = array<i32>} : memref<2x25x8x128xf32, #tpu.memory_space<vmem>>, vector<16xf32>,
        tpu.vector_store %arg7[%swap3A_540, %swap3A_541, %swap3A_542, %swap3A_543], %gather3A_506 {strides = array<i32>} : memref<2x25x8x128xf32, #tpu.memory_space<vmem>>, vector<16xf32>,
        %swap3A_545 = arith.constant 1 : i32
        %swap3A_546 = arith.constant 3 : i32
        %swap3A_547 = arith.index_cast %swap3A_545 : i32 to index
        %swap3A_548 = arith.index_cast %scan3A_298 : i32 to index
        %swap3A_549 = arith.index_cast %swap3A_546 : i32 to index
        %swap3A_550 = arith.constant 80 : index
        %swap3A_551 = tpu.vector_load %arg7[%swap3A_547, %swap3A_548, %swap3A_549, %swap3A_550] {strides = array<i32>} : memref<2x25x8x128xf32, #tpu.memory_space<vmem>>, vector<16xf32>,
        tpu.vector_store %arg7[%swap3A_547, %swap3A_548, %swap3A_549, %swap3A_550], %gather3A_507 {strides = array<i32>} : memref<2x25x8x128xf32, #tpu.memory_space<vmem>>, vector<16xf32>,
        %swap3A_552 = arith.constant 1 : i32
        %swap3A_553 = arith.constant 3 : i32
        %swap3A_554 = arith.index_cast %swap3A_552 : i32 to index
        %swap3A_555 = arith.index_cast %scan3A_298 : i32 to index
        %swap3A_556 = arith.index_cast %swap3A_553 : i32 to index
        %swap3A_557 = arith.constant 96 : index
        %swap3A_558 = tpu.vector_load %arg7[%swap3A_554, %swap3A_555, %swap3A_556, %swap3A_557] {strides = array<i32>} : memref<2x25x8x128xf32, #tpu.memory_space<vmem>>, vector<16xf32>,
        tpu.vector_store %arg7[%swap3A_554, %swap3A_555, %swap3A_556, %swap3A_557], %gather3A_508 {strides = array<i32>} : memref<2x25x8x128xf32, #tpu.memory_space<vmem>>, vector<16xf32>,
        %swap3A_559 = arith.constant 1 : i32
        %swap3A_560 = arith.constant 3 : i32
        %swap3A_561 = arith.index_cast %swap3A_559 : i32 to index
        %swap3A_562 = arith.index_cast %scan3A_298 : i32 to index
        %swap3A_563 = arith.index_cast %swap3A_560 : i32 to index
        %swap3A_564 = arith.constant 112 : index
        %swap3A_565 = tpu.vector_load %arg7[%swap3A_561, %swap3A_562, %swap3A_563, %swap3A_564] {strides = array<i32>} : memref<2x25x8x128xf32, #tpu.memory_space<vmem>>, vector<16xf32>,
        tpu.vector_store %arg7[%swap3A_561, %swap3A_562, %swap3A_563, %swap3A_564], %gather3A_509 {strides = array<i32>} : memref<2x25x8x128xf32, #tpu.memory_space<vmem>>, vector<16xf32>,
        %add3A_566 = arith.constant 4 : i32
        %add3A_567 = vector.broadcast %add3A_566 : i32 to vector<16xi32>
        %add3A_568 = arith.addi %scan3A_299, %add3A_567 : vector<16xi32>
        %gather3A_569 = tpu.vector_load_idx %arg6[%add3A_232, %add3A_568] : memref<256x200xf32, #tpu.memory_space<vmem>>[vector<16xi32>, vector<16xi32>], vector<16xf32>,
        %gather3A_570 = tpu.vector_load_idx %arg6[%add3A_236, %add3A_568] : memref<256x200xf32, #tpu.memory_space<vmem>>[vector<16xi32>, vector<16xi32>], vector<16xf32>,
        %gather3A_571 = tpu.vector_load_idx %arg6[%add3A_240, %add3A_568] : memref<256x200xf32, #tpu.memory_space<vmem>>[vector<16xi32>, vector<16xi32>], vector<16xf32>,
        %gather3A_572 = tpu.vector_load_idx %arg6[%add3A_244, %add3A_568] : memref<256x200xf32, #tpu.memory_space<vmem>>[vector<16xi32>, vector<16xi32>], vector<16xf32>,
        %gather3A_573 = tpu.vector_load_idx %arg6[%add3A_248, %add3A_568] : memref<256x200xf32, #tpu.memory_space<vmem>>[vector<16xi32>, vector<16xi32>], vector<16xf32>,
        %gather3A_574 = tpu.vector_load_idx %arg6[%add3A_252, %add3A_568] : memref<256x200xf32, #tpu.memory_space<vmem>>[vector<16xi32>, vector<16xi32>], vector<16xf32>,
        %gather3A_575 = tpu.vector_load_idx %arg6[%add3A_256, %add3A_568] : memref<256x200xf32, #tpu.memory_space<vmem>>[vector<16xi32>, vector<16xi32>], vector<16xf32>,
        %gather3A_576 = tpu.vector_load_idx %arg6[%add3A_260, %add3A_568] : memref<256x200xf32, #tpu.memory_space<vmem>>[vector<16xi32>, vector<16xi32>], vector<16xf32>,
        %swap3A_577 = arith.constant 1 : i32
        %swap3A_578 = arith.constant 4 : i32
        %swap3A_579 = arith.index_cast %swap3A_577 : i32 to index
        %swap3A_580 = arith.index_cast %scan3A_298 : i32 to index
        %swap3A_581 = arith.index_cast %swap3A_578 : i32 to index
        %swap3A_582 = arith.constant 0 : index
        %swap3A_583 = tpu.vector_load %arg7[%swap3A_579, %swap3A_580, %swap3A_581, %swap3A_582] {strides = array<i32>} : memref<2x25x8x128xf32, #tpu.memory_space<vmem>>, vector<16xf32>,
        tpu.vector_store %arg7[%swap3A_579, %swap3A_580, %swap3A_581, %swap3A_582], %gather3A_569 {strides = array<i32>} : memref<2x25x8x128xf32, #tpu.memory_space<vmem>>, vector<16xf32>,
        %swap3A_584 = arith.constant 1 : i32
        %swap3A_585 = arith.constant 4 : i32
        %swap3A_586 = arith.index_cast %swap3A_584 : i32 to index
        %swap3A_587 = arith.index_cast %scan3A_298 : i32 to index
        %swap3A_588 = arith.index_cast %swap3A_585 : i32 to index
        %swap3A_589 = arith.constant 16 : index
        %swap3A_590 = tpu.vector_load %arg7[%swap3A_586, %swap3A_587, %swap3A_588, %swap3A_589] {strides = array<i32>} : memref<2x25x8x128xf32, #tpu.memory_space<vmem>>, vector<16xf32>,
        tpu.vector_store %arg7[%swap3A_586, %swap3A_587, %swap3A_588, %swap3A_589], %gather3A_570 {strides = array<i32>} : memref<2x25x8x128xf32, #tpu.memory_space<vmem>>, vector<16xf32>,
        %swap3A_591 = arith.constant 1 : i32
        %swap3A_592 = arith.constant 4 : i32
        %swap3A_593 = arith.index_cast %swap3A_591 : i32 to index
        %swap3A_594 = arith.index_cast %scan3A_298 : i32 to index
        %swap3A_595 = arith.index_cast %swap3A_592 : i32 to index
        %swap3A_596 = arith.constant 32 : index
        %swap3A_597 = tpu.vector_load %arg7[%swap3A_593, %swap3A_594, %swap3A_595, %swap3A_596] {strides = array<i32>} : memref<2x25x8x128xf32, #tpu.memory_space<vmem>>, vector<16xf32>,
        tpu.vector_store %arg7[%swap3A_593, %swap3A_594, %swap3A_595, %swap3A_596], %gather3A_571 {strides = array<i32>} : memref<2x25x8x128xf32, #tpu.memory_space<vmem>>, vector<16xf32>,
        %swap3A_598 = arith.constant 1 : i32
        %swap3A_599 = arith.constant 4 : i32
        %swap3A_600 = arith.index_cast %swap3A_598 : i32 to index
        %swap3A_601 = arith.index_cast %scan3A_298 : i32 to index
        %swap3A_602 = arith.index_cast %swap3A_599 : i32 to index
        %swap3A_603 = arith.constant 48 : index
        %swap3A_604 = tpu.vector_load %arg7[%swap3A_600, %swap3A_601, %swap3A_602, %swap3A_603] {strides = array<i32>} : memref<2x25x8x128xf32, #tpu.memory_space<vmem>>, vector<16xf32>,
        tpu.vector_store %arg7[%swap3A_600, %swap3A_601, %swap3A_602, %swap3A_603], %gather3A_572 {strides = array<i32>} : memref<2x25x8x128xf32, #tpu.memory_space<vmem>>, vector<16xf32>,
        %swap3A_605 = arith.constant 1 : i32
        %swap3A_606 = arith.constant 4 : i32
        %swap3A_607 = arith.index_cast %swap3A_605 : i32 to index
        %swap3A_608 = arith.index_cast %scan3A_298 : i32 to index
        %swap3A_609 = arith.index_cast %swap3A_606 : i32 to index
        %swap3A_610 = arith.constant 64 : index
        %swap3A_611 = tpu.vector_load %arg7[%swap3A_607, %swap3A_608, %swap3A_609, %swap3A_610] {strides = array<i32>} : memref<2x25x8x128xf32, #tpu.memory_space<vmem>>, vector<16xf32>,
        tpu.vector_store %arg7[%swap3A_607, %swap3A_608, %swap3A_609, %swap3A_610], %gather3A_573 {strides = array<i32>} : memref<2x25x8x128xf32, #tpu.memory_space<vmem>>, vector<16xf32>,
        %swap3A_612 = arith.constant 1 : i32
        %swap3A_613 = arith.constant 4 : i32
        %swap3A_614 = arith.index_cast %swap3A_612 : i32 to index
        %swap3A_615 = arith.index_cast %scan3A_298 : i32 to index
        %swap3A_616 = arith.index_cast %swap3A_613 : i32 to index
        %swap3A_617 = arith.constant 80 : index
        %swap3A_618 = tpu.vector_load %arg7[%swap3A_614, %swap3A_615, %swap3A_616, %swap3A_617] {strides = array<i32>} : memref<2x25x8x128xf32, #tpu.memory_space<vmem>>, vector<16xf32>,
        tpu.vector_store %arg7[%swap3A_614, %swap3A_615, %swap3A_616, %swap3A_617], %gather3A_574 {strides = array<i32>} : memref<2x25x8x128xf32, #tpu.memory_space<vmem>>, vector<16xf32>,
        %swap3A_619 = arith.constant 1 : i32
        %swap3A_620 = arith.constant 4 : i32
        %swap3A_621 = arith.index_cast %swap3A_619 : i32 to index
        %swap3A_622 = arith.index_cast %scan3A_298 : i32 to index
        %swap3A_623 = arith.index_cast %swap3A_620 : i32 to index
        %swap3A_624 = arith.constant 96 : index
        %swap3A_625 = tpu.vector_load %arg7[%swap3A_621, %swap3A_622, %swap3A_623, %swap3A_624] {strides = array<i32>} : memref<2x25x8x128xf32, #tpu.memory_space<vmem>>, vector<16xf32>,
        tpu.vector_store %arg7[%swap3A_621, %swap3A_622, %swap3A_623, %swap3A_624], %gather3A_575 {strides = array<i32>} : memref<2x25x8x128xf32, #tpu.memory_space<vmem>>, vector<16xf32>,
        %swap3A_626 = arith.constant 1 : i32
        %swap3A_627 = arith.constant 4 : i32
        %swap3A_628 = arith.index_cast %swap3A_626 : i32 to index
        %swap3A_629 = arith.index_cast %scan3A_298 : i32 to index
        %swap3A_630 = arith.index_cast %swap3A_627 : i32 to index
        %swap3A_631 = arith.constant 112 : index
        %swap3A_632 = tpu.vector_load %arg7[%swap3A_628, %swap3A_629, %swap3A_630, %swap3A_631] {strides = array<i32>} : memref<2x25x8x128xf32, #tpu.memory_space<vmem>>, vector<16xf32>,
        tpu.vector_store %arg7[%swap3A_628, %swap3A_629, %swap3A_630, %swap3A_631], %gather3A_576 {strides = array<i32>} : memref<2x25x8x128xf32, #tpu.memory_space<vmem>>, vector<16xf32>,
        %add3A_633 = arith.constant 5 : i32
        %add3A_634 = vector.broadcast %add3A_633 : i32 to vector<16xi32>
        %add3A_635 = arith.addi %scan3A_299, %add3A_634 : vector<16xi32>
        %gather3A_636 = tpu.vector_load_idx %arg6[%add3A_232, %add3A_635] : memref<256x200xf32, #tpu.memory_space<vmem>>[vector<16xi32>, vector<16xi32>], vector<16xf32>,
        %gather3A_637 = tpu.vector_load_idx %arg6[%add3A_236, %add3A_635] : memref<256x200xf32, #tpu.memory_space<vmem>>[vector<16xi32>, vector<16xi32>], vector<16xf32>,
        %gather3A_638 = tpu.vector_load_idx %arg6[%add3A_240, %add3A_635] : memref<256x200xf32, #tpu.memory_space<vmem>>[vector<16xi32>, vector<16xi32>], vector<16xf32>,
        %gather3A_639 = tpu.vector_load_idx %arg6[%add3A_244, %add3A_635] : memref<256x200xf32, #tpu.memory_space<vmem>>[vector<16xi32>, vector<16xi32>], vector<16xf32>,
        %gather3A_640 = tpu.vector_load_idx %arg6[%add3A_248, %add3A_635] : memref<256x200xf32, #tpu.memory_space<vmem>>[vector<16xi32>, vector<16xi32>], vector<16xf32>,
        %gather3A_641 = tpu.vector_load_idx %arg6[%add3A_252, %add3A_635] : memref<256x200xf32, #tpu.memory_space<vmem>>[vector<16xi32>, vector<16xi32>], vector<16xf32>,
        %gather3A_642 = tpu.vector_load_idx %arg6[%add3A_256, %add3A_635] : memref<256x200xf32, #tpu.memory_space<vmem>>[vector<16xi32>, vector<16xi32>], vector<16xf32>,
        %gather3A_643 = tpu.vector_load_idx %arg6[%add3A_260, %add3A_635] : memref<256x200xf32, #tpu.memory_space<vmem>>[vector<16xi32>, vector<16xi32>], vector<16xf32>,
        %swap3A_644 = arith.constant 1 : i32
        %swap3A_645 = arith.constant 5 : i32
        %swap3A_646 = arith.index_cast %swap3A_644 : i32 to index
        %swap3A_647 = arith.index_cast %scan3A_298 : i32 to index
        %swap3A_648 = arith.index_cast %swap3A_645 : i32 to index
        %swap3A_649 = arith.constant 0 : index
        %swap3A_650 = tpu.vector_load %arg7[%swap3A_646, %swap3A_647, %swap3A_648, %swap3A_649] {strides = array<i32>} : memref<2x25x8x128xf32, #tpu.memory_space<vmem>>, vector<16xf32>,
        tpu.vector_store %arg7[%swap3A_646, %swap3A_647, %swap3A_648, %swap3A_649], %gather3A_636 {strides = array<i32>} : memref<2x25x8x128xf32, #tpu.memory_space<vmem>>, vector<16xf32>,
        %swap3A_651 = arith.constant 1 : i32
        %swap3A_652 = arith.constant 5 : i32
        %swap3A_653 = arith.index_cast %swap3A_651 : i32 to index
        %swap3A_654 = arith.index_cast %scan3A_298 : i32 to index
        %swap3A_655 = arith.index_cast %swap3A_652 : i32 to index
        %swap3A_656 = arith.constant 16 : index
        %swap3A_657 = tpu.vector_load %arg7[%swap3A_653, %swap3A_654, %swap3A_655, %swap3A_656] {strides = array<i32>} : memref<2x25x8x128xf32, #tpu.memory_space<vmem>>, vector<16xf32>,
        tpu.vector_store %arg7[%swap3A_653, %swap3A_654, %swap3A_655, %swap3A_656], %gather3A_637 {strides = array<i32>} : memref<2x25x8x128xf32, #tpu.memory_space<vmem>>, vector<16xf32>,
        %swap3A_658 = arith.constant 1 : i32
        %swap3A_659 = arith.constant 5 : i32
        %swap3A_660 = arith.index_cast %swap3A_658 : i32 to index
        %swap3A_661 = arith.index_cast %scan3A_298 : i32 to index
        %swap3A_662 = arith.index_cast %swap3A_659 : i32 to index
        %swap3A_663 = arith.constant 32 : index
        %swap3A_664 = tpu.vector_load %arg7[%swap3A_660, %swap3A_661, %swap3A_662, %swap3A_663] {strides = array<i32>} : memref<2x25x8x128xf32, #tpu.memory_space<vmem>>, vector<16xf32>,
        tpu.vector_store %arg7[%swap3A_660, %swap3A_661, %swap3A_662, %swap3A_663], %gather3A_638 {strides = array<i32>} : memref<2x25x8x128xf32, #tpu.memory_space<vmem>>, vector<16xf32>,
        %swap3A_665 = arith.constant 1 : i32
        %swap3A_666 = arith.constant 5 : i32
        %swap3A_667 = arith.index_cast %swap3A_665 : i32 to index
        %swap3A_668 = arith.index_cast %scan3A_298 : i32 to index
        %swap3A_669 = arith.index_cast %swap3A_666 : i32 to index
        %swap3A_670 = arith.constant 48 : index
        %swap3A_671 = tpu.vector_load %arg7[%swap3A_667, %swap3A_668, %swap3A_669, %swap3A_670] {strides = array<i32>} : memref<2x25x8x128xf32, #tpu.memory_space<vmem>>, vector<16xf32>,
        tpu.vector_store %arg7[%swap3A_667, %swap3A_668, %swap3A_669, %swap3A_670], %gather3A_639 {strides = array<i32>} : memref<2x25x8x128xf32, #tpu.memory_space<vmem>>, vector<16xf32>,
        %swap3A_672 = arith.constant 1 : i32
        %swap3A_673 = arith.constant 5 : i32
        %swap3A_674 = arith.index_cast %swap3A_672 : i32 to index
        %swap3A_675 = arith.index_cast %scan3A_298 : i32 to index
        %swap3A_676 = arith.index_cast %swap3A_673 : i32 to index
        %swap3A_677 = arith.constant 64 : index
        %swap3A_678 = tpu.vector_load %arg7[%swap3A_674, %swap3A_675, %swap3A_676, %swap3A_677] {strides = array<i32>} : memref<2x25x8x128xf32, #tpu.memory_space<vmem>>, vector<16xf32>,
        tpu.vector_store %arg7[%swap3A_674, %swap3A_675, %swap3A_676, %swap3A_677], %gather3A_640 {strides = array<i32>} : memref<2x25x8x128xf32, #tpu.memory_space<vmem>>, vector<16xf32>,
        %swap3A_679 = arith.constant 1 : i32
        %swap3A_680 = arith.constant 5 : i32
        %swap3A_681 = arith.index_cast %swap3A_679 : i32 to index
        %swap3A_682 = arith.index_cast %scan3A_298 : i32 to index
        %swap3A_683 = arith.index_cast %swap3A_680 : i32 to index
        %swap3A_684 = arith.constant 80 : index
        %swap3A_685 = tpu.vector_load %arg7[%swap3A_681, %swap3A_682, %swap3A_683, %swap3A_684] {strides = array<i32>} : memref<2x25x8x128xf32, #tpu.memory_space<vmem>>, vector<16xf32>,
        tpu.vector_store %arg7[%swap3A_681, %swap3A_682, %swap3A_683, %swap3A_684], %gather3A_641 {strides = array<i32>} : memref<2x25x8x128xf32, #tpu.memory_space<vmem>>, vector<16xf32>,
        %swap3A_686 = arith.constant 1 : i32
        %swap3A_687 = arith.constant 5 : i32
        %swap3A_688 = arith.index_cast %swap3A_686 : i32 to index
        %swap3A_689 = arith.index_cast %scan3A_298 : i32 to index
        %swap3A_690 = arith.index_cast %swap3A_687 : i32 to index
        %swap3A_691 = arith.constant 96 : index
        %swap3A_692 = tpu.vector_load %arg7[%swap3A_688, %swap3A_689, %swap3A_690, %swap3A_691] {strides = array<i32>} : memref<2x25x8x128xf32, #tpu.memory_space<vmem>>, vector<16xf32>,
        tpu.vector_store %arg7[%swap3A_688, %swap3A_689, %swap3A_690, %swap3A_691], %gather3A_642 {strides = array<i32>} : memref<2x25x8x128xf32, #tpu.memory_space<vmem>>, vector<16xf32>,
        %swap3A_693 = arith.constant 1 : i32
        %swap3A_694 = arith.constant 5 : i32
        %swap3A_695 = arith.index_cast %swap3A_693 : i32 to index
        %swap3A_696 = arith.index_cast %scan3A_298 : i32 to index
        %swap3A_697 = arith.index_cast %swap3A_694 : i32 to index
        %swap3A_698 = arith.constant 112 : index
        %swap3A_699 = tpu.vector_load %arg7[%swap3A_695, %swap3A_696, %swap3A_697, %swap3A_698] {strides = array<i32>} : memref<2x25x8x128xf32, #tpu.memory_space<vmem>>, vector<16xf32>,
        tpu.vector_store %arg7[%swap3A_695, %swap3A_696, %swap3A_697, %swap3A_698], %gather3A_643 {strides = array<i32>} : memref<2x25x8x128xf32, #tpu.memory_space<vmem>>, vector<16xf32>,
        %add3A_700 = arith.constant 6 : i32
        %add3A_701 = vector.broadcast %add3A_700 : i32 to vector<16xi32>
        %add3A_702 = arith.addi %scan3A_299, %add3A_701 : vector<16xi32>
        %gather3A_703 = tpu.vector_load_idx %arg6[%add3A_232, %add3A_702] : memref<256x200xf32, #tpu.memory_space<vmem>>[vector<16xi32>, vector<16xi32>], vector<16xf32>,
        %gather3A_704 = tpu.vector_load_idx %arg6[%add3A_236, %add3A_702] : memref<256x200xf32, #tpu.memory_space<vmem>>[vector<16xi32>, vector<16xi32>], vector<16xf32>,
        %gather3A_705 = tpu.vector_load_idx %arg6[%add3A_240, %add3A_702] : memref<256x200xf32, #tpu.memory_space<vmem>>[vector<16xi32>, vector<16xi32>], vector<16xf32>,
        %gather3A_706 = tpu.vector_load_idx %arg6[%add3A_244, %add3A_702] : memref<256x200xf32, #tpu.memory_space<vmem>>[vector<16xi32>, vector<16xi32>], vector<16xf32>,
        %gather3A_707 = tpu.vector_load_idx %arg6[%add3A_248, %add3A_702] : memref<256x200xf32, #tpu.memory_space<vmem>>[vector<16xi32>, vector<16xi32>], vector<16xf32>,
        %gather3A_708 = tpu.vector_load_idx %arg6[%add3A_252, %add3A_702] : memref<256x200xf32, #tpu.memory_space<vmem>>[vector<16xi32>, vector<16xi32>], vector<16xf32>,
        %gather3A_709 = tpu.vector_load_idx %arg6[%add3A_256, %add3A_702] : memref<256x200xf32, #tpu.memory_space<vmem>>[vector<16xi32>, vector<16xi32>], vector<16xf32>,
        %gather3A_710 = tpu.vector_load_idx %arg6[%add3A_260, %add3A_702] : memref<256x200xf32, #tpu.memory_space<vmem>>[vector<16xi32>, vector<16xi32>], vector<16xf32>,
        %swap3A_711 = arith.constant 1 : i32
        %swap3A_712 = arith.constant 6 : i32
        %swap3A_713 = arith.index_cast %swap3A_711 : i32 to index
        %swap3A_714 = arith.index_cast %scan3A_298 : i32 to index
        %swap3A_715 = arith.index_cast %swap3A_712 : i32 to index
        %swap3A_716 = arith.constant 0 : index
        %swap3A_717 = tpu.vector_load %arg7[%swap3A_713, %swap3A_714, %swap3A_715, %swap3A_716] {strides = array<i32>} : memref<2x25x8x128xf32, #tpu.memory_space<vmem>>, vector<16xf32>,
        tpu.vector_store %arg7[%swap3A_713, %swap3A_714, %swap3A_715, %swap3A_716], %gather3A_703 {strides = array<i32>} : memref<2x25x8x128xf32, #tpu.memory_space<vmem>>, vector<16xf32>,
        %swap3A_718 = arith.constant 1 : i32
        %swap3A_719 = arith.constant 6 : i32
        %swap3A_720 = arith.index_cast %swap3A_718 : i32 to index
        %swap3A_721 = arith.index_cast %scan3A_298 : i32 to index
        %swap3A_722 = arith.index_cast %swap3A_719 : i32 to index
        %swap3A_723 = arith.constant 16 : index
        %swap3A_724 = tpu.vector_load %arg7[%swap3A_720, %swap3A_721, %swap3A_722, %swap3A_723] {strides = array<i32>} : memref<2x25x8x128xf32, #tpu.memory_space<vmem>>, vector<16xf32>,
        tpu.vector_store %arg7[%swap3A_720, %swap3A_721, %swap3A_722, %swap3A_723], %gather3A_704 {strides = array<i32>} : memref<2x25x8x128xf32, #tpu.memory_space<vmem>>, vector<16xf32>,
        %swap3A_725 = arith.constant 1 : i32
        %swap3A_726 = arith.constant 6 : i32
        %swap3A_727 = arith.index_cast %swap3A_725 : i32 to index
        %swap3A_728 = arith.index_cast %scan3A_298 : i32 to index
        %swap3A_729 = arith.index_cast %swap3A_726 : i32 to index
        %swap3A_730 = arith.constant 32 : index
        %swap3A_731 = tpu.vector_load %arg7[%swap3A_727, %swap3A_728, %swap3A_729, %swap3A_730] {strides = array<i32>} : memref<2x25x8x128xf32, #tpu.memory_space<vmem>>, vector<16xf32>,
        tpu.vector_store %arg7[%swap3A_727, %swap3A_728, %swap3A_729, %swap3A_730], %gather3A_705 {strides = array<i32>} : memref<2x25x8x128xf32, #tpu.memory_space<vmem>>, vector<16xf32>,
        %swap3A_732 = arith.constant 1 : i32
        %swap3A_733 = arith.constant 6 : i32
        %swap3A_734 = arith.index_cast %swap3A_732 : i32 to index
        %swap3A_735 = arith.index_cast %scan3A_298 : i32 to index
        %swap3A_736 = arith.index_cast %swap3A_733 : i32 to index
        %swap3A_737 = arith.constant 48 : index
        %swap3A_738 = tpu.vector_load %arg7[%swap3A_734, %swap3A_735, %swap3A_736, %swap3A_737] {strides = array<i32>} : memref<2x25x8x128xf32, #tpu.memory_space<vmem>>, vector<16xf32>,
        tpu.vector_store %arg7[%swap3A_734, %swap3A_735, %swap3A_736, %swap3A_737], %gather3A_706 {strides = array<i32>} : memref<2x25x8x128xf32, #tpu.memory_space<vmem>>, vector<16xf32>,
        %swap3A_739 = arith.constant 1 : i32
        %swap3A_740 = arith.constant 6 : i32
        %swap3A_741 = arith.index_cast %swap3A_739 : i32 to index
        %swap3A_742 = arith.index_cast %scan3A_298 : i32 to index
        %swap3A_743 = arith.index_cast %swap3A_740 : i32 to index
        %swap3A_744 = arith.constant 64 : index
        %swap3A_745 = tpu.vector_load %arg7[%swap3A_741, %swap3A_742, %swap3A_743, %swap3A_744] {strides = array<i32>} : memref<2x25x8x128xf32, #tpu.memory_space<vmem>>, vector<16xf32>,
        tpu.vector_store %arg7[%swap3A_741, %swap3A_742, %swap3A_743, %swap3A_744], %gather3A_707 {strides = array<i32>} : memref<2x25x8x128xf32, #tpu.memory_space<vmem>>, vector<16xf32>,
        %swap3A_746 = arith.constant 1 : i32
        %swap3A_747 = arith.constant 6 : i32
        %swap3A_748 = arith.index_cast %swap3A_746 : i32 to index
        %swap3A_749 = arith.index_cast %scan3A_298 : i32 to index
        %swap3A_750 = arith.index_cast %swap3A_747 : i32 to index
        %swap3A_751 = arith.constant 80 : index
        %swap3A_752 = tpu.vector_load %arg7[%swap3A_748, %swap3A_749, %swap3A_750, %swap3A_751] {strides = array<i32>} : memref<2x25x8x128xf32, #tpu.memory_space<vmem>>, vector<16xf32>,
        tpu.vector_store %arg7[%swap3A_748, %swap3A_749, %swap3A_750, %swap3A_751], %gather3A_708 {strides = array<i32>} : memref<2x25x8x128xf32, #tpu.memory_space<vmem>>, vector<16xf32>,
        %swap3A_753 = arith.constant 1 : i32
        %swap3A_754 = arith.constant 6 : i32
        %swap3A_755 = arith.index_cast %swap3A_753 : i32 to index
        %swap3A_756 = arith.index_cast %scan3A_298 : i32 to index
        %swap3A_757 = arith.index_cast %swap3A_754 : i32 to index
        %swap3A_758 = arith.constant 96 : index
        %swap3A_759 = tpu.vector_load %arg7[%swap3A_755, %swap3A_756, %swap3A_757, %swap3A_758] {strides = array<i32>} : memref<2x25x8x128xf32, #tpu.memory_space<vmem>>, vector<16xf32>,
        tpu.vector_store %arg7[%swap3A_755, %swap3A_756, %swap3A_757, %swap3A_758], %gather3A_709 {strides = array<i32>} : memref<2x25x8x128xf32, #tpu.memory_space<vmem>>, vector<16xf32>,
        %swap3A_760 = arith.constant 1 : i32
        %swap3A_761 = arith.constant 6 : i32
        %swap3A_762 = arith.index_cast %swap3A_760 : i32 to index
        %swap3A_763 = arith.index_cast %scan3A_298 : i32 to index
        %swap3A_764 = arith.index_cast %swap3A_761 : i32 to index
        %swap3A_765 = arith.constant 112 : index
        %swap3A_766 = tpu.vector_load %arg7[%swap3A_762, %swap3A_763, %swap3A_764, %swap3A_765] {strides = array<i32>} : memref<2x25x8x128xf32, #tpu.memory_space<vmem>>, vector<16xf32>,
        tpu.vector_store %arg7[%swap3A_762, %swap3A_763, %swap3A_764, %swap3A_765], %gather3A_710 {strides = array<i32>} : memref<2x25x8x128xf32, #tpu.memory_space<vmem>>, vector<16xf32>,
        %add3A_767 = arith.constant 7 : i32
        %add3A_768 = vector.broadcast %add3A_767 : i32 to vector<16xi32>
        %add3A_769 = arith.addi %scan3A_299, %add3A_768 : vector<16xi32>
        %gather3A_770 = tpu.vector_load_idx %arg6[%add3A_232, %add3A_769] : memref<256x200xf32, #tpu.memory_space<vmem>>[vector<16xi32>, vector<16xi32>], vector<16xf32>,
        %gather3A_771 = tpu.vector_load_idx %arg6[%add3A_236, %add3A_769] : memref<256x200xf32, #tpu.memory_space<vmem>>[vector<16xi32>, vector<16xi32>], vector<16xf32>,
        %gather3A_772 = tpu.vector_load_idx %arg6[%add3A_240, %add3A_769] : memref<256x200xf32, #tpu.memory_space<vmem>>[vector<16xi32>, vector<16xi32>], vector<16xf32>,
        %gather3A_773 = tpu.vector_load_idx %arg6[%add3A_244, %add3A_769] : memref<256x200xf32, #tpu.memory_space<vmem>>[vector<16xi32>, vector<16xi32>], vector<16xf32>,
        %gather3A_774 = tpu.vector_load_idx %arg6[%add3A_248, %add3A_769] : memref<256x200xf32, #tpu.memory_space<vmem>>[vector<16xi32>, vector<16xi32>], vector<16xf32>,
        %gather3A_775 = tpu.vector_load_idx %arg6[%add3A_252, %add3A_769] : memref<256x200xf32, #tpu.memory_space<vmem>>[vector<16xi32>, vector<16xi32>], vector<16xf32>,
        %gather3A_776 = tpu.vector_load_idx %arg6[%add3A_256, %add3A_769] : memref<256x200xf32, #tpu.memory_space<vmem>>[vector<16xi32>, vector<16xi32>], vector<16xf32>,
        %gather3A_777 = tpu.vector_load_idx %arg6[%add3A_260, %add3A_769] : memref<256x200xf32, #tpu.memory_space<vmem>>[vector<16xi32>, vector<16xi32>], vector<16xf32>,
        %swap3A_778 = arith.constant 1 : i32
        %swap3A_779 = arith.constant 7 : i32
        %swap3A_780 = arith.index_cast %swap3A_778 : i32 to index
        %swap3A_781 = arith.index_cast %scan3A_298 : i32 to index
        %swap3A_782 = arith.index_cast %swap3A_779 : i32 to index
        %swap3A_783 = arith.constant 0 : index
        %swap3A_784 = tpu.vector_load %arg7[%swap3A_780, %swap3A_781, %swap3A_782, %swap3A_783] {strides = array<i32>} : memref<2x25x8x128xf32, #tpu.memory_space<vmem>>, vector<16xf32>,
        tpu.vector_store %arg7[%swap3A_780, %swap3A_781, %swap3A_782, %swap3A_783], %gather3A_770 {strides = array<i32>} : memref<2x25x8x128xf32, #tpu.memory_space<vmem>>, vector<16xf32>,
        %swap3A_785 = arith.constant 1 : i32
        %swap3A_786 = arith.constant 7 : i32
        %swap3A_787 = arith.index_cast %swap3A_785 : i32 to index
        %swap3A_788 = arith.index_cast %scan3A_298 : i32 to index
        %swap3A_789 = arith.index_cast %swap3A_786 : i32 to index
        %swap3A_790 = arith.constant 16 : index
        %swap3A_791 = tpu.vector_load %arg7[%swap3A_787, %swap3A_788, %swap3A_789, %swap3A_790] {strides = array<i32>} : memref<2x25x8x128xf32, #tpu.memory_space<vmem>>, vector<16xf32>,
        tpu.vector_store %arg7[%swap3A_787, %swap3A_788, %swap3A_789, %swap3A_790], %gather3A_771 {strides = array<i32>} : memref<2x25x8x128xf32, #tpu.memory_space<vmem>>, vector<16xf32>,
        %swap3A_792 = arith.constant 1 : i32
        %swap3A_793 = arith.constant 7 : i32
        %swap3A_794 = arith.index_cast %swap3A_792 : i32 to index
        %swap3A_795 = arith.index_cast %scan3A_298 : i32 to index
        %swap3A_796 = arith.index_cast %swap3A_793 : i32 to index
        %swap3A_797 = arith.constant 32 : index
        %swap3A_798 = tpu.vector_load %arg7[%swap3A_794, %swap3A_795, %swap3A_796, %swap3A_797] {strides = array<i32>} : memref<2x25x8x128xf32, #tpu.memory_space<vmem>>, vector<16xf32>,
        tpu.vector_store %arg7[%swap3A_794, %swap3A_795, %swap3A_796, %swap3A_797], %gather3A_772 {strides = array<i32>} : memref<2x25x8x128xf32, #tpu.memory_space<vmem>>, vector<16xf32>,
        %swap3A_799 = arith.constant 1 : i32
        %swap3A_800 = arith.constant 7 : i32
        %swap3A_801 = arith.index_cast %swap3A_799 : i32 to index
        %swap3A_802 = arith.index_cast %scan3A_298 : i32 to index
        %swap3A_803 = arith.index_cast %swap3A_800 : i32 to index
        %swap3A_804 = arith.constant 48 : index
        %swap3A_805 = tpu.vector_load %arg7[%swap3A_801, %swap3A_802, %swap3A_803, %swap3A_804] {strides = array<i32>} : memref<2x25x8x128xf32, #tpu.memory_space<vmem>>, vector<16xf32>,
        tpu.vector_store %arg7[%swap3A_801, %swap3A_802, %swap3A_803, %swap3A_804], %gather3A_773 {strides = array<i32>} : memref<2x25x8x128xf32, #tpu.memory_space<vmem>>, vector<16xf32>,
        %swap3A_806 = arith.constant 1 : i32
        %swap3A_807 = arith.constant 7 : i32
        %swap3A_808 = arith.index_cast %swap3A_806 : i32 to index
        %swap3A_809 = arith.index_cast %scan3A_298 : i32 to index
        %swap3A_810 = arith.index_cast %swap3A_807 : i32 to index
        %swap3A_811 = arith.constant 64 : index
        %swap3A_812 = tpu.vector_load %arg7[%swap3A_808, %swap3A_809, %swap3A_810, %swap3A_811] {strides = array<i32>} : memref<2x25x8x128xf32, #tpu.memory_space<vmem>>, vector<16xf32>,
        tpu.vector_store %arg7[%swap3A_808, %swap3A_809, %swap3A_810, %swap3A_811], %gather3A_774 {strides = array<i32>} : memref<2x25x8x128xf32, #tpu.memory_space<vmem>>, vector<16xf32>,
        %swap3A_813 = arith.constant 1 : i32
        %swap3A_814 = arith.constant 7 : i32
        %swap3A_815 = arith.index_cast %swap3A_813 : i32 to index
        %swap3A_816 = arith.index_cast %scan3A_298 : i32 to index
        %swap3A_817 = arith.index_cast %swap3A_814 : i32 to index
        %swap3A_818 = arith.constant 80 : index
        %swap3A_819 = tpu.vector_load %arg7[%swap3A_815, %swap3A_816, %swap3A_817, %swap3A_818] {strides = array<i32>} : memref<2x25x8x128xf32, #tpu.memory_space<vmem>>, vector<16xf32>,
        tpu.vector_store %arg7[%swap3A_815, %swap3A_816, %swap3A_817, %swap3A_818], %gather3A_775 {strides = array<i32>} : memref<2x25x8x128xf32, #tpu.memory_space<vmem>>, vector<16xf32>,
        %swap3A_820 = arith.constant 1 : i32
        %swap3A_821 = arith.constant 7 : i32
        %swap3A_822 = arith.index_cast %swap3A_820 : i32 to index
        %swap3A_823 = arith.index_cast %scan3A_298 : i32 to index
        %swap3A_824 = arith.index_cast %swap3A_821 : i32 to index
        %swap3A_825 = arith.constant 96 : index
        %swap3A_826 = tpu.vector_load %arg7[%swap3A_822, %swap3A_823, %swap3A_824, %swap3A_825] {strides = array<i32>} : memref<2x25x8x128xf32, #tpu.memory_space<vmem>>, vector<16xf32>,
        tpu.vector_store %arg7[%swap3A_822, %swap3A_823, %swap3A_824, %swap3A_825], %gather3A_776 {strides = array<i32>} : memref<2x25x8x128xf32, #tpu.memory_space<vmem>>, vector<16xf32>,
        %swap3A_827 = arith.constant 1 : i32
        %swap3A_828 = arith.constant 7 : i32
        %swap3A_829 = arith.index_cast %swap3A_827 : i32 to index
        %swap3A_830 = arith.index_cast %scan3A_298 : i32 to index
        %swap3A_831 = arith.index_cast %swap3A_828 : i32 to index
        %swap3A_832 = arith.constant 112 : index
        %swap3A_833 = tpu.vector_load %arg7[%swap3A_829, %swap3A_830, %swap3A_831, %swap3A_832] {strides = array<i32>} : memref<2x25x8x128xf32, #tpu.memory_space<vmem>>, vector<16xf32>,
        tpu.vector_store %arg7[%swap3A_829, %swap3A_830, %swap3A_831, %swap3A_832], %gather3A_777 {strides = array<i32>} : memref<2x25x8x128xf32, #tpu.memory_space<vmem>>, vector<16xf32>,
        %add3A_834 = arith.constant 8 : i32
        %add3A_835 = vector.broadcast %add3A_834 : i32 to vector<16xi32>
        %add3A_836 = arith.addi %scan3A_299, %add3A_835 : vector<16xi32>
        scf.yield %add3A_836 : vector<16xi32>
      }
      %scan3A_268 = arith.constant 25 : i32
      %rem3A_269 = arith.constant 5 : i32
      %rem3A_270 = arith.remsi %add3A_198, %rem3A_269 : i32
      %div3A_271 = arith.constant 5 : i32
      %div3A_272 = arith.divsi %add3A_198, %div3A_271 : i32
      %div3A_273 = arith.constant 8 : i32
      %div3A_274 = arith.divsi %div3A_272, %div3A_273 : i32
      %rem3A_275 = arith.constant 8 : i32
      %rem3A_276 = arith.remsi %div3A_272, %rem3A_275 : i32
      %mul3A_277 = arith.constant 25 : i32
      %mul3A_278 = arith.muli %rem3A_270, %mul3A_277 : i32
      %dma_start3A_279 = arith.constant 1 : i32
      %dma_start3A_280 = arith.constant 0 : i32
      %dma_start3A_281 = arith.constant 0 : i32
      %dma_start3A_282 = arith.constant 0 : i32
      %dma_start3A_283 = tpu.memref_slice %arg7[%dma_start3A_279, %dma_start3A_280, %dma_start3A_281, %dma_start3A_282] : memref<2x25x8x128xf32, #tpu.memory_space<vmem>> -> memref<1x25x8x128xf32, #tpu.memory_space<vmem>>
      %dma_start3A_284 = tpu.memref_squeeze %dma_start3A_283 : memref<1x25x8x128xf32, #tpu.memory_space<vmem>> -> memref<25x8x128xf32, #tpu.memory_space<vmem>>
      %dma_start3A_285 = arith.constant 0 : i32
      %dma_start3A_286 = arith.constant 0 : i32
      %dma_start3A_287 = tpu.memref_slice %arg4[%div3A_274, %mul3A_278, %rem3A_276, %dma_start3A_285, %dma_start3A_286] : memref<50x125x8x8x128xf32, #tpu.memory_space<hbm>> -> memref<1x25x1x8x128xf32, #tpu.memory_space<hbm>>
      %dma_start3A_288 = tpu.memref_squeeze %dma_start3A_287 : memref<1x25x1x8x128xf32, #tpu.memory_space<hbm>> -> memref<25x8x128xf32, #tpu.memory_space<hbm>>
      %dma_start3A_289 = arith.constant 0 : i32
      %dma_start3A_290 = arith.constant 0 : i32
      %dma_start3A_291 = tpu.memref_slice %arg4[%div3A_274, %mul3A_278, %rem3A_276, %dma_start3A_289, %dma_start3A_290] : memref<50x125x8x8x128xf32, #tpu.memory_space<hbm>> -> memref<1x25x1x8x128xf32, #tpu.memory_space<hbm>>
      %dma_start3A_292 = tpu.memref_squeeze %dma_start3A_291 : memref<1x25x1x8x128xf32, #tpu.memory_space<hbm>> -> memref<25x8x128xf32, #tpu.memory_space<hbm>>
      %dma_start3A_293 = arith.constant 0 : i32
      %dma_start3A_294 = arith.constant 0 : i32
      %dma_start3A_295 = arith.constant 0 : i32
      %dma_start3A_296 = tpu.memref_slice %arg7[%dma_start3A_279, %dma_start3A_293, %dma_start3A_294, %dma_start3A_295] : memref<2x25x8x128xf32, #tpu.memory_space<vmem>> -> memref<1x25x8x128xf32, #tpu.memory_space<vmem>>
      %dma_start3A_297 = tpu.memref_squeeze %dma_start3A_296 : memref<1x25x8x128xf32, #tpu.memory_space<vmem>> -> memref<25x8x128xf32, #tpu.memory_space<vmem>>
      tpu.enqueue_dma source(%dma_start3A_297 : memref<25x8x128xf32, #tpu.memory_space<vmem>>) target(%dma_start3A_292 : memref<25x8x128xf32, #tpu.memory_space<hbm>>) target_semaphore(%arg11 : memref<!tpu.dma_semaphore, #tpu.memory_space<semaphore_mem>>)
    }
    %scan3A_24 = arith.constant 31 : i32
    %add3A_25 = arith.constant 1984 : i32
    %add3A_26 = arith.addi %add3A, %add3A_25 : i32
    %lt3A = arith.constant 2000 : i32
    %lt3A_27 = arith.cmpi slt, %add3A_26, %lt3A : i32
    %convert_element_type3A = arith.extui %lt3A_27 : i1 to i32
    %cond3A = arith.constant 0 : i32
    %cond3A_28 = arith.cmpi ne, %convert_element_type3A, %cond3A : i32
    scf.if %cond3A_28 {
      %dma_wait3A_74 = arith.constant 0 : i32
      %dma_wait3A_75 = arith.constant 0 : i32
      %dma_wait3A_76 = arith.constant 0 : i32
      %dma_wait3A_77 = tpu.memref_slice %arg6[%dma_wait3A_75, %dma_wait3A_76] : memref<256x200xf32, #tpu.memory_space<vmem>> -> memref<128x200xf32, #tpu.memory_space<vmem>>
      %dma_wait3A_78 = arith.constant 0 : i32
      %dma_wait3A_79 = arith.constant 0 : i32
      %dma_wait3A_80 = tpu.memref_slice %arg2[%dma_wait3A_74, %dma_wait3A_78, %dma_wait3A_79] : memref<5x1000x200xf32, #tpu.memory_space<hbm>> -> memref<1x128x200xf32, #tpu.memory_space<hbm>>
      %dma_wait3A_81 = tpu.memref_squeeze %dma_wait3A_80 : memref<1x128x200xf32, #tpu.memory_space<hbm>> -> memref<128x200xf32, #tpu.memory_space<hbm>>
      %dma_wait3A_82 = arith.constant 0 : i32
      %dma_wait3A_83 = arith.constant 0 : i32
      %dma_wait3A_84 = tpu.memref_slice %arg6[%dma_wait3A_82, %dma_wait3A_83] : memref<256x200xf32, #tpu.memory_space<vmem>> -> memref<128x200xf32, #tpu.memory_space<vmem>>
      %dma_wait3A_85 = arith.constant 0 : i32
      %dma_wait3A_86 = arith.constant 0 : i32
      %dma_wait3A_87 = tpu.memref_slice %arg2[%dma_wait3A_74, %dma_wait3A_85, %dma_wait3A_86] : memref<5x1000x200xf32, #tpu.memory_space<hbm>> -> memref<1x128x200xf32, #tpu.memory_space<hbm>>
      %dma_wait3A_88 = tpu.memref_squeeze %dma_wait3A_87 : memref<1x128x200xf32, #tpu.memory_space<hbm>> -> memref<128x200xf32, #tpu.memory_space<hbm>>
      tpu.wait_dma2 semaphore(%arg8 : memref<!tpu.dma_semaphore, #tpu.memory_space<semaphore_mem>>) src(%dma_wait3A_88 : memref<128x200xf32, #tpu.memory_space<hbm>>) dst(%dma_wait3A_84 : memref<128x200xf32, #tpu.memory_space<vmem>>)
      %dma_wait3A_89 = arith.constant 0 : i32
      %dma_wait3A_90 = arith.constant 0 : i32
      %dma_wait3A_91 = arith.constant 0 : i32
      %dma_wait3A_92 = arith.constant 0 : i32
      %dma_wait3A_93 = arith.constant 0 : i32
      %dma_wait3A_94 = arith.constant 0 : i32
      %dma_wait3A_95 = tpu.memref_slice %arg7[%dma_wait3A_89, %dma_wait3A_92, %dma_wait3A_93, %dma_wait3A_94] : memref<2x25x8x128xf32, #tpu.memory_space<vmem>> -> memref<1x25x8x128xf32, #tpu.memory_space<vmem>>
      %dma_wait3A_96 = tpu.memref_squeeze %dma_wait3A_95 : memref<1x25x8x128xf32, #tpu.memory_space<vmem>> -> memref<25x8x128xf32, #tpu.memory_space<vmem>>
      %dma_wait3A_97 = arith.constant 0 : i32
      %dma_wait3A_98 = arith.constant 0 : i32
      %dma_wait3A_99 = arith.constant 0 : i32
      %dma_wait3A_100 = tpu.memref_slice %arg4[%dma_wait3A_90, %dma_wait3A_97, %dma_wait3A_91, %dma_wait3A_98, %dma_wait3A_99] : memref<50x125x8x8x128xf32, #tpu.memory_space<hbm>> -> memref<1x25x1x8x128xf32, #tpu.memory_space<hbm>>
      %dma_wait3A_101 = tpu.memref_squeeze %dma_wait3A_100 : memref<1x25x1x8x128xf32, #tpu.memory_space<hbm>> -> memref<25x8x128xf32, #tpu.memory_space<hbm>>
      %dma_wait3A_102 = arith.constant 0 : i32
      %dma_wait3A_103 = arith.constant 0 : i32
      %dma_wait3A_104 = arith.constant 0 : i32
      %dma_wait3A_105 = tpu.memref_slice %arg4[%dma_wait3A_90, %dma_wait3A_102, %dma_wait3A_91, %dma_wait3A_103, %dma_wait3A_104] : memref<50x125x8x8x128xf32, #tpu.memory_space<hbm>> -> memref<1x25x1x8x128xf32, #tpu.memory_space<hbm>>
      %dma_wait3A_106 = tpu.memref_squeeze %dma_wait3A_105 : memref<1x25x1x8x128xf32, #tpu.memory_space<hbm>> -> memref<25x8x128xf32, #tpu.memory_space<hbm>>
      %dma_wait3A_107 = arith.constant 0 : i32
      %dma_wait3A_108 = arith.constant 0 : i32
      %dma_wait3A_109 = arith.constant 0 : i32
      %dma_wait3A_110 = tpu.memref_slice %arg7[%dma_wait3A_89, %dma_wait3A_107, %dma_wait3A_108, %dma_wait3A_109] : memref<2x25x8x128xf32, #tpu.memory_space<vmem>> -> memref<1x25x8x128xf32, #tpu.memory_space<vmem>>
      %dma_wait3A_111 = tpu.memref_squeeze %dma_wait3A_110 : memref<1x25x8x128xf32, #tpu.memory_space<vmem>> -> memref<25x8x128xf32, #tpu.memory_space<vmem>>
      tpu.wait_dma2 semaphore(%arg10 : memref<!tpu.dma_semaphore, #tpu.memory_space<semaphore_mem>>) src(%dma_wait3A_111 : memref<25x8x128xf32, #tpu.memory_space<vmem>>) dst(%dma_wait3A_106 : memref<25x8x128xf32, #tpu.memory_space<hbm>>)
      %iota3A = tpu.iota {dimensions = array<i32: 0>} : vector<16xi32>
      %add3A_112 = arith.constant 0 : i32
      %add3A_113 = vector.broadcast %add3A_112 : i32 to vector<16xi32>
      %add3A_114 = arith.addi %iota3A, %add3A_113 : vector<16xi32>
      %iota3A_115 = tpu.iota {dimensions = array<i32: 0>} : vector<16xi32>
      %add3A_116 = arith.constant 16 : i32
      %add3A_117 = vector.broadcast %add3A_116 : i32 to vector<16xi32>
      %add3A_118 = arith.addi %iota3A_115, %add3A_117 : vector<16xi32>
      %iota3A_119 = tpu.iota {dimensions = array<i32: 0>} : vector<16xi32>
      %add3A_120 = arith.constant 32 : i32
      %add3A_121 = vector.broadcast %add3A_120 : i32 to vector<16xi32>
      %add3A_122 = arith.addi %iota3A_119, %add3A_121 : vector<16xi32>
      %iota3A_123 = tpu.iota {dimensions = array<i32: 0>} : vector<16xi32>
      %add3A_124 = arith.constant 48 : i32
      %add3A_125 = vector.broadcast %add3A_124 : i32 to vector<16xi32>
      %add3A_126 = arith.addi %iota3A_123, %add3A_125 : vector<16xi32>
      %iota3A_127 = tpu.iota {dimensions = array<i32: 0>} : vector<16xi32>
      %add3A_128 = arith.constant 64 : i32
      %add3A_129 = vector.broadcast %add3A_128 : i32 to vector<16xi32>
      %add3A_130 = arith.addi %iota3A_127, %add3A_129 : vector<16xi32>
      %iota3A_131 = tpu.iota {dimensions = array<i32: 0>} : vector<16xi32>
      %add3A_132 = arith.constant 80 : i32
      %add3A_133 = vector.broadcast %add3A_132 : i32 to vector<16xi32>
      %add3A_134 = arith.addi %iota3A_131, %add3A_133 : vector<16xi32>
      %iota3A_135 = tpu.iota {dimensions = array<i32: 0>} : vector<16xi32>
      %add3A_136 = arith.constant 96 : i32
      %add3A_137 = vector.broadcast %add3A_136 : i32 to vector<16xi32>
      %add3A_138 = arith.addi %iota3A_135, %add3A_137 : vector<16xi32>
      %iota3A_139 = tpu.iota {dimensions = array<i32: 0>} : vector<16xi32>
      %add3A_140 = arith.constant 112 : i32
      %add3A_141 = vector.broadcast %add3A_140 : i32 to vector<16xi32>
      %add3A_142 = arith.addi %iota3A_139, %add3A_141 : vector<16xi32>
      %broadcast_in_dim3A = arith.constant 0 : i32
      %broadcast_in_dim3A_143 = vector.broadcast %broadcast_in_dim3A : i32 to vector<16xi32>
      %scan3A_144 = arith.constant 0 : i32
      %scan3A_145 = arith.constant 25 : i32
      %scan3A_146 = arith.addi %scan3A_144, %scan3A_145 : i32
      %scan3A_147 = arith.constant 1 : i32
      %scan3A_148 = scf.for %scan3A_181 = %scan3A_144 to %scan3A_146 step %scan3A_147 iter_args(%scan3A_182 = %broadcast_in_dim3A_143) -> (vector<16xi32>)  : i32 {
        %add3A_183 = arith.constant 0 : i32
        %add3A_184 = vector.broadcast %add3A_183 : i32 to vector<16xi32>
        %add3A_185 = arith.addi %scan3A_182, %add3A_184 : vector<16xi32>
        %gather3A = tpu.vector_load_idx %arg6[%add3A_114, %add3A_185] : memref<256x200xf32, #tpu.memory_space<vmem>>[vector<16xi32>, vector<16xi32>], vector<16xf32>,
        %gather3A_186 = tpu.vector_load_idx %arg6[%add3A_118, %add3A_185] : memref<256x200xf32, #tpu.memory_space<vmem>>[vector<16xi32>, vector<16xi32>], vector<16xf32>,
        %gather3A_187 = tpu.vector_load_idx %arg6[%add3A_122, %add3A_185] : memref<256x200xf32, #tpu.memory_space<vmem>>[vector<16xi32>, vector<16xi32>], vector<16xf32>,
        %gather3A_188 = tpu.vector_load_idx %arg6[%add3A_126, %add3A_185] : memref<256x200xf32, #tpu.memory_space<vmem>>[vector<16xi32>, vector<16xi32>], vector<16xf32>,
        %gather3A_189 = tpu.vector_load_idx %arg6[%add3A_130, %add3A_185] : memref<256x200xf32, #tpu.memory_space<vmem>>[vector<16xi32>, vector<16xi32>], vector<16xf32>,
        %gather3A_190 = tpu.vector_load_idx %arg6[%add3A_134, %add3A_185] : memref<256x200xf32, #tpu.memory_space<vmem>>[vector<16xi32>, vector<16xi32>], vector<16xf32>,
        %gather3A_191 = tpu.vector_load_idx %arg6[%add3A_138, %add3A_185] : memref<256x200xf32, #tpu.memory_space<vmem>>[vector<16xi32>, vector<16xi32>], vector<16xf32>,
        %gather3A_192 = tpu.vector_load_idx %arg6[%add3A_142, %add3A_185] : memref<256x200xf32, #tpu.memory_space<vmem>>[vector<16xi32>, vector<16xi32>], vector<16xf32>,
        %swap3A = arith.constant 0 : i32
        %swap3A_193 = arith.constant 0 : i32
        %swap3A_194 = arith.index_cast %swap3A : i32 to index
        %swap3A_195 = arith.index_cast %scan3A_181 : i32 to index
        %swap3A_196 = arith.index_cast %swap3A_193 : i32 to index
        %swap3A_197 = arith.constant 0 : index
        %swap3A_198 = tpu.vector_load %arg7[%swap3A_194, %swap3A_195, %swap3A_196, %swap3A_197] {strides = array<i32>} : memref<2x25x8x128xf32, #tpu.memory_space<vmem>>, vector<16xf32>,
        tpu.vector_store %arg7[%swap3A_194, %swap3A_195, %swap3A_196, %swap3A_197], %gather3A {strides = array<i32>} : memref<2x25x8x128xf32, #tpu.memory_space<vmem>>, vector<16xf32>,
        %swap3A_199 = arith.constant 0 : i32
        %swap3A_200 = arith.constant 0 : i32
        %swap3A_201 = arith.index_cast %swap3A_199 : i32 to index
        %swap3A_202 = arith.index_cast %scan3A_181 : i32 to index
        %swap3A_203 = arith.index_cast %swap3A_200 : i32 to index
        %swap3A_204 = arith.constant 16 : index
        %swap3A_205 = tpu.vector_load %arg7[%swap3A_201, %swap3A_202, %swap3A_203, %swap3A_204] {strides = array<i32>} : memref<2x25x8x128xf32, #tpu.memory_space<vmem>>, vector<16xf32>,
        tpu.vector_store %arg7[%swap3A_201, %swap3A_202, %swap3A_203, %swap3A_204], %gather3A_186 {strides = array<i32>} : memref<2x25x8x128xf32, #tpu.memory_space<vmem>>, vector<16xf32>,
        %swap3A_206 = arith.constant 0 : i32
        %swap3A_207 = arith.constant 0 : i32
        %swap3A_208 = arith.index_cast %swap3A_206 : i32 to index
        %swap3A_209 = arith.index_cast %scan3A_181 : i32 to index
        %swap3A_210 = arith.index_cast %swap3A_207 : i32 to index
        %swap3A_211 = arith.constant 32 : index
        %swap3A_212 = tpu.vector_load %arg7[%swap3A_208, %swap3A_209, %swap3A_210, %swap3A_211] {strides = array<i32>} : memref<2x25x8x128xf32, #tpu.memory_space<vmem>>, vector<16xf32>,
        tpu.vector_store %arg7[%swap3A_208, %swap3A_209, %swap3A_210, %swap3A_211], %gather3A_187 {strides = array<i32>} : memref<2x25x8x128xf32, #tpu.memory_space<vmem>>, vector<16xf32>,
        %swap3A_213 = arith.constant 0 : i32
        %swap3A_214 = arith.constant 0 : i32
        %swap3A_215 = arith.index_cast %swap3A_213 : i32 to index
        %swap3A_216 = arith.index_cast %scan3A_181 : i32 to index
        %swap3A_217 = arith.index_cast %swap3A_214 : i32 to index
        %swap3A_218 = arith.constant 48 : index
        %swap3A_219 = tpu.vector_load %arg7[%swap3A_215, %swap3A_216, %swap3A_217, %swap3A_218] {strides = array<i32>} : memref<2x25x8x128xf32, #tpu.memory_space<vmem>>, vector<16xf32>,
        tpu.vector_store %arg7[%swap3A_215, %swap3A_216, %swap3A_217, %swap3A_218], %gather3A_188 {strides = array<i32>} : memref<2x25x8x128xf32, #tpu.memory_space<vmem>>, vector<16xf32>,
        %swap3A_220 = arith.constant 0 : i32
        %swap3A_221 = arith.constant 0 : i32
        %swap3A_222 = arith.index_cast %swap3A_220 : i32 to index
        %swap3A_223 = arith.index_cast %scan3A_181 : i32 to index
        %swap3A_224 = arith.index_cast %swap3A_221 : i32 to index
        %swap3A_225 = arith.constant 64 : index
        %swap3A_226 = tpu.vector_load %arg7[%swap3A_222, %swap3A_223, %swap3A_224, %swap3A_225] {strides = array<i32>} : memref<2x25x8x128xf32, #tpu.memory_space<vmem>>, vector<16xf32>,
        tpu.vector_store %arg7[%swap3A_222, %swap3A_223, %swap3A_224, %swap3A_225], %gather3A_189 {strides = array<i32>} : memref<2x25x8x128xf32, #tpu.memory_space<vmem>>, vector<16xf32>,
        %swap3A_227 = arith.constant 0 : i32
        %swap3A_228 = arith.constant 0 : i32
        %swap3A_229 = arith.index_cast %swap3A_227 : i32 to index
        %swap3A_230 = arith.index_cast %scan3A_181 : i32 to index
        %swap3A_231 = arith.index_cast %swap3A_228 : i32 to index
        %swap3A_232 = arith.constant 80 : index
        %swap3A_233 = tpu.vector_load %arg7[%swap3A_229, %swap3A_230, %swap3A_231, %swap3A_232] {strides = array<i32>} : memref<2x25x8x128xf32, #tpu.memory_space<vmem>>, vector<16xf32>,
        tpu.vector_store %arg7[%swap3A_229, %swap3A_230, %swap3A_231, %swap3A_232], %gather3A_190 {strides = array<i32>} : memref<2x25x8x128xf32, #tpu.memory_space<vmem>>, vector<16xf32>,
        %swap3A_234 = arith.constant 0 : i32
        %swap3A_235 = arith.constant 0 : i32
        %swap3A_236 = arith.index_cast %swap3A_234 : i32 to index
        %swap3A_237 = arith.index_cast %scan3A_181 : i32 to index
        %swap3A_238 = arith.index_cast %swap3A_235 : i32 to index
        %swap3A_239 = arith.constant 96 : index
        %swap3A_240 = tpu.vector_load %arg7[%swap3A_236, %swap3A_237, %swap3A_238, %swap3A_239] {strides = array<i32>} : memref<2x25x8x128xf32, #tpu.memory_space<vmem>>, vector<16xf32>,
        tpu.vector_store %arg7[%swap3A_236, %swap3A_237, %swap3A_238, %swap3A_239], %gather3A_191 {strides = array<i32>} : memref<2x25x8x128xf32, #tpu.memory_space<vmem>>, vector<16xf32>,
        %swap3A_241 = arith.constant 0 : i32
        %swap3A_242 = arith.constant 0 : i32
        %swap3A_243 = arith.index_cast %swap3A_241 : i32 to index
        %swap3A_244 = arith.index_cast %scan3A_181 : i32 to index
        %swap3A_245 = arith.index_cast %swap3A_242 : i32 to index
        %swap3A_246 = arith.constant 112 : index
        %swap3A_247 = tpu.vector_load %arg7[%swap3A_243, %swap3A_244, %swap3A_245, %swap3A_246] {strides = array<i32>} : memref<2x25x8x128xf32, #tpu.memory_space<vmem>>, vector<16xf32>,
        tpu.vector_store %arg7[%swap3A_243, %swap3A_244, %swap3A_245, %swap3A_246], %gather3A_192 {strides = array<i32>} : memref<2x25x8x128xf32, #tpu.memory_space<vmem>>, vector<16xf32>,
        %add3A_248 = arith.constant 1 : i32
        %add3A_249 = vector.broadcast %add3A_248 : i32 to vector<16xi32>
        %add3A_250 = arith.addi %scan3A_182, %add3A_249 : vector<16xi32>
        %gather3A_251 = tpu.vector_load_idx %arg6[%add3A_114, %add3A_250] : memref<256x200xf32, #tpu.memory_space<vmem>>[vector<16xi32>, vector<16xi32>], vector<16xf32>,
        %gather3A_252 = tpu.vector_load_idx %arg6[%add3A_118, %add3A_250] : memref<256x200xf32, #tpu.memory_space<vmem>>[vector<16xi32>, vector<16xi32>], vector<16xf32>,
        %gather3A_253 = tpu.vector_load_idx %arg6[%add3A_122, %add3A_250] : memref<256x200xf32, #tpu.memory_space<vmem>>[vector<16xi32>, vector<16xi32>], vector<16xf32>,
        %gather3A_254 = tpu.vector_load_idx %arg6[%add3A_126, %add3A_250] : memref<256x200xf32, #tpu.memory_space<vmem>>[vector<16xi32>, vector<16xi32>], vector<16xf32>,
        %gather3A_255 = tpu.vector_load_idx %arg6[%add3A_130, %add3A_250] : memref<256x200xf32, #tpu.memory_space<vmem>>[vector<16xi32>, vector<16xi32>], vector<16xf32>,
        %gather3A_256 = tpu.vector_load_idx %arg6[%add3A_134, %add3A_250] : memref<256x200xf32, #tpu.memory_space<vmem>>[vector<16xi32>, vector<16xi32>], vector<16xf32>,
        %gather3A_257 = tpu.vector_load_idx %arg6[%add3A_138, %add3A_250] : memref<256x200xf32, #tpu.memory_space<vmem>>[vector<16xi32>, vector<16xi32>], vector<16xf32>,
        %gather3A_258 = tpu.vector_load_idx %arg6[%add3A_142, %add3A_250] : memref<256x200xf32, #tpu.memory_space<vmem>>[vector<16xi32>, vector<16xi32>], vector<16xf32>,
        %swap3A_259 = arith.constant 0 : i32
        %swap3A_260 = arith.constant 1 : i32
        %swap3A_261 = arith.index_cast %swap3A_259 : i32 to index
        %swap3A_262 = arith.index_cast %scan3A_181 : i32 to index
        %swap3A_263 = arith.index_cast %swap3A_260 : i32 to index
        %swap3A_264 = arith.constant 0 : index
        %swap3A_265 = tpu.vector_load %arg7[%swap3A_261, %swap3A_262, %swap3A_263, %swap3A_264] {strides = array<i32>} : memref<2x25x8x128xf32, #tpu.memory_space<vmem>>, vector<16xf32>,
        tpu.vector_store %arg7[%swap3A_261, %swap3A_262, %swap3A_263, %swap3A_264], %gather3A_251 {strides = array<i32>} : memref<2x25x8x128xf32, #tpu.memory_space<vmem>>, vector<16xf32>,
        %swap3A_266 = arith.constant 0 : i32
        %swap3A_267 = arith.constant 1 : i32
        %swap3A_268 = arith.index_cast %swap3A_266 : i32 to index
        %swap3A_269 = arith.index_cast %scan3A_181 : i32 to index
        %swap3A_270 = arith.index_cast %swap3A_267 : i32 to index
        %swap3A_271 = arith.constant 16 : index
        %swap3A_272 = tpu.vector_load %arg7[%swap3A_268, %swap3A_269, %swap3A_270, %swap3A_271] {strides = array<i32>} : memref<2x25x8x128xf32, #tpu.memory_space<vmem>>, vector<16xf32>,
        tpu.vector_store %arg7[%swap3A_268, %swap3A_269, %swap3A_270, %swap3A_271], %gather3A_252 {strides = array<i32>} : memref<2x25x8x128xf32, #tpu.memory_space<vmem>>, vector<16xf32>,
        %swap3A_273 = arith.constant 0 : i32
        %swap3A_274 = arith.constant 1 : i32
        %swap3A_275 = arith.index_cast %swap3A_273 : i32 to index
        %swap3A_276 = arith.index_cast %scan3A_181 : i32 to index
        %swap3A_277 = arith.index_cast %swap3A_274 : i32 to index
        %swap3A_278 = arith.constant 32 : index
        %swap3A_279 = tpu.vector_load %arg7[%swap3A_275, %swap3A_276, %swap3A_277, %swap3A_278] {strides = array<i32>} : memref<2x25x8x128xf32, #tpu.memory_space<vmem>>, vector<16xf32>,
        tpu.vector_store %arg7[%swap3A_275, %swap3A_276, %swap3A_277, %swap3A_278], %gather3A_253 {strides = array<i32>} : memref<2x25x8x128xf32, #tpu.memory_space<vmem>>, vector<16xf32>,
        %swap3A_280 = arith.constant 0 : i32
        %swap3A_281 = arith.constant 1 : i32
        %swap3A_282 = arith.index_cast %swap3A_280 : i32 to index
        %swap3A_283 = arith.index_cast %scan3A_181 : i32 to index
        %swap3A_284 = arith.index_cast %swap3A_281 : i32 to index
        %swap3A_285 = arith.constant 48 : index
        %swap3A_286 = tpu.vector_load %arg7[%swap3A_282, %swap3A_283, %swap3A_284, %swap3A_285] {strides = array<i32>} : memref<2x25x8x128xf32, #tpu.memory_space<vmem>>, vector<16xf32>,
        tpu.vector_store %arg7[%swap3A_282, %swap3A_283, %swap3A_284, %swap3A_285], %gather3A_254 {strides = array<i32>} : memref<2x25x8x128xf32, #tpu.memory_space<vmem>>, vector<16xf32>,
        %swap3A_287 = arith.constant 0 : i32
        %swap3A_288 = arith.constant 1 : i32
        %swap3A_289 = arith.index_cast %swap3A_287 : i32 to index
        %swap3A_290 = arith.index_cast %scan3A_181 : i32 to index
        %swap3A_291 = arith.index_cast %swap3A_288 : i32 to index
        %swap3A_292 = arith.constant 64 : index
        %swap3A_293 = tpu.vector_load %arg7[%swap3A_289, %swap3A_290, %swap3A_291, %swap3A_292] {strides = array<i32>} : memref<2x25x8x128xf32, #tpu.memory_space<vmem>>, vector<16xf32>,
        tpu.vector_store %arg7[%swap3A_289, %swap3A_290, %swap3A_291, %swap3A_292], %gather3A_255 {strides = array<i32>} : memref<2x25x8x128xf32, #tpu.memory_space<vmem>>, vector<16xf32>,
        %swap3A_294 = arith.constant 0 : i32
        %swap3A_295 = arith.constant 1 : i32
        %swap3A_296 = arith.index_cast %swap3A_294 : i32 to index
        %swap3A_297 = arith.index_cast %scan3A_181 : i32 to index
        %swap3A_298 = arith.index_cast %swap3A_295 : i32 to index
        %swap3A_299 = arith.constant 80 : index
        %swap3A_300 = tpu.vector_load %arg7[%swap3A_296, %swap3A_297, %swap3A_298, %swap3A_299] {strides = array<i32>} : memref<2x25x8x128xf32, #tpu.memory_space<vmem>>, vector<16xf32>,
        tpu.vector_store %arg7[%swap3A_296, %swap3A_297, %swap3A_298, %swap3A_299], %gather3A_256 {strides = array<i32>} : memref<2x25x8x128xf32, #tpu.memory_space<vmem>>, vector<16xf32>,
        %swap3A_301 = arith.constant 0 : i32
        %swap3A_302 = arith.constant 1 : i32
        %swap3A_303 = arith.index_cast %swap3A_301 : i32 to index
        %swap3A_304 = arith.index_cast %scan3A_181 : i32 to index
        %swap3A_305 = arith.index_cast %swap3A_302 : i32 to index
        %swap3A_306 = arith.constant 96 : index
        %swap3A_307 = tpu.vector_load %arg7[%swap3A_303, %swap3A_304, %swap3A_305, %swap3A_306] {strides = array<i32>} : memref<2x25x8x128xf32, #tpu.memory_space<vmem>>, vector<16xf32>,
        tpu.vector_store %arg7[%swap3A_303, %swap3A_304, %swap3A_305, %swap3A_306], %gather3A_257 {strides = array<i32>} : memref<2x25x8x128xf32, #tpu.memory_space<vmem>>, vector<16xf32>,
        %swap3A_308 = arith.constant 0 : i32
        %swap3A_309 = arith.constant 1 : i32
        %swap3A_310 = arith.index_cast %swap3A_308 : i32 to index
        %swap3A_311 = arith.index_cast %scan3A_181 : i32 to index
        %swap3A_312 = arith.index_cast %swap3A_309 : i32 to index
        %swap3A_313 = arith.constant 112 : index
        %swap3A_314 = tpu.vector_load %arg7[%swap3A_310, %swap3A_311, %swap3A_312, %swap3A_313] {strides = array<i32>} : memref<2x25x8x128xf32, #tpu.memory_space<vmem>>, vector<16xf32>,
        tpu.vector_store %arg7[%swap3A_310, %swap3A_311, %swap3A_312, %swap3A_313], %gather3A_258 {strides = array<i32>} : memref<2x25x8x128xf32, #tpu.memory_space<vmem>>, vector<16xf32>,
        %add3A_315 = arith.constant 2 : i32
        %add3A_316 = vector.broadcast %add3A_315 : i32 to vector<16xi32>
        %add3A_317 = arith.addi %scan3A_182, %add3A_316 : vector<16xi32>
        %gather3A_318 = tpu.vector_load_idx %arg6[%add3A_114, %add3A_317] : memref<256x200xf32, #tpu.memory_space<vmem>>[vector<16xi32>, vector<16xi32>], vector<16xf32>,
        %gather3A_319 = tpu.vector_load_idx %arg6[%add3A_118, %add3A_317] : memref<256x200xf32, #tpu.memory_space<vmem>>[vector<16xi32>, vector<16xi32>], vector<16xf32>,
        %gather3A_320 = tpu.vector_load_idx %arg6[%add3A_122, %add3A_317] : memref<256x200xf32, #tpu.memory_space<vmem>>[vector<16xi32>, vector<16xi32>], vector<16xf32>,
        %gather3A_321 = tpu.vector_load_idx %arg6[%add3A_126, %add3A_317] : memref<256x200xf32, #tpu.memory_space<vmem>>[vector<16xi32>, vector<16xi32>], vector<16xf32>,
        %gather3A_322 = tpu.vector_load_idx %arg6[%add3A_130, %add3A_317] : memref<256x200xf32, #tpu.memory_space<vmem>>[vector<16xi32>, vector<16xi32>], vector<16xf32>,
        %gather3A_323 = tpu.vector_load_idx %arg6[%add3A_134, %add3A_317] : memref<256x200xf32, #tpu.memory_space<vmem>>[vector<16xi32>, vector<16xi32>], vector<16xf32>,
        %gather3A_324 = tpu.vector_load_idx %arg6[%add3A_138, %add3A_317] : memref<256x200xf32, #tpu.memory_space<vmem>>[vector<16xi32>, vector<16xi32>], vector<16xf32>,
        %gather3A_325 = tpu.vector_load_idx %arg6[%add3A_142, %add3A_317] : memref<256x200xf32, #tpu.memory_space<vmem>>[vector<16xi32>, vector<16xi32>], vector<16xf32>,
        %swap3A_326 = arith.constant 0 : i32
        %swap3A_327 = arith.constant 2 : i32
        %swap3A_328 = arith.index_cast %swap3A_326 : i32 to index
        %swap3A_329 = arith.index_cast %scan3A_181 : i32 to index
        %swap3A_330 = arith.index_cast %swap3A_327 : i32 to index
        %swap3A_331 = arith.constant 0 : index
        %swap3A_332 = tpu.vector_load %arg7[%swap3A_328, %swap3A_329, %swap3A_330, %swap3A_331] {strides = array<i32>} : memref<2x25x8x128xf32, #tpu.memory_space<vmem>>, vector<16xf32>,
        tpu.vector_store %arg7[%swap3A_328, %swap3A_329, %swap3A_330, %swap3A_331], %gather3A_318 {strides = array<i32>} : memref<2x25x8x128xf32, #tpu.memory_space<vmem>>, vector<16xf32>,
        %swap3A_333 = arith.constant 0 : i32
        %swap3A_334 = arith.constant 2 : i32
        %swap3A_335 = arith.index_cast %swap3A_333 : i32 to index
        %swap3A_336 = arith.index_cast %scan3A_181 : i32 to index
        %swap3A_337 = arith.index_cast %swap3A_334 : i32 to index
        %swap3A_338 = arith.constant 16 : index
        %swap3A_339 = tpu.vector_load %arg7[%swap3A_335, %swap3A_336, %swap3A_337, %swap3A_338] {strides = array<i32>} : memref<2x25x8x128xf32, #tpu.memory_space<vmem>>, vector<16xf32>,
        tpu.vector_store %arg7[%swap3A_335, %swap3A_336, %swap3A_337, %swap3A_338], %gather3A_319 {strides = array<i32>} : memref<2x25x8x128xf32, #tpu.memory_space<vmem>>, vector<16xf32>,
        %swap3A_340 = arith.constant 0 : i32
        %swap3A_341 = arith.constant 2 : i32
        %swap3A_342 = arith.index_cast %swap3A_340 : i32 to index
        %swap3A_343 = arith.index_cast %scan3A_181 : i32 to index
        %swap3A_344 = arith.index_cast %swap3A_341 : i32 to index
        %swap3A_345 = arith.constant 32 : index
        %swap3A_346 = tpu.vector_load %arg7[%swap3A_342, %swap3A_343, %swap3A_344, %swap3A_345] {strides = array<i32>} : memref<2x25x8x128xf32, #tpu.memory_space<vmem>>, vector<16xf32>,
        tpu.vector_store %arg7[%swap3A_342, %swap3A_343, %swap3A_344, %swap3A_345], %gather3A_320 {strides = array<i32>} : memref<2x25x8x128xf32, #tpu.memory_space<vmem>>, vector<16xf32>,
        %swap3A_347 = arith.constant 0 : i32
        %swap3A_348 = arith.constant 2 : i32
        %swap3A_349 = arith.index_cast %swap3A_347 : i32 to index
        %swap3A_350 = arith.index_cast %scan3A_181 : i32 to index
        %swap3A_351 = arith.index_cast %swap3A_348 : i32 to index
        %swap3A_352 = arith.constant 48 : index
        %swap3A_353 = tpu.vector_load %arg7[%swap3A_349, %swap3A_350, %swap3A_351, %swap3A_352] {strides = array<i32>} : memref<2x25x8x128xf32, #tpu.memory_space<vmem>>, vector<16xf32>,
        tpu.vector_store %arg7[%swap3A_349, %swap3A_350, %swap3A_351, %swap3A_352], %gather3A_321 {strides = array<i32>} : memref<2x25x8x128xf32, #tpu.memory_space<vmem>>, vector<16xf32>,
        %swap3A_354 = arith.constant 0 : i32
        %swap3A_355 = arith.constant 2 : i32
        %swap3A_356 = arith.index_cast %swap3A_354 : i32 to index
        %swap3A_357 = arith.index_cast %scan3A_181 : i32 to index
        %swap3A_358 = arith.index_cast %swap3A_355 : i32 to index
        %swap3A_359 = arith.constant 64 : index
        %swap3A_360 = tpu.vector_load %arg7[%swap3A_356, %swap3A_357, %swap3A_358, %swap3A_359] {strides = array<i32>} : memref<2x25x8x128xf32, #tpu.memory_space<vmem>>, vector<16xf32>,
        tpu.vector_store %arg7[%swap3A_356, %swap3A_357, %swap3A_358, %swap3A_359], %gather3A_322 {strides = array<i32>} : memref<2x25x8x128xf32, #tpu.memory_space<vmem>>, vector<16xf32>,
        %swap3A_361 = arith.constant 0 : i32
        %swap3A_362 = arith.constant 2 : i32
        %swap3A_363 = arith.index_cast %swap3A_361 : i32 to index
        %swap3A_364 = arith.index_cast %scan3A_181 : i32 to index
        %swap3A_365 = arith.index_cast %swap3A_362 : i32 to index
        %swap3A_366 = arith.constant 80 : index
        %swap3A_367 = tpu.vector_load %arg7[%swap3A_363, %swap3A_364, %swap3A_365, %swap3A_366] {strides = array<i32>} : memref<2x25x8x128xf32, #tpu.memory_space<vmem>>, vector<16xf32>,
        tpu.vector_store %arg7[%swap3A_363, %swap3A_364, %swap3A_365, %swap3A_366], %gather3A_323 {strides = array<i32>} : memref<2x25x8x128xf32, #tpu.memory_space<vmem>>, vector<16xf32>,
        %swap3A_368 = arith.constant 0 : i32
        %swap3A_369 = arith.constant 2 : i32
        %swap3A_370 = arith.index_cast %swap3A_368 : i32 to index
        %swap3A_371 = arith.index_cast %scan3A_181 : i32 to index
        %swap3A_372 = arith.index_cast %swap3A_369 : i32 to index
        %swap3A_373 = arith.constant 96 : index
        %swap3A_374 = tpu.vector_load %arg7[%swap3A_370, %swap3A_371, %swap3A_372, %swap3A_373] {strides = array<i32>} : memref<2x25x8x128xf32, #tpu.memory_space<vmem>>, vector<16xf32>,
        tpu.vector_store %arg7[%swap3A_370, %swap3A_371, %swap3A_372, %swap3A_373], %gather3A_324 {strides = array<i32>} : memref<2x25x8x128xf32, #tpu.memory_space<vmem>>, vector<16xf32>,
        %swap3A_375 = arith.constant 0 : i32
        %swap3A_376 = arith.constant 2 : i32
        %swap3A_377 = arith.index_cast %swap3A_375 : i32 to index
        %swap3A_378 = arith.index_cast %scan3A_181 : i32 to index
        %swap3A_379 = arith.index_cast %swap3A_376 : i32 to index
        %swap3A_380 = arith.constant 112 : index
        %swap3A_381 = tpu.vector_load %arg7[%swap3A_377, %swap3A_378, %swap3A_379, %swap3A_380] {strides = array<i32>} : memref<2x25x8x128xf32, #tpu.memory_space<vmem>>, vector<16xf32>,
        tpu.vector_store %arg7[%swap3A_377, %swap3A_378, %swap3A_379, %swap3A_380], %gather3A_325 {strides = array<i32>} : memref<2x25x8x128xf32, #tpu.memory_space<vmem>>, vector<16xf32>,
        %add3A_382 = arith.constant 3 : i32
        %add3A_383 = vector.broadcast %add3A_382 : i32 to vector<16xi32>
        %add3A_384 = arith.addi %scan3A_182, %add3A_383 : vector<16xi32>
        %gather3A_385 = tpu.vector_load_idx %arg6[%add3A_114, %add3A_384] : memref<256x200xf32, #tpu.memory_space<vmem>>[vector<16xi32>, vector<16xi32>], vector<16xf32>,
        %gather3A_386 = tpu.vector_load_idx %arg6[%add3A_118, %add3A_384] : memref<256x200xf32, #tpu.memory_space<vmem>>[vector<16xi32>, vector<16xi32>], vector<16xf32>,
        %gather3A_387 = tpu.vector_load_idx %arg6[%add3A_122, %add3A_384] : memref<256x200xf32, #tpu.memory_space<vmem>>[vector<16xi32>, vector<16xi32>], vector<16xf32>,
        %gather3A_388 = tpu.vector_load_idx %arg6[%add3A_126, %add3A_384] : memref<256x200xf32, #tpu.memory_space<vmem>>[vector<16xi32>, vector<16xi32>], vector<16xf32>,
        %gather3A_389 = tpu.vector_load_idx %arg6[%add3A_130, %add3A_384] : memref<256x200xf32, #tpu.memory_space<vmem>>[vector<16xi32>, vector<16xi32>], vector<16xf32>,
        %gather3A_390 = tpu.vector_load_idx %arg6[%add3A_134, %add3A_384] : memref<256x200xf32, #tpu.memory_space<vmem>>[vector<16xi32>, vector<16xi32>], vector<16xf32>,
        %gather3A_391 = tpu.vector_load_idx %arg6[%add3A_138, %add3A_384] : memref<256x200xf32, #tpu.memory_space<vmem>>[vector<16xi32>, vector<16xi32>], vector<16xf32>,
        %gather3A_392 = tpu.vector_load_idx %arg6[%add3A_142, %add3A_384] : memref<256x200xf32, #tpu.memory_space<vmem>>[vector<16xi32>, vector<16xi32>], vector<16xf32>,
        %swap3A_393 = arith.constant 0 : i32
        %swap3A_394 = arith.constant 3 : i32
        %swap3A_395 = arith.index_cast %swap3A_393 : i32 to index
        %swap3A_396 = arith.index_cast %scan3A_181 : i32 to index
        %swap3A_397 = arith.index_cast %swap3A_394 : i32 to index
        %swap3A_398 = arith.constant 0 : index
        %swap3A_399 = tpu.vector_load %arg7[%swap3A_395, %swap3A_396, %swap3A_397, %swap3A_398] {strides = array<i32>} : memref<2x25x8x128xf32, #tpu.memory_space<vmem>>, vector<16xf32>,
        tpu.vector_store %arg7[%swap3A_395, %swap3A_396, %swap3A_397, %swap3A_398], %gather3A_385 {strides = array<i32>} : memref<2x25x8x128xf32, #tpu.memory_space<vmem>>, vector<16xf32>,
        %swap3A_400 = arith.constant 0 : i32
        %swap3A_401 = arith.constant 3 : i32
        %swap3A_402 = arith.index_cast %swap3A_400 : i32 to index
        %swap3A_403 = arith.index_cast %scan3A_181 : i32 to index
        %swap3A_404 = arith.index_cast %swap3A_401 : i32 to index
        %swap3A_405 = arith.constant 16 : index
        %swap3A_406 = tpu.vector_load %arg7[%swap3A_402, %swap3A_403, %swap3A_404, %swap3A_405] {strides = array<i32>} : memref<2x25x8x128xf32, #tpu.memory_space<vmem>>, vector<16xf32>,
        tpu.vector_store %arg7[%swap3A_402, %swap3A_403, %swap3A_404, %swap3A_405], %gather3A_386 {strides = array<i32>} : memref<2x25x8x128xf32, #tpu.memory_space<vmem>>, vector<16xf32>,
        %swap3A_407 = arith.constant 0 : i32
        %swap3A_408 = arith.constant 3 : i32
        %swap3A_409 = arith.index_cast %swap3A_407 : i32 to index
        %swap3A_410 = arith.index_cast %scan3A_181 : i32 to index
        %swap3A_411 = arith.index_cast %swap3A_408 : i32 to index
        %swap3A_412 = arith.constant 32 : index
        %swap3A_413 = tpu.vector_load %arg7[%swap3A_409, %swap3A_410, %swap3A_411, %swap3A_412] {strides = array<i32>} : memref<2x25x8x128xf32, #tpu.memory_space<vmem>>, vector<16xf32>,
        tpu.vector_store %arg7[%swap3A_409, %swap3A_410, %swap3A_411, %swap3A_412], %gather3A_387 {strides = array<i32>} : memref<2x25x8x128xf32, #tpu.memory_space<vmem>>, vector<16xf32>,
        %swap3A_414 = arith.constant 0 : i32
        %swap3A_415 = arith.constant 3 : i32
        %swap3A_416 = arith.index_cast %swap3A_414 : i32 to index
        %swap3A_417 = arith.index_cast %scan3A_181 : i32 to index
        %swap3A_418 = arith.index_cast %swap3A_415 : i32 to index
        %swap3A_419 = arith.constant 48 : index
        %swap3A_420 = tpu.vector_load %arg7[%swap3A_416, %swap3A_417, %swap3A_418, %swap3A_419] {strides = array<i32>} : memref<2x25x8x128xf32, #tpu.memory_space<vmem>>, vector<16xf32>,
        tpu.vector_store %arg7[%swap3A_416, %swap3A_417, %swap3A_418, %swap3A_419], %gather3A_388 {strides = array<i32>} : memref<2x25x8x128xf32, #tpu.memory_space<vmem>>, vector<16xf32>,
        %swap3A_421 = arith.constant 0 : i32
        %swap3A_422 = arith.constant 3 : i32
        %swap3A_423 = arith.index_cast %swap3A_421 : i32 to index
        %swap3A_424 = arith.index_cast %scan3A_181 : i32 to index
        %swap3A_425 = arith.index_cast %swap3A_422 : i32 to index
        %swap3A_426 = arith.constant 64 : index
        %swap3A_427 = tpu.vector_load %arg7[%swap3A_423, %swap3A_424, %swap3A_425, %swap3A_426] {strides = array<i32>} : memref<2x25x8x128xf32, #tpu.memory_space<vmem>>, vector<16xf32>,
        tpu.vector_store %arg7[%swap3A_423, %swap3A_424, %swap3A_425, %swap3A_426], %gather3A_389 {strides = array<i32>} : memref<2x25x8x128xf32, #tpu.memory_space<vmem>>, vector<16xf32>,
        %swap3A_428 = arith.constant 0 : i32
        %swap3A_429 = arith.constant 3 : i32
        %swap3A_430 = arith.index_cast %swap3A_428 : i32 to index
        %swap3A_431 = arith.index_cast %scan3A_181 : i32 to index
        %swap3A_432 = arith.index_cast %swap3A_429 : i32 to index
        %swap3A_433 = arith.constant 80 : index
        %swap3A_434 = tpu.vector_load %arg7[%swap3A_430, %swap3A_431, %swap3A_432, %swap3A_433] {strides = array<i32>} : memref<2x25x8x128xf32, #tpu.memory_space<vmem>>, vector<16xf32>,
        tpu.vector_store %arg7[%swap3A_430, %swap3A_431, %swap3A_432, %swap3A_433], %gather3A_390 {strides = array<i32>} : memref<2x25x8x128xf32, #tpu.memory_space<vmem>>, vector<16xf32>,
        %swap3A_435 = arith.constant 0 : i32
        %swap3A_436 = arith.constant 3 : i32
        %swap3A_437 = arith.index_cast %swap3A_435 : i32 to index
        %swap3A_438 = arith.index_cast %scan3A_181 : i32 to index
        %swap3A_439 = arith.index_cast %swap3A_436 : i32 to index
        %swap3A_440 = arith.constant 96 : index
        %swap3A_441 = tpu.vector_load %arg7[%swap3A_437, %swap3A_438, %swap3A_439, %swap3A_440] {strides = array<i32>} : memref<2x25x8x128xf32, #tpu.memory_space<vmem>>, vector<16xf32>,
        tpu.vector_store %arg7[%swap3A_437, %swap3A_438, %swap3A_439, %swap3A_440], %gather3A_391 {strides = array<i32>} : memref<2x25x8x128xf32, #tpu.memory_space<vmem>>, vector<16xf32>,
        %swap3A_442 = arith.constant 0 : i32
        %swap3A_443 = arith.constant 3 : i32
        %swap3A_444 = arith.index_cast %swap3A_442 : i32 to index
        %swap3A_445 = arith.index_cast %scan3A_181 : i32 to index
        %swap3A_446 = arith.index_cast %swap3A_443 : i32 to index
        %swap3A_447 = arith.constant 112 : index
        %swap3A_448 = tpu.vector_load %arg7[%swap3A_444, %swap3A_445, %swap3A_446, %swap3A_447] {strides = array<i32>} : memref<2x25x8x128xf32, #tpu.memory_space<vmem>>, vector<16xf32>,
        tpu.vector_store %arg7[%swap3A_444, %swap3A_445, %swap3A_446, %swap3A_447], %gather3A_392 {strides = array<i32>} : memref<2x25x8x128xf32, #tpu.memory_space<vmem>>, vector<16xf32>,
        %add3A_449 = arith.constant 4 : i32
        %add3A_450 = vector.broadcast %add3A_449 : i32 to vector<16xi32>
        %add3A_451 = arith.addi %scan3A_182, %add3A_450 : vector<16xi32>
        %gather3A_452 = tpu.vector_load_idx %arg6[%add3A_114, %add3A_451] : memref<256x200xf32, #tpu.memory_space<vmem>>[vector<16xi32>, vector<16xi32>], vector<16xf32>,
        %gather3A_453 = tpu.vector_load_idx %arg6[%add3A_118, %add3A_451] : memref<256x200xf32, #tpu.memory_space<vmem>>[vector<16xi32>, vector<16xi32>], vector<16xf32>,
        %gather3A_454 = tpu.vector_load_idx %arg6[%add3A_122, %add3A_451] : memref<256x200xf32, #tpu.memory_space<vmem>>[vector<16xi32>, vector<16xi32>], vector<16xf32>,
        %gather3A_455 = tpu.vector_load_idx %arg6[%add3A_126, %add3A_451] : memref<256x200xf32, #tpu.memory_space<vmem>>[vector<16xi32>, vector<16xi32>], vector<16xf32>,
        %gather3A_456 = tpu.vector_load_idx %arg6[%add3A_130, %add3A_451] : memref<256x200xf32, #tpu.memory_space<vmem>>[vector<16xi32>, vector<16xi32>], vector<16xf32>,
        %gather3A_457 = tpu.vector_load_idx %arg6[%add3A_134, %add3A_451] : memref<256x200xf32, #tpu.memory_space<vmem>>[vector<16xi32>, vector<16xi32>], vector<16xf32>,
        %gather3A_458 = tpu.vector_load_idx %arg6[%add3A_138, %add3A_451] : memref<256x200xf32, #tpu.memory_space<vmem>>[vector<16xi32>, vector<16xi32>], vector<16xf32>,
        %gather3A_459 = tpu.vector_load_idx %arg6[%add3A_142, %add3A_451] : memref<256x200xf32, #tpu.memory_space<vmem>>[vector<16xi32>, vector<16xi32>], vector<16xf32>,
        %swap3A_460 = arith.constant 0 : i32
        %swap3A_461 = arith.constant 4 : i32
        %swap3A_462 = arith.index_cast %swap3A_460 : i32 to index
        %swap3A_463 = arith.index_cast %scan3A_181 : i32 to index
        %swap3A_464 = arith.index_cast %swap3A_461 : i32 to index
        %swap3A_465 = arith.constant 0 : index
        %swap3A_466 = tpu.vector_load %arg7[%swap3A_462, %swap3A_463, %swap3A_464, %swap3A_465] {strides = array<i32>} : memref<2x25x8x128xf32, #tpu.memory_space<vmem>>, vector<16xf32>,
        tpu.vector_store %arg7[%swap3A_462, %swap3A_463, %swap3A_464, %swap3A_465], %gather3A_452 {strides = array<i32>} : memref<2x25x8x128xf32, #tpu.memory_space<vmem>>, vector<16xf32>,
        %swap3A_467 = arith.constant 0 : i32
        %swap3A_468 = arith.constant 4 : i32
        %swap3A_469 = arith.index_cast %swap3A_467 : i32 to index
        %swap3A_470 = arith.index_cast %scan3A_181 : i32 to index
        %swap3A_471 = arith.index_cast %swap3A_468 : i32 to index
        %swap3A_472 = arith.constant 16 : index
        %swap3A_473 = tpu.vector_load %arg7[%swap3A_469, %swap3A_470, %swap3A_471, %swap3A_472] {strides = array<i32>} : memref<2x25x8x128xf32, #tpu.memory_space<vmem>>, vector<16xf32>,
        tpu.vector_store %arg7[%swap3A_469, %swap3A_470, %swap3A_471, %swap3A_472], %gather3A_453 {strides = array<i32>} : memref<2x25x8x128xf32, #tpu.memory_space<vmem>>, vector<16xf32>,
        %swap3A_474 = arith.constant 0 : i32
        %swap3A_475 = arith.constant 4 : i32
        %swap3A_476 = arith.index_cast %swap3A_474 : i32 to index
        %swap3A_477 = arith.index_cast %scan3A_181 : i32 to index
        %swap3A_478 = arith.index_cast %swap3A_475 : i32 to index
        %swap3A_479 = arith.constant 32 : index
        %swap3A_480 = tpu.vector_load %arg7[%swap3A_476, %swap3A_477, %swap3A_478, %swap3A_479] {strides = array<i32>} : memref<2x25x8x128xf32, #tpu.memory_space<vmem>>, vector<16xf32>,
        tpu.vector_store %arg7[%swap3A_476, %swap3A_477, %swap3A_478, %swap3A_479], %gather3A_454 {strides = array<i32>} : memref<2x25x8x128xf32, #tpu.memory_space<vmem>>, vector<16xf32>,
        %swap3A_481 = arith.constant 0 : i32
        %swap3A_482 = arith.constant 4 : i32
        %swap3A_483 = arith.index_cast %swap3A_481 : i32 to index
        %swap3A_484 = arith.index_cast %scan3A_181 : i32 to index
        %swap3A_485 = arith.index_cast %swap3A_482 : i32 to index
        %swap3A_486 = arith.constant 48 : index
        %swap3A_487 = tpu.vector_load %arg7[%swap3A_483, %swap3A_484, %swap3A_485, %swap3A_486] {strides = array<i32>} : memref<2x25x8x128xf32, #tpu.memory_space<vmem>>, vector<16xf32>,
        tpu.vector_store %arg7[%swap3A_483, %swap3A_484, %swap3A_485, %swap3A_486], %gather3A_455 {strides = array<i32>} : memref<2x25x8x128xf32, #tpu.memory_space<vmem>>, vector<16xf32>,
        %swap3A_488 = arith.constant 0 : i32
        %swap3A_489 = arith.constant 4 : i32
        %swap3A_490 = arith.index_cast %swap3A_488 : i32 to index
        %swap3A_491 = arith.index_cast %scan3A_181 : i32 to index
        %swap3A_492 = arith.index_cast %swap3A_489 : i32 to index
        %swap3A_493 = arith.constant 64 : index
        %swap3A_494 = tpu.vector_load %arg7[%swap3A_490, %swap3A_491, %swap3A_492, %swap3A_493] {strides = array<i32>} : memref<2x25x8x128xf32, #tpu.memory_space<vmem>>, vector<16xf32>,
        tpu.vector_store %arg7[%swap3A_490, %swap3A_491, %swap3A_492, %swap3A_493], %gather3A_456 {strides = array<i32>} : memref<2x25x8x128xf32, #tpu.memory_space<vmem>>, vector<16xf32>,
        %swap3A_495 = arith.constant 0 : i32
        %swap3A_496 = arith.constant 4 : i32
        %swap3A_497 = arith.index_cast %swap3A_495 : i32 to index
        %swap3A_498 = arith.index_cast %scan3A_181 : i32 to index
        %swap3A_499 = arith.index_cast %swap3A_496 : i32 to index
        %swap3A_500 = arith.constant 80 : index
        %swap3A_501 = tpu.vector_load %arg7[%swap3A_497, %swap3A_498, %swap3A_499, %swap3A_500] {strides = array<i32>} : memref<2x25x8x128xf32, #tpu.memory_space<vmem>>, vector<16xf32>,
        tpu.vector_store %arg7[%swap3A_497, %swap3A_498, %swap3A_499, %swap3A_500], %gather3A_457 {strides = array<i32>} : memref<2x25x8x128xf32, #tpu.memory_space<vmem>>, vector<16xf32>,
        %swap3A_502 = arith.constant 0 : i32
        %swap3A_503 = arith.constant 4 : i32
        %swap3A_504 = arith.index_cast %swap3A_502 : i32 to index
        %swap3A_505 = arith.index_cast %scan3A_181 : i32 to index
        %swap3A_506 = arith.index_cast %swap3A_503 : i32 to index
        %swap3A_507 = arith.constant 96 : index
        %swap3A_508 = tpu.vector_load %arg7[%swap3A_504, %swap3A_505, %swap3A_506, %swap3A_507] {strides = array<i32>} : memref<2x25x8x128xf32, #tpu.memory_space<vmem>>, vector<16xf32>,
        tpu.vector_store %arg7[%swap3A_504, %swap3A_505, %swap3A_506, %swap3A_507], %gather3A_458 {strides = array<i32>} : memref<2x25x8x128xf32, #tpu.memory_space<vmem>>, vector<16xf32>,
        %swap3A_509 = arith.constant 0 : i32
        %swap3A_510 = arith.constant 4 : i32
        %swap3A_511 = arith.index_cast %swap3A_509 : i32 to index
        %swap3A_512 = arith.index_cast %scan3A_181 : i32 to index
        %swap3A_513 = arith.index_cast %swap3A_510 : i32 to index
        %swap3A_514 = arith.constant 112 : index
        %swap3A_515 = tpu.vector_load %arg7[%swap3A_511, %swap3A_512, %swap3A_513, %swap3A_514] {strides = array<i32>} : memref<2x25x8x128xf32, #tpu.memory_space<vmem>>, vector<16xf32>,
        tpu.vector_store %arg7[%swap3A_511, %swap3A_512, %swap3A_513, %swap3A_514], %gather3A_459 {strides = array<i32>} : memref<2x25x8x128xf32, #tpu.memory_space<vmem>>, vector<16xf32>,
        %add3A_516 = arith.constant 5 : i32
        %add3A_517 = vector.broadcast %add3A_516 : i32 to vector<16xi32>
        %add3A_518 = arith.addi %scan3A_182, %add3A_517 : vector<16xi32>
        %gather3A_519 = tpu.vector_load_idx %arg6[%add3A_114, %add3A_518] : memref<256x200xf32, #tpu.memory_space<vmem>>[vector<16xi32>, vector<16xi32>], vector<16xf32>,
        %gather3A_520 = tpu.vector_load_idx %arg6[%add3A_118, %add3A_518] : memref<256x200xf32, #tpu.memory_space<vmem>>[vector<16xi32>, vector<16xi32>], vector<16xf32>,
        %gather3A_521 = tpu.vector_load_idx %arg6[%add3A_122, %add3A_518] : memref<256x200xf32, #tpu.memory_space<vmem>>[vector<16xi32>, vector<16xi32>], vector<16xf32>,
        %gather3A_522 = tpu.vector_load_idx %arg6[%add3A_126, %add3A_518] : memref<256x200xf32, #tpu.memory_space<vmem>>[vector<16xi32>, vector<16xi32>], vector<16xf32>,
        %gather3A_523 = tpu.vector_load_idx %arg6[%add3A_130, %add3A_518] : memref<256x200xf32, #tpu.memory_space<vmem>>[vector<16xi32>, vector<16xi32>], vector<16xf32>,
        %gather3A_524 = tpu.vector_load_idx %arg6[%add3A_134, %add3A_518] : memref<256x200xf32, #tpu.memory_space<vmem>>[vector<16xi32>, vector<16xi32>], vector<16xf32>,
        %gather3A_525 = tpu.vector_load_idx %arg6[%add3A_138, %add3A_518] : memref<256x200xf32, #tpu.memory_space<vmem>>[vector<16xi32>, vector<16xi32>], vector<16xf32>,
        %gather3A_526 = tpu.vector_load_idx %arg6[%add3A_142, %add3A_518] : memref<256x200xf32, #tpu.memory_space<vmem>>[vector<16xi32>, vector<16xi32>], vector<16xf32>,
        %swap3A_527 = arith.constant 0 : i32
        %swap3A_528 = arith.constant 5 : i32
        %swap3A_529 = arith.index_cast %swap3A_527 : i32 to index
        %swap3A_530 = arith.index_cast %scan3A_181 : i32 to index
        %swap3A_531 = arith.index_cast %swap3A_528 : i32 to index
        %swap3A_532 = arith.constant 0 : index
        %swap3A_533 = tpu.vector_load %arg7[%swap3A_529, %swap3A_530, %swap3A_531, %swap3A_532] {strides = array<i32>} : memref<2x25x8x128xf32, #tpu.memory_space<vmem>>, vector<16xf32>,
        tpu.vector_store %arg7[%swap3A_529, %swap3A_530, %swap3A_531, %swap3A_532], %gather3A_519 {strides = array<i32>} : memref<2x25x8x128xf32, #tpu.memory_space<vmem>>, vector<16xf32>,
        %swap3A_534 = arith.constant 0 : i32
        %swap3A_535 = arith.constant 5 : i32
        %swap3A_536 = arith.index_cast %swap3A_534 : i32 to index
        %swap3A_537 = arith.index_cast %scan3A_181 : i32 to index
        %swap3A_538 = arith.index_cast %swap3A_535 : i32 to index
        %swap3A_539 = arith.constant 16 : index
        %swap3A_540 = tpu.vector_load %arg7[%swap3A_536, %swap3A_537, %swap3A_538, %swap3A_539] {strides = array<i32>} : memref<2x25x8x128xf32, #tpu.memory_space<vmem>>, vector<16xf32>,
        tpu.vector_store %arg7[%swap3A_536, %swap3A_537, %swap3A_538, %swap3A_539], %gather3A_520 {strides = array<i32>} : memref<2x25x8x128xf32, #tpu.memory_space<vmem>>, vector<16xf32>,
        %swap3A_541 = arith.constant 0 : i32
        %swap3A_542 = arith.constant 5 : i32
        %swap3A_543 = arith.index_cast %swap3A_541 : i32 to index
        %swap3A_544 = arith.index_cast %scan3A_181 : i32 to index
        %swap3A_545 = arith.index_cast %swap3A_542 : i32 to index
        %swap3A_546 = arith.constant 32 : index
        %swap3A_547 = tpu.vector_load %arg7[%swap3A_543, %swap3A_544, %swap3A_545, %swap3A_546] {strides = array<i32>} : memref<2x25x8x128xf32, #tpu.memory_space<vmem>>, vector<16xf32>,
        tpu.vector_store %arg7[%swap3A_543, %swap3A_544, %swap3A_545, %swap3A_546], %gather3A_521 {strides = array<i32>} : memref<2x25x8x128xf32, #tpu.memory_space<vmem>>, vector<16xf32>,
        %swap3A_548 = arith.constant 0 : i32
        %swap3A_549 = arith.constant 5 : i32
        %swap3A_550 = arith.index_cast %swap3A_548 : i32 to index
        %swap3A_551 = arith.index_cast %scan3A_181 : i32 to index
        %swap3A_552 = arith.index_cast %swap3A_549 : i32 to index
        %swap3A_553 = arith.constant 48 : index
        %swap3A_554 = tpu.vector_load %arg7[%swap3A_550, %swap3A_551, %swap3A_552, %swap3A_553] {strides = array<i32>} : memref<2x25x8x128xf32, #tpu.memory_space<vmem>>, vector<16xf32>,
        tpu.vector_store %arg7[%swap3A_550, %swap3A_551, %swap3A_552, %swap3A_553], %gather3A_522 {strides = array<i32>} : memref<2x25x8x128xf32, #tpu.memory_space<vmem>>, vector<16xf32>,
        %swap3A_555 = arith.constant 0 : i32
        %swap3A_556 = arith.constant 5 : i32
        %swap3A_557 = arith.index_cast %swap3A_555 : i32 to index
        %swap3A_558 = arith.index_cast %scan3A_181 : i32 to index
        %swap3A_559 = arith.index_cast %swap3A_556 : i32 to index
        %swap3A_560 = arith.constant 64 : index
        %swap3A_561 = tpu.vector_load %arg7[%swap3A_557, %swap3A_558, %swap3A_559, %swap3A_560] {strides = array<i32>} : memref<2x25x8x128xf32, #tpu.memory_space<vmem>>, vector<16xf32>,
        tpu.vector_store %arg7[%swap3A_557, %swap3A_558, %swap3A_559, %swap3A_560], %gather3A_523 {strides = array<i32>} : memref<2x25x8x128xf32, #tpu.memory_space<vmem>>, vector<16xf32>,
        %swap3A_562 = arith.constant 0 : i32
        %swap3A_563 = arith.constant 5 : i32
        %swap3A_564 = arith.index_cast %swap3A_562 : i32 to index
        %swap3A_565 = arith.index_cast %scan3A_181 : i32 to index
        %swap3A_566 = arith.index_cast %swap3A_563 : i32 to index
        %swap3A_567 = arith.constant 80 : index
        %swap3A_568 = tpu.vector_load %arg7[%swap3A_564, %swap3A_565, %swap3A_566, %swap3A_567] {strides = array<i32>} : memref<2x25x8x128xf32, #tpu.memory_space<vmem>>, vector<16xf32>,
        tpu.vector_store %arg7[%swap3A_564, %swap3A_565, %swap3A_566, %swap3A_567], %gather3A_524 {strides = array<i32>} : memref<2x25x8x128xf32, #tpu.memory_space<vmem>>, vector<16xf32>,
        %swap3A_569 = arith.constant 0 : i32
        %swap3A_570 = arith.constant 5 : i32
        %swap3A_571 = arith.index_cast %swap3A_569 : i32 to index
        %swap3A_572 = arith.index_cast %scan3A_181 : i32 to index
        %swap3A_573 = arith.index_cast %swap3A_570 : i32 to index
        %swap3A_574 = arith.constant 96 : index
        %swap3A_575 = tpu.vector_load %arg7[%swap3A_571, %swap3A_572, %swap3A_573, %swap3A_574] {strides = array<i32>} : memref<2x25x8x128xf32, #tpu.memory_space<vmem>>, vector<16xf32>,
        tpu.vector_store %arg7[%swap3A_571, %swap3A_572, %swap3A_573, %swap3A_574], %gather3A_525 {strides = array<i32>} : memref<2x25x8x128xf32, #tpu.memory_space<vmem>>, vector<16xf32>,
        %swap3A_576 = arith.constant 0 : i32
        %swap3A_577 = arith.constant 5 : i32
        %swap3A_578 = arith.index_cast %swap3A_576 : i32 to index
        %swap3A_579 = arith.index_cast %scan3A_181 : i32 to index
        %swap3A_580 = arith.index_cast %swap3A_577 : i32 to index
        %swap3A_581 = arith.constant 112 : index
        %swap3A_582 = tpu.vector_load %arg7[%swap3A_578, %swap3A_579, %swap3A_580, %swap3A_581] {strides = array<i32>} : memref<2x25x8x128xf32, #tpu.memory_space<vmem>>, vector<16xf32>,
        tpu.vector_store %arg7[%swap3A_578, %swap3A_579, %swap3A_580, %swap3A_581], %gather3A_526 {strides = array<i32>} : memref<2x25x8x128xf32, #tpu.memory_space<vmem>>, vector<16xf32>,
        %add3A_583 = arith.constant 6 : i32
        %add3A_584 = vector.broadcast %add3A_583 : i32 to vector<16xi32>
        %add3A_585 = arith.addi %scan3A_182, %add3A_584 : vector<16xi32>
        %gather3A_586 = tpu.vector_load_idx %arg6[%add3A_114, %add3A_585] : memref<256x200xf32, #tpu.memory_space<vmem>>[vector<16xi32>, vector<16xi32>], vector<16xf32>,
        %gather3A_587 = tpu.vector_load_idx %arg6[%add3A_118, %add3A_585] : memref<256x200xf32, #tpu.memory_space<vmem>>[vector<16xi32>, vector<16xi32>], vector<16xf32>,
        %gather3A_588 = tpu.vector_load_idx %arg6[%add3A_122, %add3A_585] : memref<256x200xf32, #tpu.memory_space<vmem>>[vector<16xi32>, vector<16xi32>], vector<16xf32>,
        %gather3A_589 = tpu.vector_load_idx %arg6[%add3A_126, %add3A_585] : memref<256x200xf32, #tpu.memory_space<vmem>>[vector<16xi32>, vector<16xi32>], vector<16xf32>,
        %gather3A_590 = tpu.vector_load_idx %arg6[%add3A_130, %add3A_585] : memref<256x200xf32, #tpu.memory_space<vmem>>[vector<16xi32>, vector<16xi32>], vector<16xf32>,
        %gather3A_591 = tpu.vector_load_idx %arg6[%add3A_134, %add3A_585] : memref<256x200xf32, #tpu.memory_space<vmem>>[vector<16xi32>, vector<16xi32>], vector<16xf32>,
        %gather3A_592 = tpu.vector_load_idx %arg6[%add3A_138, %add3A_585] : memref<256x200xf32, #tpu.memory_space<vmem>>[vector<16xi32>, vector<16xi32>], vector<16xf32>,
        %gather3A_593 = tpu.vector_load_idx %arg6[%add3A_142, %add3A_585] : memref<256x200xf32, #tpu.memory_space<vmem>>[vector<16xi32>, vector<16xi32>], vector<16xf32>,
        %swap3A_594 = arith.constant 0 : i32
        %swap3A_595 = arith.constant 6 : i32
        %swap3A_596 = arith.index_cast %swap3A_594 : i32 to index
        %swap3A_597 = arith.index_cast %scan3A_181 : i32 to index
        %swap3A_598 = arith.index_cast %swap3A_595 : i32 to index
        %swap3A_599 = arith.constant 0 : index
        %swap3A_600 = tpu.vector_load %arg7[%swap3A_596, %swap3A_597, %swap3A_598, %swap3A_599] {strides = array<i32>} : memref<2x25x8x128xf32, #tpu.memory_space<vmem>>, vector<16xf32>,
        tpu.vector_store %arg7[%swap3A_596, %swap3A_597, %swap3A_598, %swap3A_599], %gather3A_586 {strides = array<i32>} : memref<2x25x8x128xf32, #tpu.memory_space<vmem>>, vector<16xf32>,
        %swap3A_601 = arith.constant 0 : i32
        %swap3A_602 = arith.constant 6 : i32
        %swap3A_603 = arith.index_cast %swap3A_601 : i32 to index
        %swap3A_604 = arith.index_cast %scan3A_181 : i32 to index
        %swap3A_605 = arith.index_cast %swap3A_602 : i32 to index
        %swap3A_606 = arith.constant 16 : index
        %swap3A_607 = tpu.vector_load %arg7[%swap3A_603, %swap3A_604, %swap3A_605, %swap3A_606] {strides = array<i32>} : memref<2x25x8x128xf32, #tpu.memory_space<vmem>>, vector<16xf32>,
        tpu.vector_store %arg7[%swap3A_603, %swap3A_604, %swap3A_605, %swap3A_606], %gather3A_587 {strides = array<i32>} : memref<2x25x8x128xf32, #tpu.memory_space<vmem>>, vector<16xf32>,
        %swap3A_608 = arith.constant 0 : i32
        %swap3A_609 = arith.constant 6 : i32
        %swap3A_610 = arith.index_cast %swap3A_608 : i32 to index
        %swap3A_611 = arith.index_cast %scan3A_181 : i32 to index
        %swap3A_612 = arith.index_cast %swap3A_609 : i32 to index
        %swap3A_613 = arith.constant 32 : index
        %swap3A_614 = tpu.vector_load %arg7[%swap3A_610, %swap3A_611, %swap3A_612, %swap3A_613] {strides = array<i32>} : memref<2x25x8x128xf32, #tpu.memory_space<vmem>>, vector<16xf32>,
        tpu.vector_store %arg7[%swap3A_610, %swap3A_611, %swap3A_612, %swap3A_613], %gather3A_588 {strides = array<i32>} : memref<2x25x8x128xf32, #tpu.memory_space<vmem>>, vector<16xf32>,
        %swap3A_615 = arith.constant 0 : i32
        %swap3A_616 = arith.constant 6 : i32
        %swap3A_617 = arith.index_cast %swap3A_615 : i32 to index
        %swap3A_618 = arith.index_cast %scan3A_181 : i32 to index
        %swap3A_619 = arith.index_cast %swap3A_616 : i32 to index
        %swap3A_620 = arith.constant 48 : index
        %swap3A_621 = tpu.vector_load %arg7[%swap3A_617, %swap3A_618, %swap3A_619, %swap3A_620] {strides = array<i32>} : memref<2x25x8x128xf32, #tpu.memory_space<vmem>>, vector<16xf32>,
        tpu.vector_store %arg7[%swap3A_617, %swap3A_618, %swap3A_619, %swap3A_620], %gather3A_589 {strides = array<i32>} : memref<2x25x8x128xf32, #tpu.memory_space<vmem>>, vector<16xf32>,
        %swap3A_622 = arith.constant 0 : i32
        %swap3A_623 = arith.constant 6 : i32
        %swap3A_624 = arith.index_cast %swap3A_622 : i32 to index
        %swap3A_625 = arith.index_cast %scan3A_181 : i32 to index
        %swap3A_626 = arith.index_cast %swap3A_623 : i32 to index
        %swap3A_627 = arith.constant 64 : index
        %swap3A_628 = tpu.vector_load %arg7[%swap3A_624, %swap3A_625, %swap3A_626, %swap3A_627] {strides = array<i32>} : memref<2x25x8x128xf32, #tpu.memory_space<vmem>>, vector<16xf32>,
        tpu.vector_store %arg7[%swap3A_624, %swap3A_625, %swap3A_626, %swap3A_627], %gather3A_590 {strides = array<i32>} : memref<2x25x8x128xf32, #tpu.memory_space<vmem>>, vector<16xf32>,
        %swap3A_629 = arith.constant 0 : i32
        %swap3A_630 = arith.constant 6 : i32
        %swap3A_631 = arith.index_cast %swap3A_629 : i32 to index
        %swap3A_632 = arith.index_cast %scan3A_181 : i32 to index
        %swap3A_633 = arith.index_cast %swap3A_630 : i32 to index
        %swap3A_634 = arith.constant 80 : index
        %swap3A_635 = tpu.vector_load %arg7[%swap3A_631, %swap3A_632, %swap3A_633, %swap3A_634] {strides = array<i32>} : memref<2x25x8x128xf32, #tpu.memory_space<vmem>>, vector<16xf32>,
        tpu.vector_store %arg7[%swap3A_631, %swap3A_632, %swap3A_633, %swap3A_634], %gather3A_591 {strides = array<i32>} : memref<2x25x8x128xf32, #tpu.memory_space<vmem>>, vector<16xf32>,
        %swap3A_636 = arith.constant 0 : i32
        %swap3A_637 = arith.constant 6 : i32
        %swap3A_638 = arith.index_cast %swap3A_636 : i32 to index
        %swap3A_639 = arith.index_cast %scan3A_181 : i32 to index
        %swap3A_640 = arith.index_cast %swap3A_637 : i32 to index
        %swap3A_641 = arith.constant 96 : index
        %swap3A_642 = tpu.vector_load %arg7[%swap3A_638, %swap3A_639, %swap3A_640, %swap3A_641] {strides = array<i32>} : memref<2x25x8x128xf32, #tpu.memory_space<vmem>>, vector<16xf32>,
        tpu.vector_store %arg7[%swap3A_638, %swap3A_639, %swap3A_640, %swap3A_641], %gather3A_592 {strides = array<i32>} : memref<2x25x8x128xf32, #tpu.memory_space<vmem>>, vector<16xf32>,
        %swap3A_643 = arith.constant 0 : i32
        %swap3A_644 = arith.constant 6 : i32
        %swap3A_645 = arith.index_cast %swap3A_643 : i32 to index
        %swap3A_646 = arith.index_cast %scan3A_181 : i32 to index
        %swap3A_647 = arith.index_cast %swap3A_644 : i32 to index
        %swap3A_648 = arith.constant 112 : index
        %swap3A_649 = tpu.vector_load %arg7[%swap3A_645, %swap3A_646, %swap3A_647, %swap3A_648] {strides = array<i32>} : memref<2x25x8x128xf32, #tpu.memory_space<vmem>>, vector<16xf32>,
        tpu.vector_store %arg7[%swap3A_645, %swap3A_646, %swap3A_647, %swap3A_648], %gather3A_593 {strides = array<i32>} : memref<2x25x8x128xf32, #tpu.memory_space<vmem>>, vector<16xf32>,
        %add3A_650 = arith.constant 7 : i32
        %add3A_651 = vector.broadcast %add3A_650 : i32 to vector<16xi32>
        %add3A_652 = arith.addi %scan3A_182, %add3A_651 : vector<16xi32>
        %gather3A_653 = tpu.vector_load_idx %arg6[%add3A_114, %add3A_652] : memref<256x200xf32, #tpu.memory_space<vmem>>[vector<16xi32>, vector<16xi32>], vector<16xf32>,
        %gather3A_654 = tpu.vector_load_idx %arg6[%add3A_118, %add3A_652] : memref<256x200xf32, #tpu.memory_space<vmem>>[vector<16xi32>, vector<16xi32>], vector<16xf32>,
        %gather3A_655 = tpu.vector_load_idx %arg6[%add3A_122, %add3A_652] : memref<256x200xf32, #tpu.memory_space<vmem>>[vector<16xi32>, vector<16xi32>], vector<16xf32>,
        %gather3A_656 = tpu.vector_load_idx %arg6[%add3A_126, %add3A_652] : memref<256x200xf32, #tpu.memory_space<vmem>>[vector<16xi32>, vector<16xi32>], vector<16xf32>,
        %gather3A_657 = tpu.vector_load_idx %arg6[%add3A_130, %add3A_652] : memref<256x200xf32, #tpu.memory_space<vmem>>[vector<16xi32>, vector<16xi32>], vector<16xf32>,
        %gather3A_658 = tpu.vector_load_idx %arg6[%add3A_134, %add3A_652] : memref<256x200xf32, #tpu.memory_space<vmem>>[vector<16xi32>, vector<16xi32>], vector<16xf32>,
        %gather3A_659 = tpu.vector_load_idx %arg6[%add3A_138, %add3A_652] : memref<256x200xf32, #tpu.memory_space<vmem>>[vector<16xi32>, vector<16xi32>], vector<16xf32>,
        %gather3A_660 = tpu.vector_load_idx %arg6[%add3A_142, %add3A_652] : memref<256x200xf32, #tpu.memory_space<vmem>>[vector<16xi32>, vector<16xi32>], vector<16xf32>,
        %swap3A_661 = arith.constant 0 : i32
        %swap3A_662 = arith.constant 7 : i32
        %swap3A_663 = arith.index_cast %swap3A_661 : i32 to index
        %swap3A_664 = arith.index_cast %scan3A_181 : i32 to index
        %swap3A_665 = arith.index_cast %swap3A_662 : i32 to index
        %swap3A_666 = arith.constant 0 : index
        %swap3A_667 = tpu.vector_load %arg7[%swap3A_663, %swap3A_664, %swap3A_665, %swap3A_666] {strides = array<i32>} : memref<2x25x8x128xf32, #tpu.memory_space<vmem>>, vector<16xf32>,
        tpu.vector_store %arg7[%swap3A_663, %swap3A_664, %swap3A_665, %swap3A_666], %gather3A_653 {strides = array<i32>} : memref<2x25x8x128xf32, #tpu.memory_space<vmem>>, vector<16xf32>,
        %swap3A_668 = arith.constant 0 : i32
        %swap3A_669 = arith.constant 7 : i32
        %swap3A_670 = arith.index_cast %swap3A_668 : i32 to index
        %swap3A_671 = arith.index_cast %scan3A_181 : i32 to index
        %swap3A_672 = arith.index_cast %swap3A_669 : i32 to index
        %swap3A_673 = arith.constant 16 : index
        %swap3A_674 = tpu.vector_load %arg7[%swap3A_670, %swap3A_671, %swap3A_672, %swap3A_673] {strides = array<i32>} : memref<2x25x8x128xf32, #tpu.memory_space<vmem>>, vector<16xf32>,
        tpu.vector_store %arg7[%swap3A_670, %swap3A_671, %swap3A_672, %swap3A_673], %gather3A_654 {strides = array<i32>} : memref<2x25x8x128xf32, #tpu.memory_space<vmem>>, vector<16xf32>,
        %swap3A_675 = arith.constant 0 : i32
        %swap3A_676 = arith.constant 7 : i32
        %swap3A_677 = arith.index_cast %swap3A_675 : i32 to index
        %swap3A_678 = arith.index_cast %scan3A_181 : i32 to index
        %swap3A_679 = arith.index_cast %swap3A_676 : i32 to index
        %swap3A_680 = arith.constant 32 : index
        %swap3A_681 = tpu.vector_load %arg7[%swap3A_677, %swap3A_678, %swap3A_679, %swap3A_680] {strides = array<i32>} : memref<2x25x8x128xf32, #tpu.memory_space<vmem>>, vector<16xf32>,
        tpu.vector_store %arg7[%swap3A_677, %swap3A_678, %swap3A_679, %swap3A_680], %gather3A_655 {strides = array<i32>} : memref<2x25x8x128xf32, #tpu.memory_space<vmem>>, vector<16xf32>,
        %swap3A_682 = arith.constant 0 : i32
        %swap3A_683 = arith.constant 7 : i32
        %swap3A_684 = arith.index_cast %swap3A_682 : i32 to index
        %swap3A_685 = arith.index_cast %scan3A_181 : i32 to index
        %swap3A_686 = arith.index_cast %swap3A_683 : i32 to index
        %swap3A_687 = arith.constant 48 : index
        %swap3A_688 = tpu.vector_load %arg7[%swap3A_684, %swap3A_685, %swap3A_686, %swap3A_687] {strides = array<i32>} : memref<2x25x8x128xf32, #tpu.memory_space<vmem>>, vector<16xf32>,
        tpu.vector_store %arg7[%swap3A_684, %swap3A_685, %swap3A_686, %swap3A_687], %gather3A_656 {strides = array<i32>} : memref<2x25x8x128xf32, #tpu.memory_space<vmem>>, vector<16xf32>,
        %swap3A_689 = arith.constant 0 : i32
        %swap3A_690 = arith.constant 7 : i32
        %swap3A_691 = arith.index_cast %swap3A_689 : i32 to index
        %swap3A_692 = arith.index_cast %scan3A_181 : i32 to index
        %swap3A_693 = arith.index_cast %swap3A_690 : i32 to index
        %swap3A_694 = arith.constant 64 : index
        %swap3A_695 = tpu.vector_load %arg7[%swap3A_691, %swap3A_692, %swap3A_693, %swap3A_694] {strides = array<i32>} : memref<2x25x8x128xf32, #tpu.memory_space<vmem>>, vector<16xf32>,
        tpu.vector_store %arg7[%swap3A_691, %swap3A_692, %swap3A_693, %swap3A_694], %gather3A_657 {strides = array<i32>} : memref<2x25x8x128xf32, #tpu.memory_space<vmem>>, vector<16xf32>,
        %swap3A_696 = arith.constant 0 : i32
        %swap3A_697 = arith.constant 7 : i32
        %swap3A_698 = arith.index_cast %swap3A_696 : i32 to index
        %swap3A_699 = arith.index_cast %scan3A_181 : i32 to index
        %swap3A_700 = arith.index_cast %swap3A_697 : i32 to index
        %swap3A_701 = arith.constant 80 : index
        %swap3A_702 = tpu.vector_load %arg7[%swap3A_698, %swap3A_699, %swap3A_700, %swap3A_701] {strides = array<i32>} : memref<2x25x8x128xf32, #tpu.memory_space<vmem>>, vector<16xf32>,
        tpu.vector_store %arg7[%swap3A_698, %swap3A_699, %swap3A_700, %swap3A_701], %gather3A_658 {strides = array<i32>} : memref<2x25x8x128xf32, #tpu.memory_space<vmem>>, vector<16xf32>,
        %swap3A_703 = arith.constant 0 : i32
        %swap3A_704 = arith.constant 7 : i32
        %swap3A_705 = arith.index_cast %swap3A_703 : i32 to index
        %swap3A_706 = arith.index_cast %scan3A_181 : i32 to index
        %swap3A_707 = arith.index_cast %swap3A_704 : i32 to index
        %swap3A_708 = arith.constant 96 : index
        %swap3A_709 = tpu.vector_load %arg7[%swap3A_705, %swap3A_706, %swap3A_707, %swap3A_708] {strides = array<i32>} : memref<2x25x8x128xf32, #tpu.memory_space<vmem>>, vector<16xf32>,
        tpu.vector_store %arg7[%swap3A_705, %swap3A_706, %swap3A_707, %swap3A_708], %gather3A_659 {strides = array<i32>} : memref<2x25x8x128xf32, #tpu.memory_space<vmem>>, vector<16xf32>,
        %swap3A_710 = arith.constant 0 : i32
        %swap3A_711 = arith.constant 7 : i32
        %swap3A_712 = arith.index_cast %swap3A_710 : i32 to index
        %swap3A_713 = arith.index_cast %scan3A_181 : i32 to index
        %swap3A_714 = arith.index_cast %swap3A_711 : i32 to index
        %swap3A_715 = arith.constant 112 : index
        %swap3A_716 = tpu.vector_load %arg7[%swap3A_712, %swap3A_713, %swap3A_714, %swap3A_715] {strides = array<i32>} : memref<2x25x8x128xf32, #tpu.memory_space<vmem>>, vector<16xf32>,
        tpu.vector_store %arg7[%swap3A_712, %swap3A_713, %swap3A_714, %swap3A_715], %gather3A_660 {strides = array<i32>} : memref<2x25x8x128xf32, #tpu.memory_space<vmem>>, vector<16xf32>,
        %add3A_717 = arith.constant 8 : i32
        %add3A_718 = vector.broadcast %add3A_717 : i32 to vector<16xi32>
        %add3A_719 = arith.addi %scan3A_182, %add3A_718 : vector<16xi32>
        scf.yield %add3A_719 : vector<16xi32>
      }
      %scan3A_149 = arith.constant 25 : i32
      %add3A_150 = arith.constant 1984 : i32
      %add3A_151 = arith.addi %add3A, %add3A_150 : i32
      %rem3A_152 = arith.constant 5 : i32
      %rem3A_153 = arith.remsi %add3A_151, %rem3A_152 : i32
      %div3A_154 = arith.constant 5 : i32
      %div3A_155 = arith.divsi %add3A_151, %div3A_154 : i32
      %div3A_156 = arith.constant 8 : i32
      %div3A_157 = arith.divsi %div3A_155, %div3A_156 : i32
      %rem3A_158 = arith.constant 8 : i32
      %rem3A_159 = arith.remsi %div3A_155, %rem3A_158 : i32
      %mul3A_160 = arith.constant 25 : i32
      %mul3A_161 = arith.muli %rem3A_153, %mul3A_160 : i32
      %dma_start3A_162 = arith.constant 0 : i32
      %dma_start3A_163 = arith.constant 0 : i32
      %dma_start3A_164 = arith.constant 0 : i32
      %dma_start3A_165 = arith.constant 0 : i32
      %dma_start3A_166 = tpu.memref_slice %arg7[%dma_start3A_162, %dma_start3A_163, %dma_start3A_164, %dma_start3A_165] : memref<2x25x8x128xf32, #tpu.memory_space<vmem>> -> memref<1x25x8x128xf32, #tpu.memory_space<vmem>>
      %dma_start3A_167 = tpu.memref_squeeze %dma_start3A_166 : memref<1x25x8x128xf32, #tpu.memory_space<vmem>> -> memref<25x8x128xf32, #tpu.memory_space<vmem>>
      %dma_start3A_168 = arith.constant 0 : i32
      %dma_start3A_169 = arith.constant 0 : i32
      %dma_start3A_170 = tpu.memref_slice %arg4[%div3A_157, %mul3A_161, %rem3A_159, %dma_start3A_168, %dma_start3A_169] : memref<50x125x8x8x128xf32, #tpu.memory_space<hbm>> -> memref<1x25x1x8x128xf32, #tpu.memory_space<hbm>>
      %dma_start3A_171 = tpu.memref_squeeze %dma_start3A_170 : memref<1x25x1x8x128xf32, #tpu.memory_space<hbm>> -> memref<25x8x128xf32, #tpu.memory_space<hbm>>
      %dma_start3A_172 = arith.constant 0 : i32
      %dma_start3A_173 = arith.constant 0 : i32
      %dma_start3A_174 = tpu.memref_slice %arg4[%div3A_157, %mul3A_161, %rem3A_159, %dma_start3A_172, %dma_start3A_173] : memref<50x125x8x8x128xf32, #tpu.memory_space<hbm>> -> memref<1x25x1x8x128xf32, #tpu.memory_space<hbm>>
      %dma_start3A_175 = tpu.memref_squeeze %dma_start3A_174 : memref<1x25x1x8x128xf32, #tpu.memory_space<hbm>> -> memref<25x8x128xf32, #tpu.memory_space<hbm>>
      %dma_start3A_176 = arith.constant 0 : i32
      %dma_start3A_177 = arith.constant 0 : i32
      %dma_start3A_178 = arith.constant 0 : i32
      %dma_start3A_179 = tpu.memref_slice %arg7[%dma_start3A_162, %dma_start3A_176, %dma_start3A_177, %dma_start3A_178] : memref<2x25x8x128xf32, #tpu.memory_space<vmem>> -> memref<1x25x8x128xf32, #tpu.memory_space<vmem>>
      %dma_start3A_180 = tpu.memref_squeeze %dma_start3A_179 : memref<1x25x8x128xf32, #tpu.memory_space<vmem>> -> memref<25x8x128xf32, #tpu.memory_space<vmem>>
      tpu.enqueue_dma source(%dma_start3A_180 : memref<25x8x128xf32, #tpu.memory_space<vmem>>) target(%dma_start3A_175 : memref<25x8x128xf32, #tpu.memory_space<hbm>>) target_semaphore(%arg10 : memref<!tpu.dma_semaphore, #tpu.memory_space<semaphore_mem>>)
    } else {
    }
    %dma_wait3A = arith.constant 0 : i32
    %dma_wait3A_29 = arith.constant 0 : i32
    %dma_wait3A_30 = arith.constant 0 : i32
    %dma_wait3A_31 = arith.constant 0 : i32
    %dma_wait3A_32 = arith.constant 0 : i32
    %dma_wait3A_33 = arith.constant 0 : i32
    %dma_wait3A_34 = tpu.memref_slice %arg7[%dma_wait3A, %dma_wait3A_31, %dma_wait3A_32, %dma_wait3A_33] : memref<2x25x8x128xf32, #tpu.memory_space<vmem>> -> memref<1x25x8x128xf32, #tpu.memory_space<vmem>>
    %dma_wait3A_35 = tpu.memref_squeeze %dma_wait3A_34 : memref<1x25x8x128xf32, #tpu.memory_space<vmem>> -> memref<25x8x128xf32, #tpu.memory_space<vmem>>
    %dma_wait3A_36 = arith.constant 0 : i32
    %dma_wait3A_37 = arith.constant 0 : i32
    %dma_wait3A_38 = arith.constant 0 : i32
    %dma_wait3A_39 = tpu.memref_slice %arg4[%dma_wait3A_29, %dma_wait3A_36, %dma_wait3A_30, %dma_wait3A_37, %dma_wait3A_38] : memref<50x125x8x8x128xf32, #tpu.memory_space<hbm>> -> memref<1x25x1x8x128xf32, #tpu.memory_space<hbm>>
    %dma_wait3A_40 = tpu.memref_squeeze %dma_wait3A_39 : memref<1x25x1x8x128xf32, #tpu.memory_space<hbm>> -> memref<25x8x128xf32, #tpu.memory_space<hbm>>
    %dma_wait3A_41 = arith.constant 0 : i32
    %dma_wait3A_42 = arith.constant 0 : i32
    %dma_wait3A_43 = arith.constant 0 : i32
    %dma_wait3A_44 = tpu.memref_slice %arg4[%dma_wait3A_29, %dma_wait3A_41, %dma_wait3A_30, %dma_wait3A_42, %dma_wait3A_43] : memref<50x125x8x8x128xf32, #tpu.memory_space<hbm>> -> memref<1x25x1x8x128xf32, #tpu.memory_space<hbm>>
    %dma_wait3A_45 = tpu.memref_squeeze %dma_wait3A_44 : memref<1x25x1x8x128xf32, #tpu.memory_space<hbm>> -> memref<25x8x128xf32, #tpu.memory_space<hbm>>
    %dma_wait3A_46 = arith.constant 0 : i32
    %dma_wait3A_47 = arith.constant 0 : i32
    %dma_wait3A_48 = arith.constant 0 : i32
    %dma_wait3A_49 = tpu.memref_slice %arg7[%dma_wait3A, %dma_wait3A_46, %dma_wait3A_47, %dma_wait3A_48] : memref<2x25x8x128xf32, #tpu.memory_space<vmem>> -> memref<1x25x8x128xf32, #tpu.memory_space<vmem>>
    %dma_wait3A_50 = tpu.memref_squeeze %dma_wait3A_49 : memref<1x25x8x128xf32, #tpu.memory_space<vmem>> -> memref<25x8x128xf32, #tpu.memory_space<vmem>>
    tpu.wait_dma2 semaphore(%arg10 : memref<!tpu.dma_semaphore, #tpu.memory_space<semaphore_mem>>) src(%dma_wait3A_50 : memref<25x8x128xf32, #tpu.memory_space<vmem>>) dst(%dma_wait3A_45 : memref<25x8x128xf32, #tpu.memory_space<hbm>>)
    %dma_wait3A_51 = arith.constant 1 : i32
    %dma_wait3A_52 = arith.constant 0 : i32
    %dma_wait3A_53 = arith.constant 0 : i32
    %dma_wait3A_54 = arith.constant 0 : i32
    %dma_wait3A_55 = arith.constant 0 : i32
    %dma_wait3A_56 = arith.constant 0 : i32
    %dma_wait3A_57 = tpu.memref_slice %arg7[%dma_wait3A_51, %dma_wait3A_54, %dma_wait3A_55, %dma_wait3A_56] : memref<2x25x8x128xf32, #tpu.memory_space<vmem>> -> memref<1x25x8x128xf32, #tpu.memory_space<vmem>>
    %dma_wait3A_58 = tpu.memref_squeeze %dma_wait3A_57 : memref<1x25x8x128xf32, #tpu.memory_space<vmem>> -> memref<25x8x128xf32, #tpu.memory_space<vmem>>
    %dma_wait3A_59 = arith.constant 0 : i32
    %dma_wait3A_60 = arith.constant 0 : i32
    %dma_wait3A_61 = arith.constant 0 : i32
    %dma_wait3A_62 = tpu.memref_slice %arg4[%dma_wait3A_52, %dma_wait3A_59, %dma_wait3A_53, %dma_wait3A_60, %dma_wait3A_61] : memref<50x125x8x8x128xf32, #tpu.memory_space<hbm>> -> memref<1x25x1x8x128xf32, #tpu.memory_space<hbm>>
    %dma_wait3A_63 = tpu.memref_squeeze %dma_wait3A_62 : memref<1x25x1x8x128xf32, #tpu.memory_space<hbm>> -> memref<25x8x128xf32, #tpu.memory_space<hbm>>
    %dma_wait3A_64 = arith.constant 0 : i32
    %dma_wait3A_65 = arith.constant 0 : i32
    %dma_wait3A_66 = arith.constant 0 : i32
    %dma_wait3A_67 = tpu.memref_slice %arg4[%dma_wait3A_52, %dma_wait3A_64, %dma_wait3A_53, %dma_wait3A_65, %dma_wait3A_66] : memref<50x125x8x8x128xf32, #tpu.memory_space<hbm>> -> memref<1x25x1x8x128xf32, #tpu.memory_space<hbm>>
    %dma_wait3A_68 = tpu.memref_squeeze %dma_wait3A_67 : memref<1x25x1x8x128xf32, #tpu.memory_space<hbm>> -> memref<25x8x128xf32, #tpu.memory_space<hbm>>
    %dma_wait3A_69 = arith.constant 0 : i32
    %dma_wait3A_70 = arith.constant 0 : i32
    %dma_wait3A_71 = arith.constant 0 : i32
    %dma_wait3A_72 = tpu.memref_slice %arg7[%dma_wait3A_51, %dma_wait3A_69, %dma_wait3A_70, %dma_wait3A_71] : memref<2x25x8x128xf32, #tpu.memory_space<vmem>> -> memref<1x25x8x128xf32, #tpu.memory_space<vmem>>
    %dma_wait3A_73 = tpu.memref_squeeze %dma_wait3A_72 : memref<1x25x8x128xf32, #tpu.memory_space<vmem>> -> memref<25x8x128xf32, #tpu.memory_space<vmem>>
    tpu.wait_dma2 semaphore(%arg11 : memref<!tpu.dma_semaphore, #tpu.memory_space<semaphore_mem>>) src(%dma_wait3A_73 : memref<25x8x128xf32, #tpu.memory_space<vmem>>) dst(%dma_wait3A_68 : memref<25x8x128xf32, #tpu.memory_space<hbm>>)
    return
  }
}

module attributes {stable_mosaic.version = 14 : i64} {
  func.func @_table_body(%arg0: memref<1000x128xf32, #tpu.memory_space<vmem>>, %arg1: memref<128x1000xf32, #tpu.memory_space<vmem>>, %arg2: memref<1x1000xf32, #tpu.memory_space<vmem>>, %arg3: memref<5x1000x200xf32, #tpu.memory_space<vmem>>) attributes {dimension_semantics = [], scalar_prefetch = 0 : i64, scratch_operands = 0 : i64, tpu.core_type = #tpu.core_type<tc>} {
    %get3A = arith.constant 0 : index
    %get3A_0 = arith.constant 0 : index
    %get3A_1 = vector.load %arg0[%get3A, %get3A_0] : memref<1000x128xf32, #tpu.memory_space<vmem>>, vector<1000x128xf32>
    %get3A_2 = arith.constant 0 : index
    %get3A_3 = arith.constant 0 : index
    %get3A_4 = vector.load %arg1[%get3A_2, %get3A_3] : memref<128x1000xf32, #tpu.memory_space<vmem>>, vector<128x200xf32>
    %dot_general3A = arith.constant dense<0.000000e+00> : vector<1000x200xf32>
    %dot_general3A_5 = tpu.matmul %get3A_1, %get3A_4, %dot_general3A {dimension_numbers = #tpu.dot_dimension_numbers<[1], [0], [0], [1], [0, 0, 1, 1], [], []>, transpose_lhs_hint = false} : vector<1000x128xf32>, vector<128x200xf32>, vector<1000x200xf32> -> vector<1000x200xf32>
    %get3A_6 = arith.constant 0 : index
    %get3A_7 = arith.constant 0 : index
    %get3A_8 = vector.load %arg2[%get3A_6, %get3A_7] : memref<1x1000xf32, #tpu.memory_space<vmem>>, vector<1x200xf32>
    %add3A = vector.broadcast %get3A_8 : vector<1x200xf32> to vector<1000x200xf32>
    %add3A_9 = arith.addf %dot_general3A_5, %add3A : vector<1000x200xf32>
    %swap3A = arith.constant 0 : index
    %swap3A_10 = arith.constant 0 : index
    %swap3A_11 = arith.constant 0 : index
    %swap3A_12 = vector.load %arg3[%swap3A, %swap3A_10, %swap3A_11] : memref<5x1000x200xf32, #tpu.memory_space<vmem>>, vector<1x1000x200xf32>
    %swap3A_13 = vector.shape_cast %swap3A_12 : vector<1x1000x200xf32> to vector<1000x200xf32>
    %swap3A_14 = vector.shape_cast %add3A_9 : vector<1000x200xf32> to vector<1x1000x200xf32>
    tpu.vector_store %arg3[%swap3A, %swap3A_10, %swap3A_11], %swap3A_14 {strides = array<i32>} : memref<5x1000x200xf32, #tpu.memory_space<vmem>>, vector<1x1000x200xf32>,
    %get3A_15 = arith.constant 0 : index
    %get3A_16 = arith.constant 0 : index
    %get3A_17 = vector.load %arg0[%get3A_15, %get3A_16] : memref<1000x128xf32, #tpu.memory_space<vmem>>, vector<1000x128xf32>
    %get3A_18 = arith.constant 0 : index
    %get3A_19 = arith.constant 200 : index
    %get3A_20 = vector.load %arg1[%get3A_18, %get3A_19] : memref<128x1000xf32, #tpu.memory_space<vmem>>, vector<128x200xf32>
    %dot_general3A_21 = arith.constant dense<0.000000e+00> : vector<1000x200xf32>
    %dot_general3A_22 = tpu.matmul %get3A_17, %get3A_20, %dot_general3A_21 {dimension_numbers = #tpu.dot_dimension_numbers<[1], [0], [0], [1], [0, 0, 1, 1], [], []>, transpose_lhs_hint = false} : vector<1000x128xf32>, vector<128x200xf32>, vector<1000x200xf32> -> vector<1000x200xf32>
    %get3A_23 = arith.constant 0 : index
    %get3A_24 = arith.constant 200 : index
    %get3A_25 = vector.load %arg2[%get3A_23, %get3A_24] : memref<1x1000xf32, #tpu.memory_space<vmem>>, vector<1x200xf32>
    %add3A_26 = vector.broadcast %get3A_25 : vector<1x200xf32> to vector<1000x200xf32>
    %add3A_27 = arith.addf %dot_general3A_22, %add3A_26 : vector<1000x200xf32>
    %swap3A_28 = arith.constant 1 : index
    %swap3A_29 = arith.constant 0 : index
    %swap3A_30 = arith.constant 0 : index
    %swap3A_31 = vector.load %arg3[%swap3A_28, %swap3A_29, %swap3A_30] : memref<5x1000x200xf32, #tpu.memory_space<vmem>>, vector<1x1000x200xf32>
    %swap3A_32 = vector.shape_cast %swap3A_31 : vector<1x1000x200xf32> to vector<1000x200xf32>
    %swap3A_33 = vector.shape_cast %add3A_27 : vector<1000x200xf32> to vector<1x1000x200xf32>
    tpu.vector_store %arg3[%swap3A_28, %swap3A_29, %swap3A_30], %swap3A_33 {strides = array<i32>} : memref<5x1000x200xf32, #tpu.memory_space<vmem>>, vector<1x1000x200xf32>,
    %get3A_34 = arith.constant 0 : index
    %get3A_35 = arith.constant 0 : index
    %get3A_36 = vector.load %arg0[%get3A_34, %get3A_35] : memref<1000x128xf32, #tpu.memory_space<vmem>>, vector<1000x128xf32>
    %get3A_37 = arith.constant 0 : index
    %get3A_38 = arith.constant 400 : index
    %get3A_39 = vector.load %arg1[%get3A_37, %get3A_38] : memref<128x1000xf32, #tpu.memory_space<vmem>>, vector<128x200xf32>
    %dot_general3A_40 = arith.constant dense<0.000000e+00> : vector<1000x200xf32>
    %dot_general3A_41 = tpu.matmul %get3A_36, %get3A_39, %dot_general3A_40 {dimension_numbers = #tpu.dot_dimension_numbers<[1], [0], [0], [1], [0, 0, 1, 1], [], []>, transpose_lhs_hint = false} : vector<1000x128xf32>, vector<128x200xf32>, vector<1000x200xf32> -> vector<1000x200xf32>
    %get3A_42 = arith.constant 0 : index
    %get3A_43 = arith.constant 400 : index
    %get3A_44 = vector.load %arg2[%get3A_42, %get3A_43] : memref<1x1000xf32, #tpu.memory_space<vmem>>, vector<1x200xf32>
    %add3A_45 = vector.broadcast %get3A_44 : vector<1x200xf32> to vector<1000x200xf32>
    %add3A_46 = arith.addf %dot_general3A_41, %add3A_45 : vector<1000x200xf32>
    %swap3A_47 = arith.constant 2 : index
    %swap3A_48 = arith.constant 0 : index
    %swap3A_49 = arith.constant 0 : index
    %swap3A_50 = vector.load %arg3[%swap3A_47, %swap3A_48, %swap3A_49] : memref<5x1000x200xf32, #tpu.memory_space<vmem>>, vector<1x1000x200xf32>
    %swap3A_51 = vector.shape_cast %swap3A_50 : vector<1x1000x200xf32> to vector<1000x200xf32>
    %swap3A_52 = vector.shape_cast %add3A_46 : vector<1000x200xf32> to vector<1x1000x200xf32>
    tpu.vector_store %arg3[%swap3A_47, %swap3A_48, %swap3A_49], %swap3A_52 {strides = array<i32>} : memref<5x1000x200xf32, #tpu.memory_space<vmem>>, vector<1x1000x200xf32>,
    %get3A_53 = arith.constant 0 : index
    %get3A_54 = arith.constant 0 : index
    %get3A_55 = vector.load %arg0[%get3A_53, %get3A_54] : memref<1000x128xf32, #tpu.memory_space<vmem>>, vector<1000x128xf32>
    %get3A_56 = arith.constant 0 : index
    %get3A_57 = arith.constant 600 : index
    %get3A_58 = vector.load %arg1[%get3A_56, %get3A_57] : memref<128x1000xf32, #tpu.memory_space<vmem>>, vector<128x200xf32>
    %dot_general3A_59 = arith.constant dense<0.000000e+00> : vector<1000x200xf32>
    %dot_general3A_60 = tpu.matmul %get3A_55, %get3A_58, %dot_general3A_59 {dimension_numbers = #tpu.dot_dimension_numbers<[1], [0], [0], [1], [0, 0, 1, 1], [], []>, transpose_lhs_hint = false} : vector<1000x128xf32>, vector<128x200xf32>, vector<1000x200xf32> -> vector<1000x200xf32>
    %get3A_61 = arith.constant 0 : index
    %get3A_62 = arith.constant 600 : index
    %get3A_63 = vector.load %arg2[%get3A_61, %get3A_62] : memref<1x1000xf32, #tpu.memory_space<vmem>>, vector<1x200xf32>
    %add3A_64 = vector.broadcast %get3A_63 : vector<1x200xf32> to vector<1000x200xf32>
    %add3A_65 = arith.addf %dot_general3A_60, %add3A_64 : vector<1000x200xf32>
    %swap3A_66 = arith.constant 3 : index
    %swap3A_67 = arith.constant 0 : index
    %swap3A_68 = arith.constant 0 : index
    %swap3A_69 = vector.load %arg3[%swap3A_66, %swap3A_67, %swap3A_68] : memref<5x1000x200xf32, #tpu.memory_space<vmem>>, vector<1x1000x200xf32>
    %swap3A_70 = vector.shape_cast %swap3A_69 : vector<1x1000x200xf32> to vector<1000x200xf32>
    %swap3A_71 = vector.shape_cast %add3A_65 : vector<1000x200xf32> to vector<1x1000x200xf32>
    tpu.vector_store %arg3[%swap3A_66, %swap3A_67, %swap3A_68], %swap3A_71 {strides = array<i32>} : memref<5x1000x200xf32, #tpu.memory_space<vmem>>, vector<1x1000x200xf32>,
    %get3A_72 = arith.constant 0 : index
    %get3A_73 = arith.constant 0 : index
    %get3A_74 = vector.load %arg0[%get3A_72, %get3A_73] : memref<1000x128xf32, #tpu.memory_space<vmem>>, vector<1000x128xf32>
    %get3A_75 = arith.constant 0 : index
    %get3A_76 = arith.constant 800 : index
    %get3A_77 = vector.load %arg1[%get3A_75, %get3A_76] : memref<128x1000xf32, #tpu.memory_space<vmem>>, vector<128x200xf32>
    %dot_general3A_78 = arith.constant dense<0.000000e+00> : vector<1000x200xf32>
    %dot_general3A_79 = tpu.matmul %get3A_74, %get3A_77, %dot_general3A_78 {dimension_numbers = #tpu.dot_dimension_numbers<[1], [0], [0], [1], [0, 0, 1, 1], [], []>, transpose_lhs_hint = false} : vector<1000x128xf32>, vector<128x200xf32>, vector<1000x200xf32> -> vector<1000x200xf32>
    %get3A_80 = arith.constant 0 : index
    %get3A_81 = arith.constant 800 : index
    %get3A_82 = vector.load %arg2[%get3A_80, %get3A_81] : memref<1x1000xf32, #tpu.memory_space<vmem>>, vector<1x200xf32>
    %add3A_83 = vector.broadcast %get3A_82 : vector<1x200xf32> to vector<1000x200xf32>
    %add3A_84 = arith.addf %dot_general3A_79, %add3A_83 : vector<1000x200xf32>
    %swap3A_85 = arith.constant 4 : index
    %swap3A_86 = arith.constant 0 : index
    %swap3A_87 = arith.constant 0 : index
    %swap3A_88 = vector.load %arg3[%swap3A_85, %swap3A_86, %swap3A_87] : memref<5x1000x200xf32, #tpu.memory_space<vmem>>, vector<1x1000x200xf32>
    %swap3A_89 = vector.shape_cast %swap3A_88 : vector<1x1000x200xf32> to vector<1000x200xf32>
    %swap3A_90 = vector.shape_cast %add3A_84 : vector<1000x200xf32> to vector<1x1000x200xf32>
    tpu.vector_store %arg3[%swap3A_85, %swap3A_86, %swap3A_87], %swap3A_90 {strides = array<i32>} : memref<5x1000x200xf32, #tpu.memory_space<vmem>>, vector<1x1000x200xf32>,
    return
  }
}

</mosaic_0001>

<sc_bundles>
// kernel: kernel.4.cloned.1.call-start
scs
__scs_entry_jumppad:
0x0: {  	(pc) =	sbr.rel $0x88, $3  }
0x1: {  	(tag) =	ssettag $0x0;
	lr =	simm.s32 $0x1  }
0x2: {  	[smem:$0x3F9D] =	sst lr;
	_ =	strace $0xD0000000  }
0x3: {  	_ = 	snop  }
0x4: {  	_ = 	snop  }
0x5: {  	_ = 	snop  }
0x6: {  	_ = 	snop  }
0x7: {  	_ = 	snop  }
__scs_overlays_trampoline_lowered:
0x8: {  	[smem:$0x3FAC] =	sst s0  }
0x9: {  	[smem:$0x3FAD] =	sst s1  }
0xa: {  	[smem:$0x3FAE] =	sst s2  }
0xb: {  	[smem:$0x3FAF] =	sst s3  }
0xc: {  	[smem:$0x3FB0] =	sst s4  }
0xd: {  	[smem:$0x3FB1] =	sst s5  }
0xe: {  	[smem:$0x3FB2] =	sst s6  }
0xf: {  	[smem:$0x3FB3] =	sst s7  }
0x10: {  	[smem:$0x3FB4] =	sst s8  }
0x11: {  	[smem:$0x3FB5] =	sst s9;
	s0 =	simm.s32 @!p0 $0x0  }
0x12: {  	s1 =	sld [smem:$0x3F9B];
	s0 =	simm.s32 @p0 $0x1  }
0x13: {  	[smem:$0x3FB6] =	sst s0;
	s0 =	simm.s32 @!p1 $0x0  }
0x14: {  	s2 =	sld [smem:$0x3F9A];
	s0 =	simm.s32 @p1 $0x1  }
0x15: {  	[smem:$0x3FB7] =	sst s0;
	s0 =	simm.s32 @!p2 $0x0  }
0x16: {  	s3 =	sld [smem:$0x3FDB];
	s0 =	simm.s32 @p2 $0x1  }
0x17: {  	s4 =	simm.s32 $0x1BF5;
	[smem:$0x3FB9] =	sst s0  }
0x18: {  	s0 =	sld [smem:$0x3F9C];
	_ =	swait.ge [sflag:s4], $0x0  }
0x19: {  	s7 =	sld [smem:$0x3F9D]  }
0x1a: {  	s8 =	sadd.s32 $0xFFFFE003, lr  }
0x1b: {  	s9 =	sadd.s32 $0xFFFFFEF7, lr;
	s5 =	simm.s32 $0xFFFFFFFF;
	p2 =	slt.u32 s8, $0xFFFFF086  }
0x1c: {  	p1 =	slt.u32 s9, $0xF7A;
	s5 =	simm.s32 @!p2 $0x0  }
0x1d: {  	s5 =	simm.s32 @p1 $0x1;
	p0 =	seq.s32 s7, s2  }
0x1e: {  	s7 =	smul.u32 @!p0 $0xF7A, s2;
	p2 =	seq.s32 @!p0 s5, $0x0  }
0x1f: {  	s9 =	smul.u32 $0xF7A, s1;
	s8 =	simm.s32 @!p0 $0x1BF5;
	p2 =	por !p2, p0  }
0x20: {  	[sflag:s8] =	ssyncset.s32 @!p0 $0xFFFFF086;
	s6 =	sadd.s32 @!p0 s3, s7;
	s7 =	simm.s32 @!p0 $0x108  }
0x21: {  	s3 =	sadd.s32 s3, s9;
	s6 =	sadd.s32 @!p0 $0x88, s6;
	s7 =	simm.s32 @p2 $0x1082  }
0x22: {  	[simem:s7], [sflag:s8] =	dma.local @!p0 [hbm:s6], $0xF7A  }
0x23: {  	s9 =	sor.u32 $0xD0000000, s2;
	s6 =	simm.s32 $0x108;
	_ =	swait.ge @!p0 [sflag:s8], $0x0  }
0x24: {  	s3 =	sadd.s32 $0x88, s3;
	s6 =	simm.s32 @!p1 $0x1082;
	[sflag:s4] =	ssyncset.s32 $0xFFFFF086  }
0x25: {  	[simem:s6], [sflag:s4] =	dma.local [hbm:s3], $0xF7A  }
0x26: {  	[smem:$0x3F9D] =	sst s1;
	(tag) =	ssettag s2;
	_ =	strace s9  }
0x27: {  	s1 =	sld [smem:$0x3FAD]  }
0x28: {  	s2 =	sld [smem:$0x3FAE]  }
0x29: {  	s4 =	sld [smem:$0x3FB0]  }
0x2a: {  	p0 =	seq.s32 s5, $0x0;
	s5 =	sld [smem:$0x3FB1]  }
0x2b: {  	s6 =	sld [smem:$0x3FB2]  }
0x2c: {  	s7 =	sld [smem:$0x3FB3]  }
0x2d: {  	s3 =	simm.s32 $0x108;
	s8 =	sld [smem:$0x3FB4]  }
0x2e: {  	s3 =	simm.s32 @!p0 $0x1082;
	s9 =	sld [smem:$0x3FB5]  }
0x2f: {  	lr =	sadd.s32 s0, s3;
	s0 =	sld [smem:$0x3FAC]  }
0x30: {  	s3 =	sld [smem:$0x3FAF]  }
0x31: {  	[smem:$0x3FB8] =	sst s10  }
0x32: {  	s10 =	sld [smem:$0x3FB6];
	_ =	sdelay $0x3  }
0x33: {  	p0 =	seq.s32 s10, $0x1;
	s10 =	sld [smem:$0x3FB8];
	_ =	sdelay $0x3  }
0x34: {  	[smem:$0x3FB8] =	sst s10  }
0x35: {  	s10 =	sld [smem:$0x3FB7];
	_ =	sdelay $0x3  }
0x36: {  	p1 =	seq.s32 s10, $0x1;
	s10 =	sld [smem:$0x3FB8];
	_ =	sdelay $0x3  }
0x37: {  	[smem:$0x3FB8] =	sst s10  }
0x38: {  	s10 =	sld [smem:$0x3FB9]  }
0x39: {  	_ = 	snop;
	(pc) =	sbr.ind lr, $3  }
0x3a: {  	_ = 	snop  }
0x3b: {  	_ = 	snop  }
0x3c: {  	p2 =	seq.s32 s10, $0x1;
	s10 =	sld [smem:$0x3FB8]  }
0x3d: {  	_ =	shalt  }
0x3e: {  	_ =	shalt  }
0x3f: {  	_ =	shalt  }
0x40: {  	_ =	shalt  }
0x41: {  	_ =	shalt  }
0x42: {  	_ =	shalt  }
0x43: {  	_ =	shalt  }
0x44: {  	_ =	shalt  }
0x45: {  	_ =	shalt  }
0x46: {  	_ =	shalt  }
0x47: {  	_ =	shalt  }
0x48: {  	_ =	shalt  }
0x49: {  	_ =	shalt  }
0x4a: {  	_ =	shalt  }
0x4b: {  	_ =	shalt  }
0x4c: {  	_ =	shalt  }
0x4d: {  	_ =	shalt  }
0x4e: {  	_ =	shalt  }
0x4f: {  	_ =	shalt  }
0x50: {  	_ =	shalt  }
0x51: {  	_ =	shalt  }
0x52: {  	_ =	shalt  }
0x53: {  	_ =	shalt  }
0x54: {  	_ =	shalt  }
0x55: {  	_ =	shalt  }
0x56: {  	_ =	shalt  }
0x57: {  	_ =	shalt  }
0x58: {  	_ =	shalt  }
0x59: {  	_ =	shalt  }
0x5a: {  	_ =	shalt  }
0x5b: {  	_ =	shalt  }
0x5c: {  	_ =	shalt  }
0x5d: {  	_ =	shalt  }
0x5e: {  	_ =	shalt  }
0x5f: {  	_ =	shalt  }
0x60: {  	_ =	shalt  }
0x61: {  	_ =	shalt  }
0x62: {  	_ =	shalt  }
0x63: {  	_ =	shalt  }
0x64: {  	_ =	shalt  }
0x65: {  	_ =	shalt  }
0x66: {  	_ =	shalt  }
0x67: {  	_ =	shalt  }
0x68: {  	_ =	shalt  }
0x69: {  	_ =	shalt  }
0x6a: {  	_ =	shalt  }
0x6b: {  	_ =	shalt  }
0x6c: {  	_ =	shalt  }
0x6d: {  	_ =	shalt  }
0x6e: {  	_ =	shalt  }
0x6f: {  	_ =	shalt  }
0x70: {  	_ =	shalt  }
0x71: {  	_ =	shalt  }
0x72: {  	_ =	shalt  }
0x73: {  	_ =	shalt  }
0x74: {  	_ =	shalt  }
0x75: {  	_ =	shalt  }
0x76: {  	_ =	shalt  }
0x77: {  	_ =	shalt  }
0x78: {  	_ =	shalt  }
0x79: {  	_ =	shalt  }
0x7a: {  	_ =	shalt  }
0x7b: {  	_ =	shalt  }
0x7c: {  	_ =	shalt  }
0x7d: {  	_ =	shalt  }
0x7e: {  	_ =	shalt  }
0x7f: {  	_ =	shalt  }
0x80: {  	_ =	shalt  }
0x81: {  	_ =	shalt  }
0x82: {  	_ =	shalt  }
0x83: {  	_ =	shalt  }
0x84: {  	_ =	shalt  }
0x85: {  	_ =	shalt  }
0x86: {  	_ =	shalt  }
0x87: {  	_ =	shalt  }
.Lfunc_end0:
.L_simem_size_0:
called_computation_lowered:
.L_overlay_start_0:
0x88: {  	s2 =	sld [smem:$0x3FD9]  }
0x89: {  	s3 =	sld [smem:$0x3FFE];
	_ =	sdelay $0x1  }
0x8a: {  	s1 =	srdreg.scid  }
0x8b: {  	s0 =	sand.u32 $0x1, s1  }
0x8c: {  	s17 =	sshll.u32 s0, $0xA;
	s2 =	sadd.s32 s3, s2  }
0x8d: {  	s2 =	sadd.s32 s2, s17  }
0x8e: {  	[smem:$0x3FC4] =	sst s2  }
0x8f: {  	_ = 	snop  }
0x90: {  	s2 =	sld [smem:$0x3FD0];
	(tm) =	ssettm $0x1  }
0x91: {  	s18 =	sld [smem:$0x3FFB];
	_ =	sdelay $0x3  }
0x92: {  	_ =	strace s18  }
0x93: {  	s3 =	sld [smem:$0x3FFC];
	_ =	sdelay $0x3  }
0x94: {  	_ =	strace s3  }
0x95: {  	s3 =	sld [smem:$0x3FFD];
	_ =	sdelay $0x3  }
0x96: {  	_ =	strace s3  }
0x97: {  	_ =	strace $0x8FFFFFFF  }
0x98: {  	s19 =	sld [smem:$0x3FDB];
	_ =	sdelay $0x1  }
0x99: {  	s4 =	simm.s32 $_scs_section_size  }
0x9a: {  	s5 =	simm.s32 $_size__tile_overlayer_lowered;
	s6 =	simm.s32 $_tile_overlayer_lowered  }
0x9b: {  	s22 =	simm.s32 $0x1BFF;
	s21 =	sshll.u32 s6, $0x1;
	s3 =	sadd.s32 s4, s19  }
0x9c: {  	s7 =	simm.s32 $0x0;
	s20 =	sshll.u32 s5, $0x1;
	s5 =	sadd.s32 s21, s3  }
0x9d: {  	[timem:s7], [sflag:s22] =	dma.local [hbm:s5], s20  }
0x9e: {  	_ =	swait.ge [sflag:s22], s20  }
0x9f: {  	s4 =	ssub.s32 $0x0, s20;
	[sflag:s22] =	ssyncset.done $0x0  }
0xa0: {  	[sflag:s22] =	ssyncadd.s32 s4;
	_ =	sdelay $0x1  }
0xa1: {  	s23 =	simm.s32 $0x1B8B  }
0xa2: {  	_ =	swait.ge [sflag:s23], $0x1  }
0xa3: {  	[sflag:s23] =	ssyncset.done $0x0  }
0xa4: {  	s25 =	simm.s32 $0x1B8E;
	s24 =	sld [smem:$0x3FFE];
	[sflag:s23] =	ssyncadd.s32 $0xFFFFFFFF  }
0xa5: {  	s26 =	simm.s32 $execute0_lowered;
	[smem:$0x3FD2] =	sst s25  }
0xa6: {  	s5 =	sshll.u32 s26, $0x1;
	_ =	strace $0x80000046;
	[dreg:$0x1] =	wrdreg $0xFFFFFFFF  }
0xa7: {  	s28 =	simm.s32 $_size_execute0_lowered;
	s3 =	sadd.s32 s3, s5;
	[dreg:$0x0] =	wrdreg $0x0  }
0xa8: {  	s5 =	sshll.u32 s28, $0x1;
	[dreg:$0x2] =	wrdreg s3  }
0xa9: {  	[dreg:$0x3] =	wrdreg s5  }
0xaa: {  	[dreg:$0x4] =	wrdreg $0xC0  }
0xab: {  	_ =	task [dreg:s7], $0x5FFFF  }
0xac: {  	[dreg:$0x1] =	wrdreg $0xFFFFFFFF  }
0xad: {  	[dreg:$0x0] =	wrdreg $0x60  }
0xae: {  	[dreg:$0x2] =	wrdreg s24  }
0xaf: {  	[dreg:$0x3] =	wrdreg s2  }
0xb0: {  	[dreg:$0x4] =	wrdreg $0x9  }
0xb1: {  	_ =	task.clear_ibuf [dreg:s7], $0x5FFFF;
	_ =	strace $0x90000046  }
0xb2: {  	s29 =	simm.s32 $0x9;
	_ =	strace $0x80000048  }
0xb3: {  	_ =	swait.ge [sflag:s29], $0x1  }
0xb4: {  	[sflag:s29] =	ssyncadd.s32 $0xFFFFFFFF  }
0xb5: {  	_ =	strace $0x90000048  }
0xb6: {  	_ =	sfence  }
0xb7: {  	s30 =	sld [smem:$0x0];
	_ =	sdelay $0x2  }
0xb8: {  	s31 =	sshll.u32 s1, $0xD;
	s1 =	sshrl.u32 s1, $0x2  }
0xb9: {  	s3 =	sand.u32 $0x4000, s31;
	s1 =	sadd.s32 s1, s30  }
0xba: {  	s0 =	sor.u32 s3, s0;
	s1 =	sshll.u32 s1, $0x11  }
0xbb: {  	s0 =	sor.u32 s1, s0  }
0xbc: {  	s0 =	sadd.s32 $0x8F2B, s0  }
0xbd: {  	[sflag:s0] =	ssyncadd.remote.s32 $0x1  }
0xbe: {  	_ =	sfence.sel $0xFFFF  }
0xbf: {  	[dreg:$0x0] =	wrdreg $0xFFFFFFFF;
	(pc) =	sbr.abs _section_cstart, $3  }
0xc0: {  	[dreg:$0x1] =	wrdreg $0xFFFFFFFF  }
0xc1: {  	_ =	task.clear_ibuf [dreg:s7], $0x2FFFF;
	_ =	strace $0x9FFFFFFF  }
0xc2: {  	(tm) =	ssettm $0x7FFFFFFF  }
0xc3: {  	_ =	shalt  }
tec
execute0_lowered:
.L_overlay_start_1:
0x0: {  	(tag) =	ssettag $0x1  }
0x1: {  	v0 =	vlaneseq.u32  }
0x2: {  	v0 =	vmul.u32 $0xC8, v0  }
0x3: {  	s6 =	rddreg [dreg:$0x0];
	s4 =	simm.s32 $0x0  }
0x4: {  	[smem:$0x7FF] =	sst s4;
	v1 =	vadd.s32 $0x5786, v0  }
0x5: {  	s3 =	rddreg [dreg:$0x1];
	_ =	strace $0x80000047;
	v2 =	vadd.s32 $0xC80, v0;
	[tilespmem:$0x1FC20] =	vst v1  }
0x6: {  	v18 =	vadd.s32 $0x1900, v0;
	[tilespmem:$0x1FCA0] =	vst v2  }
0x7: {  	v19 =	vadd.s32 $0x2580, v0;
	[tilespmem:$0x1FCB0] =	vst v18  }
0x8: {  	v20 =	vadd.s32 $0x3200, v0;
	[tilespmem:$0x1FCC0] =	vst v19  }
0x9: {  	v21 =	vadd.s32 $0x3E80, v0;
	[tilespmem:$0x1FCD0] =	vst v20  }
0xa: {  	v22 =	vadd.s32 $0x4B00, v0;
	[tilespmem:$0x1FCE0] =	vst v21  }
0xb: {  	v23 =	vadd.s32 $0x5780, v0;
	[tilespmem:$0x1FCF0] =	vst v22  }
0xc: {  	v24 =	vor.u32 $0x1, v0;
	[tilespmem:$0x1FD00] =	vst v23  }
0xd: {  	v25 =	vadd.s32 $0xC81, v0;
	[tilespmem:$0x1FD10] =	vst v24  }
0xe: {  	v26 =	vadd.s32 $0x1901, v0;
	[tilespmem:$0x1FD20] =	vst v25  }
0xf: {  	v27 =	vadd.s32 $0x2581, v0;
	[tilespmem:$0x1FD30] =	vst v26  }
0x10: {  	v28 =	vadd.s32 $0x3201, v0;
	[tilespmem:$0x1FD40] =	vst v27  }
0x11: {  	v29 =	vadd.s32 $0x3E81, v0;
	[tilespmem:$0x1FD50] =	vst v28  }
0x12: {  	v30 =	vadd.s32 $0x4B01, v0;
	[tilespmem:$0x1FD60] =	vst v29  }
0x13: {  	v31 =	vadd.s32 $0x5781, v0;
	[tilespmem:$0x1FD70] =	vst v30  }
0x14: {  	v32 =	vor.u32 $0x2, v0;
	[tilespmem:$0x1FD80] =	vst v31  }
0x15: {  	v33 =	vadd.s32 $0xC82, v0;
	[tilespmem:$0x1FD90] =	vst v32  }
0x16: {  	v34 =	vadd.s32 $0x1902, v0;
	[tilespmem:$0x1FDA0] =	vst v33  }
0x17: {  	v35 =	vadd.s32 $0x2582, v0;
	[tilespmem:$0x1FDB0] =	vst v34  }
0x18: {  	v36 =	vadd.s32 $0x3202, v0;
	[tilespmem:$0x1FDC0] =	vst v35  }
0x19: {  	v37 =	vadd.s32 $0x3E82, v0;
	[tilespmem:$0x1FDD0] =	vst v36  }
0x1a: {  	v38 =	vadd.s32 $0x4B02, v0;
	[tilespmem:$0x1FDE0] =	vst v37  }
0x1b: {  	v39 =	vadd.s32 $0x5782, v0;
	[tilespmem:$0x1FDF0] =	vst v38  }
0x1c: {  	v40 =	vor.u32 $0x3, v0;
	[tilespmem:$0x1FE00] =	vst v39  }
0x1d: {  	v41 =	vadd.s32 $0xC83, v0;
	[tilespmem:$0x1FE10] =	vst v40  }
0x1e: {  	v42 =	vadd.s32 $0x1903, v0;
	[tilespmem:$0x1FE20] =	vst v41  }
0x1f: {  	v43 =	vadd.s32 $0x2583, v0;
	[tilespmem:$0x1FE30] =	vst v42  }
0x20: {  	v44 =	vadd.s32 $0x3203, v0;
	[tilespmem:$0x1FE40] =	vst v43  }
0x21: {  	v45 =	vadd.s32 $0x3E83, v0;
	[tilespmem:$0x1FE50] =	vst v44  }
0x22: {  	v46 =	vadd.s32 $0x4B03, v0;
	[tilespmem:$0x1FE60] =	vst v45  }
0x23: {  	v47 =	vadd.s32 $0x5783, v0;
	[tilespmem:$0x1FE70] =	vst v46  }
0x24: {  	v48 =	vor.u32 $0x4, v0;
	[tilespmem:$0x1FE80] =	vst v47  }
0x25: {  	v49 =	vadd.s32 $0xC84, v0;
	[tilespmem:$0x1FE90] =	vst v48  }
0x26: {  	v50 =	vadd.s32 $0x1904, v0;
	[tilespmem:$0x1FEA0] =	vst v49  }
0x27: {  	v51 =	vadd.s32 $0x2584, v0;
	[tilespmem:$0x1FEB0] =	vst v50  }
0x28: {  	v52 =	vadd.s32 $0x3204, v0;
	[tilespmem:$0x1FEC0] =	vst v51  }
0x29: {  	v53 =	vadd.s32 $0x3E84, v0;
	[tilespmem:$0x1FED0] =	vst v52  }
0x2a: {  	v54 =	vadd.s32 $0x4B04, v0;
	[tilespmem:$0x1FEE0] =	vst v53  }
0x2b: {  	v55 =	vadd.s32 $0x5784, v0;
	[tilespmem:$0x1FEF0] =	vst v54  }
0x2c: {  	v56 =	vor.u32 $0x5, v0;
	[tilespmem:$0x1FF00] =	vst v55  }
0x2d: {  	v57 =	vadd.s32 $0xC85, v0;
	[tilespmem:$0x1FF10] =	vst v56  }
0x2e: {  	v58 =	vadd.s32 $0x1905, v0;
	[tilespmem:$0x1FF20] =	vst v57  }
0x2f: {  	v59 =	vadd.s32 $0x2585, v0;
	[tilespmem:$0x1FF30] =	vst v58  }
0x30: {  	v60 =	vadd.s32 $0x3205, v0;
	[tilespmem:$0x1FF40] =	vst v59  }
0x31: {  	s0 =	srdreg.scid;
	s22 =	stileid.u32;
	v61 =	vadd.s32 $0x3E85, v0;
	[tilespmem:$0x1FF50] =	vst v60  }
0x32: {  	s0 =	sand.u32 $0x1, s0;
	s1 =	sshll.u32 s22, $0x1;
	v62 =	vadd.s32 $0x4B05, v0;
	[tilespmem:$0x1FF60] =	vst v61  }
0x33: {  	s12 =	simm.s32 $0x5;
	s1 =	sor.u32 s0, s1;
	v10 =	vadd.s32 $0x5785, v0;
	[tilespmem:$0x1FF70] =	vst v62  }
0x34: {  	s13 =	simm.s32 $0x80;
	s14 =	simm.s32 $0x100;
	s2 =	sor.u32 $0x7C0, s1;
	v11 =	vor.u32 $0x6, v0;
	[tilespmem:$0x1FF80] =	vst v10  }
0x35: {  	s15 =	simm.s32 $0x6500;
	s16 =	simm.s32 $0x1;
	v12 =	vadd.s32 $0xC86, v0;
	s7 =	smul.u32 $0x3334, s2;
	[tilespmem:$0x1FF90] =	vst v11  }
0x36: {  	s17 =	simm.s32 $0x400;
	s18 =	simm.s32 $0x2000;
	s19 =	simm.s32 $0xC900;
	v13 =	vadd.s32 $0x1906, v0;
	[tilespmem:$0x1FFA0] =	vst v12  }
0x37: {  	s20 =	simm.s32 $0x2;
	s5 =	smul.u32 $0x34, s1;
	v14 =	vadd.s32 $0x2586, v0;
	[tilespmem:$0x1FFB0] =	vst v13;
	s8 =	sshrl.u32 s7, $0x10  }
0x38: {  	s21 =	simm.s32 $0x12D00;
	s23 =	simm.s32 $0x4;
	v15 =	vadd.s32 $0x3206, v0;
	[tilespmem:$0x1FFC0] =	vst v14;
	s8 =	smul.u32 $0x5, s8  }
0x39: {  	s24 =	simm.s32 $0x0;
	p0 =	sgt.u32 s22, $0x7;
	s22 =	simm.s32 $0x3;
	v16 =	vadd.s32 $0x3E86, v0;
	[tilespmem:$0x1FFD0] =	vst v15  }
0x3a: {  	s0 =	ssub.s32 $0x2, s0;
	v17 =	vadd.s32 $0x4B06, v0;
	[tilespmem:$0x1FFE0] =	vst v16;
	s9 =	sshrl.u32 s5, $0x8;
	s2 =	ssub.s32 s2, s8  }
0x3b: {  	s10 =	sshrl.u32 s0, $0x1;
	v1 =	vor.u32 $0x7, v0;
	[tilespmem:$0x1FFF0] =	vst v17;
	s30 =	smul.u32 $0x5, s9;
	s2 =	sand.u32 $0xFFFF, s2  }
0x3c: {  	s0 =	ssub.s32 s0, s10;
	[tilespmem:$0x1FC30] =	vst v1;
	v1 =	vadd.s32 $0xC87, v0;
	s7 =	sshrl.u32 s7, $0x6;
	s2 =	smul.u32 $0x32000, s2  }
0x3d: {  	s5 =	sadd.s32 $0x2200, s6;
	s6 =	sadd.s32 $0x800, s6;
	[tilespmem:$0x1FC40] =	vst v1;
	v1 =	vadd.s32 $0x1907, v0;
	s7 =	sand.u32 $0x1C00, s7  }
.Ltmp0:
0x3e: {  	[tilespmem:$0x1FC50] =	vst v1;
	v1 =	vadd.s32 $0x2587, v0;
	s8 =	ssub.s32 s1, s30;
	s2 =	sor.u32 s7, s2;
	(pc) =	sbr.rel .LBB2_1-.Ltmp0, $4  }
0x3f: {  	s31 =	sshll.u32 s9, $0x4;
	[tilespmem:$0x1FC60] =	vst v1;
	v1 =	vadd.s32 $0x3207, v0;
	s8 =	sand.u32 $0xFF, s8;
	s2 =	sadd.s32 $0x2FDA000, s2  }
0x40: {  	[tilespmem:$0x1FC70] =	vst v1;
	v1 =	vadd.s32 $0x3E87, v0;
	s8 =	smul.u32 $0x61A8, s8;
	s7 =	sadd.s32 s31, s6;
	s2 =	sshrl.u32 s2, $0x3  }
0x41: {  	s11 =	smax.u32 s0, $0x1;
	[tilespmem:$0x1FC80] =	vst v1;
	v1 =	vadd.s32 $0x4B07, v0;
	[dreg:$0x3] =	wrdreg s7;
	s2 =	sadd.s32 s3, s2  }
0x42: {  	s9 =	sor.u32 $0x40, s1;
	[tilespmem:$0x1FC90] =	vst v1;
	s8 =	sadd.s32 s5, s8;
	[dreg:$0x4] =	wrdreg s2  }
.LBB2_11:
0x43: {  	s24 =	sadd.s32 $0x1, s24  }
0x44: {  	_ =	swait.ge [sflag:s22], $0x6400;
	p1 =	sne.s32 s24, s11  }
.Ltmp1:
0x45: {  	[sflag:s22] =	ssyncset.done $0x0;
	(pc) =	sbr.rel @!p1 .LBB2_12-.Ltmp1, $4  }
0x46: {  	[sflag:s22] =	ssyncadd.s32 $0xFFFF9C00  }
0x47: {  	_ =	swait.ge [sflag:s23], $0x6400  }
0x48: {  	[sflag:s23] =	ssyncset.done $0x0  }
0x49: {  	[sflag:s23] =	ssyncadd.s32 $0xFFFF9C00  }
.LBB2_1:
0x4a: {  	s0 =	rddreg [dreg:$0x3]  }
0x4b: {  	[tilespmem:s4], [sflag:$0x5] =	stream.linear.gather [hbm4b:s0+s4], $0x80, $0x38;
	[tilespmem:$0x19100] =	vst v63  }
0x4c: {  	_ =	swait.ge [sflag:s12], $0x80  }
0x4d: {  	[sflag:s12] =	ssyncset.done $0x0  }
0x4e: {  	s25 =	simm.s32 $0x0;
	[sflag:s12] =	ssyncadd.s32 $0xFFFFFF80  }
0x4f: {  	[tilespmem:s14], [sflag:$0x1] =	stream.indirect.gather [hbm4b:s8+s13], $0xC8, s4, s13, $0xb8;
	[tilespmem:$0x19100] =	vst v63  }
.LBB2_2:
0x50: {  	s30 =	sshll.u32 s25, $0x6  }
0x51: {  	s31 =	sor.u32 s1, s30  }
0x52: {  	s0 =	sor.u32 $0x20, s31  }
0x53: {  	s2 =	smulhi.u32 $0x66666667, s0;
	_ =	sdelay $0x1  }
0x54: {  	s26 =	sshrl.u32 s2, $0x1;
	s28 =	sshrl.u32 s2, $0x4  }
0x55: {  	s2 =	smul.u32 $0x5, s26;
	s26 =	sand.u32 $0x7, s26;
	s29 =	sshll.u32 s28, $0x7  }
0x56: {  	s10 =	sshll.u32 s26, $0x4;
	s7 =	sadd.s32 s6, s29  }
0x57: {  	s29 =	ssub.s32 s0, s2;
	s7 =	sadd.s32 s10, s7  }
0x58: {  	[tilespmem:s13], [sflag:$0x5] =	stream.linear.gather [hbm4b:s7+s4], $0x80, $0x38;
	[tilespmem:$0x19100] =	vst v63  }
0x59: {  	s10 =	smul.u32 $0x61A8, s29;
	_ =	swait.ge [sflag:s12], $0x80  }
0x5a: {  	[sflag:s12] =	ssyncset.done $0x0  }
0x5b: {  	s0 =	sadd.s32 s5, s10;
	[sflag:s12] =	ssyncadd.s32 $0xFFFFFF80  }
0x5c: {  	[tilespmem:s15], [sflag:$0x2] =	stream.indirect.gather [hbm4b:s0+s13], $0xC8, s13, s13, $0xb8;
	[tilespmem:$0x19100] =	vst v63  }
0x5d: {  	_ =	swait.ge [sflag:s16], $0x6400  }
0x5e: {  	p1 =	seq.s32 s25, $0x0;
	[sflag:s16] =	ssyncset.done $0x0  }
0x5f: {  	s0 =	simm.s32 @!p1 $0x3;
	[sflag:s16] =	ssyncadd.s32 $0xFFFF9C00  }
0x60: {  	_ =	swait.ge @!p1 [sflag:s0], $0x6400  }
0x61: {  	v19 =	vld [tilespmem:$0x1FD30]  }
0x62: {  	v20 =	vld [tilespmem:$0x1FD40]  }
0x63: {  	v21 =	vld [tilespmem:$0x1FD50]  }
0x64: {  	v22 =	vld [tilespmem:$0x1FD60]  }
0x65: {  	v23 =	vld [tilespmem:$0x1FD70]  }
0x66: {  	v24 =	vld [tilespmem:$0x1FD80]  }
0x67: {  	v25 =	vld [tilespmem:$0x1FD90]  }
0x68: {  	v26 =	vld [tilespmem:$0x1FDA0]  }
0x69: {  	v27 =	vld [tilespmem:$0x1FDB0]  }
0x6a: {  	v28 =	vld [tilespmem:$0x1FDC0]  }
0x6b: {  	v29 =	vld [tilespmem:$0x1FDD0]  }
0x6c: {  	v30 =	vld [tilespmem:$0x1FDE0]  }
0x6d: {  	v31 =	vld [tilespmem:$0x1FDF0]  }
0x6e: {  	v32 =	vld [tilespmem:$0x1FE00]  }
0x6f: {  	v33 =	vld [tilespmem:$0x1FE10]  }
0x70: {  	v34 =	vld [tilespmem:$0x1FE20]  }
0x71: {  	v35 =	vld [tilespmem:$0x1FE30]  }
0x72: {  	v36 =	vld [tilespmem:$0x1FE40]  }
0x73: {  	v37 =	vld [tilespmem:$0x1FE50]  }
0x74: {  	v38 =	vld [tilespmem:$0x1FE60]  }
0x75: {  	v39 =	vld [tilespmem:$0x1FE70]  }
0x76: {  	v40 =	vld [tilespmem:$0x1FE80]  }
0x77: {  	v41 =	vld [tilespmem:$0x1FE90]  }
0x78: {  	v42 =	vld [tilespmem:$0x1FEA0]  }
0x79: {  	v43 =	vld [tilespmem:$0x1FEB0]  }
0x7a: {  	v44 =	vld [tilespmem:$0x1FEC0]  }
0x7b: {  	v45 =	vld [tilespmem:$0x1FED0]  }
0x7c: {  	v46 =	vld [tilespmem:$0x1FEE0]  }
0x7d: {  	v47 =	vld [tilespmem:$0x1FEF0]  }
0x7e: {  	v48 =	vld [tilespmem:$0x1FF00]  }
0x7f: {  	v49 =	vld [tilespmem:$0x1FF10]  }
0x80: {  	v50 =	vld [tilespmem:$0x1FF20]  }
0x81: {  	v51 =	vld [tilespmem:$0x1FF30]  }
0x82: {  	v52 =	vld [tilespmem:$0x1FF40]  }
0x83: {  	v53 =	vld [tilespmem:$0x1FF50]  }
0x84: {  	v54 =	vld [tilespmem:$0x1FF60]  }
0x85: {  	v55 =	vld [tilespmem:$0x1FF70]  }
0x86: {  	v56 =	vld [tilespmem:$0x1FF80]  }
0x87: {  	v57 =	vld [tilespmem:$0x1FF90]  }
0x88: {  	v58 =	vld [tilespmem:$0x1FFA0]  }
0x89: {  	v59 =	vld [tilespmem:$0x1FFB0]  }
0x8a: {  	v60 =	vld [tilespmem:$0x1FFC0]  }
0x8b: {  	v61 =	vld [tilespmem:$0x1FFD0]  }
0x8c: {  	v62 =	vld [tilespmem:$0x1FFE0]  }
0x8d: {  	v10 =	vld [tilespmem:$0x1FFF0]  }
0x8e: {  	v11 =	vld [tilespmem:$0x1FC20]  }
0x8f: {  	v12 =	vld [tilespmem:$0x1FC30]  }
0x90: {  	v13 =	vld [tilespmem:$0x1FC40]  }
0x91: {  	v14 =	vld [tilespmem:$0x1FC50]  }
0x92: {  	v15 =	vld [tilespmem:$0x1FC60]  }
0x93: {  	v16 =	vld [tilespmem:$0x1FC70]  }
0x94: {  	[sflag:s0] =	ssyncset.done @!p1 $0x0;
	v17 =	vld [tilespmem:$0x1FC80]  }
0x95: {  	v1 =	vimm.s32 $0x0;
	s2 =	simm.s32 $0x0;
	v18 =	vld [tilespmem:$0x1FC90];
	[sflag:s0] =	ssyncadd.s32 @!p1 $0xFFFF9C00  }
.LBB2_3:
0x96: {  	v2 =	vld [tilespmem:$0x1FCA0]  }
0x97: {  	v3 =	vld [tilespmem:$0x1FCB0]  }
0x98: {  	v4 =	vld [tilespmem:$0x1FCC0]  }
0x99: {  	v5 =	vld [tilespmem:$0x1FCD0]  }
0x9a: {  	v63 =	vadd.s32 v0, v1;
	v6 =	vld [tilespmem:$0x1FCE0]  }
0x9b: {  	v7 =	vld [tilespmem:$0x1FCF0];
	v2 =	vadd.s32 v2, v1  }
0x9c: {  	v8 =	vld [tilespmem:$0x1FD00];
	v3 =	vadd.s32 v3, v1  }
0x9d: {  	v4 =	vadd.s32 v4, v1  }
0x9e: {  	v5 =	vadd.s32 v5, v1  }
0x9f: {  	v63 =	vld.idx.msk [tilespmem:v63+s14+$0x0], $0xffff;
	v6 =	vadd.s32 v6, v1  }
0xa0: {  	v7 =	vadd.s32 v7, v1;
	v2 =	vld.idx.msk [tilespmem:v2+s14+$0x0], $0xffff  }
0xa1: {  	v8 =	vadd.s32 v8, v1;
	v3 =	vld.idx.msk [tilespmem:v3+s14+$0x0], $0xffff  }
0xa2: {  	v4 =	vld.idx.msk [tilespmem:v4+s14+$0x0], $0xffff  }
0xa3: {  	v5 =	vld.idx.msk [tilespmem:v5+s14+$0x0], $0xffff  }
0xa4: {  	v6 =	vld.idx.msk [tilespmem:v6+s14+$0x0], $0xffff  }
0xa5: {  	s0 =	sshra.s32 s2, $0x2;
	v7 =	vld.idx.msk [tilespmem:v7+s14+$0x0], $0xffff  }
0xa6: {  	v8 =	vld.idx.msk [tilespmem:v8+s14+$0x0], $0xffff;
	[tilespmem:s0+$0xC900] =	vst v63  }
0xa7: {  	[tilespmem:s0+$0xC910] =	vst v2  }
0xa8: {  	[tilespmem:s0+$0xC920] =	vst v3  }
0xa9: {  	v63 =	vadd.s32 v19, v1;
	[tilespmem:s0+$0xC930] =	vst v4  }
0xaa: {  	v2 =	vld [tilespmem:$0x1FD10];
	[tilespmem:s0+$0xC940] =	vst v5;
	v5 =	vadd.s32 v20, v1  }
0xab: {  	v3 =	vld [tilespmem:$0x1FD20];
	[tilespmem:s0+$0xC950] =	vst v6;
	v6 =	vadd.s32 v21, v1  }
0xac: {  	[tilespmem:s0+$0xC960] =	vst v7;
	v7 =	vadd.s32 v22, v1  }
0xad: {  	[tilespmem:s0+$0xC970] =	vst v8;
	v8 =	vadd.s32 v23, v1  }
0xae: {  	v4 =	vld.idx.msk [tilespmem:v63+s14+$0x0], $0xffff;
	v63 =	vadd.s32 v24, v1  }
0xaf: {  	v2 =	vadd.s32 v2, v1;
	v5 =	vld.idx.msk [tilespmem:v5+s14+$0x0], $0xffff  }
0xb0: {  	v3 =	vadd.s32 v3, v1;
	v6 =	vld.idx.msk [tilespmem:v6+s14+$0x0], $0xffff  }
0xb1: {  	v7 =	vld.idx.msk [tilespmem:v7+s14+$0x0], $0xffff  }
0xb2: {  	v8 =	vld.idx.msk [tilespmem:v8+s14+$0x0], $0xffff  }
0xb3: {  	v63 =	vld.idx.msk [tilespmem:v63+s14+$0x0], $0xffff  }
0xb4: {  	v2 =	vld.idx.msk [tilespmem:v2+s14+$0x0], $0xffff  }
0xb5: {  	v3 =	vld.idx.msk [tilespmem:v3+s14+$0x0], $0xffff;
	[tilespmem:s0+$0xC9A0] =	vst v4  }
0xb6: {  	[tilespmem:s0+$0xC9B0] =	vst v5  }
0xb7: {  	[tilespmem:s0+$0xC9C0] =	vst v6  }
0xb8: {  	[tilespmem:s0+$0xC9D0] =	vst v7;
	v4 =	vadd.s32 v27, v1  }
0xb9: {  	[tilespmem:s0+$0xC9E0] =	vst v8;
	v5 =	vadd.s32 v28, v1  }
0xba: {  	v6 =	vadd.s32 v29, v1;
	[tilespmem:s0+$0xC9F0] =	vst v63  }
0xbb: {  	v7 =	vadd.s32 v30, v1;
	[tilespmem:s0+$0xC980] =	vst v2  }
0xbc: {  	v8 =	vadd.s32 v31, v1;
	[tilespmem:s0+$0xC990] =	vst v3  }
0xbd: {  	v63 =	vadd.s32 v32, v1;
	v4 =	vld.idx.msk [tilespmem:v4+s14+$0x0], $0xffff  }
0xbe: {  	v2 =	vadd.s32 v25, v1;
	v5 =	vld.idx.msk [tilespmem:v5+s14+$0x0], $0xffff  }
0xbf: {  	v3 =	vadd.s32 v26, v1;
	v6 =	vld.idx.msk [tilespmem:v6+s14+$0x0], $0xffff  }
0xc0: {  	v7 =	vld.idx.msk [tilespmem:v7+s14+$0x0], $0xffff  }
0xc1: {  	v8 =	vld.idx.msk [tilespmem:v8+s14+$0x0], $0xffff  }
0xc2: {  	v63 =	vld.idx.msk [tilespmem:v63+s14+$0x0], $0xffff  }
0xc3: {  	v2 =	vld.idx.msk [tilespmem:v2+s14+$0x0], $0xffff  }
0xc4: {  	v3 =	vld.idx.msk [tilespmem:v3+s14+$0x0], $0xffff;
	[tilespmem:s0+$0xCA20] =	vst v4  }
0xc5: {  	[tilespmem:s0+$0xCA30] =	vst v5  }
0xc6: {  	[tilespmem:s0+$0xCA40] =	vst v6  }
0xc7: {  	[tilespmem:s0+$0xCA50] =	vst v7;
	v4 =	vadd.s32 v35, v1  }
0xc8: {  	[tilespmem:s0+$0xCA60] =	vst v8;
	v5 =	vadd.s32 v36, v1  }
0xc9: {  	[tilespmem:s0+$0xCA70] =	vst v63;
	v6 =	vadd.s32 v37, v1  }
0xca: {  	v7 =	vadd.s32 v38, v1;
	[tilespmem:s0+$0xCA00] =	vst v2  }
0xcb: {  	v8 =	vadd.s32 v39, v1;
	[tilespmem:s0+$0xCA10] =	vst v3  }
0xcc: {  	v63 =	vadd.s32 v40, v1;
	v4 =	vld.idx.msk [tilespmem:v4+s14+$0x0], $0xffff  }
0xcd: {  	v2 =	vadd.s32 v33, v1;
	v5 =	vld.idx.msk [tilespmem:v5+s14+$0x0], $0xffff  }
0xce: {  	v3 =	vadd.s32 v34, v1;
	v6 =	vld.idx.msk [tilespmem:v6+s14+$0x0], $0xffff  }
0xcf: {  	v7 =	vld.idx.msk [tilespmem:v7+s14+$0x0], $0xffff  }
0xd0: {  	v8 =	vld.idx.msk [tilespmem:v8+s14+$0x0], $0xffff  }
0xd1: {  	v63 =	vld.idx.msk [tilespmem:v63+s14+$0x0], $0xffff  }
0xd2: {  	v2 =	vld.idx.msk [tilespmem:v2+s14+$0x0], $0xffff  }
0xd3: {  	v3 =	vld.idx.msk [tilespmem:v3+s14+$0x0], $0xffff;
	[tilespmem:s0+$0xCAA0] =	vst v4  }
0xd4: {  	[tilespmem:s0+$0xCAB0] =	vst v5  }
0xd5: {  	[tilespmem:s0+$0xCAC0] =	vst v6  }
0xd6: {  	[tilespmem:s0+$0xCAD0] =	vst v7;
	v4 =	vadd.s32 v43, v1  }
0xd7: {  	[tilespmem:s0+$0xCAE0] =	vst v8;
	v5 =	vadd.s32 v44, v1  }
0xd8: {  	[tilespmem:s0+$0xCAF0] =	vst v63;
	v6 =	vadd.s32 v45, v1  }
0xd9: {  	v7 =	vadd.s32 v46, v1;
	[tilespmem:s0+$0xCA80] =	vst v2  }
0xda: {  	v8 =	vadd.s32 v47, v1;
	[tilespmem:s0+$0xCA90] =	vst v3  }
0xdb: {  	v63 =	vadd.s32 v48, v1;
	v4 =	vld.idx.msk [tilespmem:v4+s14+$0x0], $0xffff  }
0xdc: {  	v2 =	vadd.s32 v41, v1;
	v5 =	vld.idx.msk [tilespmem:v5+s14+$0x0], $0xffff  }
0xdd: {  	v3 =	vadd.s32 v42, v1;
	v6 =	vld.idx.msk [tilespmem:v6+s14+$0x0], $0xffff  }
0xde: {  	v7 =	vld.idx.msk [tilespmem:v7+s14+$0x0], $0xffff  }
0xdf: {  	v8 =	vld.idx.msk [tilespmem:v8+s14+$0x0], $0xffff  }
0xe0: {  	v63 =	vld.idx.msk [tilespmem:v63+s14+$0x0], $0xffff  }
0xe1: {  	v2 =	vld.idx.msk [tilespmem:v2+s14+$0x0], $0xffff  }
0xe2: {  	v3 =	vld.idx.msk [tilespmem:v3+s14+$0x0], $0xffff;
	[tilespmem:s0+$0xCB20] =	vst v4  }
0xe3: {  	[tilespmem:s0+$0xCB30] =	vst v5  }
0xe4: {  	[tilespmem:s0+$0xCB40] =	vst v6  }
0xe5: {  	[tilespmem:s0+$0xCB50] =	vst v7;
	v4 =	vadd.s32 v51, v1  }
0xe6: {  	[tilespmem:s0+$0xCB60] =	vst v8;
	v5 =	vadd.s32 v52, v1  }
0xe7: {  	[tilespmem:s0+$0xCB70] =	vst v63;
	v6 =	vadd.s32 v53, v1  }
0xe8: {  	v7 =	vadd.s32 v54, v1;
	[tilespmem:s0+$0xCB00] =	vst v2  }
0xe9: {  	v8 =	vadd.s32 v55, v1;
	[tilespmem:s0+$0xCB10] =	vst v3  }
0xea: {  	v63 =	vadd.s32 v56, v1;
	v4 =	vld.idx.msk [tilespmem:v4+s14+$0x0], $0xffff  }
0xeb: {  	v2 =	vadd.s32 v49, v1;
	v5 =	vld.idx.msk [tilespmem:v5+s14+$0x0], $0xffff  }
0xec: {  	v3 =	vadd.s32 v50, v1;
	v6 =	vld.idx.msk [tilespmem:v6+s14+$0x0], $0xffff  }
0xed: {  	v7 =	vld.idx.msk [tilespmem:v7+s14+$0x0], $0xffff  }
0xee: {  	v8 =	vld.idx.msk [tilespmem:v8+s14+$0x0], $0xffff  }
0xef: {  	v63 =	vld.idx.msk [tilespmem:v63+s14+$0x0], $0xffff  }
0xf0: {  	v2 =	vld.idx.msk [tilespmem:v2+s14+$0x0], $0xffff  }
0xf1: {  	v3 =	vld.idx.msk [tilespmem:v3+s14+$0x0], $0xffff;
	[tilespmem:s0+$0xCBA0] =	vst v4  }
0xf2: {  	[tilespmem:s0+$0xCBB0] =	vst v5  }
0xf3: {  	[tilespmem:s0+$0xCBC0] =	vst v6  }
0xf4: {  	[tilespmem:s0+$0xCBD0] =	vst v7;
	v4 =	vadd.s32 v59, v1  }
0xf5: {  	[tilespmem:s0+$0xCBE0] =	vst v8;
	v5 =	vadd.s32 v60, v1  }
0xf6: {  	[tilespmem:s0+$0xCBF0] =	vst v63;
	v6 =	vadd.s32 v61, v1  }
0xf7: {  	v7 =	vadd.s32 v62, v1;
	[tilespmem:s0+$0xCB80] =	vst v2  }
0xf8: {  	v8 =	vadd.s32 v10, v1;
	[tilespmem:s0+$0xCB90] =	vst v3  }
0xf9: {  	v63 =	vadd.s32 v11, v1;
	v4 =	vld.idx.msk [tilespmem:v4+s14+$0x0], $0xffff  }
0xfa: {  	v2 =	vadd.s32 v57, v1;
	v5 =	vld.idx.msk [tilespmem:v5+s14+$0x0], $0xffff  }
0xfb: {  	v3 =	vadd.s32 v58, v1;
	v6 =	vld.idx.msk [tilespmem:v6+s14+$0x0], $0xffff  }
0xfc: {  	v7 =	vld.idx.msk [tilespmem:v7+s14+$0x0], $0xffff  }
0xfd: {  	v8 =	vld.idx.msk [tilespmem:v8+s14+$0x0], $0xffff  }
0xfe: {  	v63 =	vld.idx.msk [tilespmem:v63+s14+$0x0], $0xffff  }
0xff: {  	v2 =	vld.idx.msk [tilespmem:v2+s14+$0x0], $0xffff  }
0x100: {  	v3 =	vld.idx.msk [tilespmem:v3+s14+$0x0], $0xffff;
	[tilespmem:s0+$0xCC20] =	vst v4  }
0x101: {  	[tilespmem:s0+$0xCC30] =	vst v5  }
0x102: {  	[tilespmem:s0+$0xCC40] =	vst v6  }
0x103: {  	[tilespmem:s0+$0xCC50] =	vst v7;
	v4 =	vadd.s32 v14, v1  }
0x104: {  	[tilespmem:s0+$0xCC60] =	vst v8;
	v5 =	vadd.s32 v15, v1  }
0x105: {  	[tilespmem:s0+$0xCC70] =	vst v63;
	v6 =	vadd.s32 v16, v1  }
0x106: {  	v7 =	vadd.s32 v17, v1;
	[tilespmem:s0+$0xCC00] =	vst v2  }
0x107: {  	v8 =	vadd.s32 v18, v1;
	v63 =	vadd.s32 $0x5787, v0;
	[tilespmem:s0+$0xCC10] =	vst v3  }
0x108: {  	v9 =	vadd.s32 v63, v1;
	v4 =	vld.idx.msk [tilespmem:v4+s14+$0x0], $0xffff  }
0x109: {  	v2 =	vadd.s32 v12, v1;
	v5 =	vld.idx.msk [tilespmem:v5+s14+$0x0], $0xffff  }
0x10a: {  	v3 =	vadd.s32 v13, v1;
	v6 =	vld.idx.msk [tilespmem:v6+s14+$0x0], $0xffff  }
0x10b: {  	v7 =	vld.idx.msk [tilespmem:v7+s14+$0x0], $0xffff  }
0x10c: {  	v8 =	vld.idx.msk [tilespmem:v8+s14+$0x0], $0xffff  }
0x10d: {  	v9 =	vld.idx.msk [tilespmem:v9+s14+$0x0], $0xffff  }
0x10e: {  	v2 =	vld.idx.msk [tilespmem:v2+s14+$0x0], $0xffff  }
0x10f: {  	v3 =	vld.idx.msk [tilespmem:v3+s14+$0x0], $0xffff;
	[tilespmem:s0+$0xCCA0] =	vst v4  }
0x110: {  	[tilespmem:s0+$0xCCB0] =	vst v5  }
0x111: {  	p2 =	sne.s32 s2, $0x18000;
	[tilespmem:s0+$0xCCC0] =	vst v6  }
.Ltmp2:
0x112: {  	[tilespmem:s0+$0xCCD0] =	vst v7;
	(pc) =	sbr.rel @p2 .LBB2_3-.Ltmp2, $4  }
0x113: {  	[tilespmem:s0+$0xCCE0] =	vst v8  }
0x114: {  	[tilespmem:s0+$0xCCF0] =	vst v9  }
0x115: {  	[tilespmem:s0+$0xCC80] =	vst v2  }
0x116: {  	s2 =	sadd.s32 $0x1000, s2;
	v1 =	vadd.s32 $0x8, v1;
	[tilespmem:s0+$0xCC90] =	vst v3  }
0x117: {  	s0 =	smulhi.u32 $0x66666667, s31;
	_ =	sdelay $0x1  }
0x118: {  	s2 =	sshrl.u32 s0, $0x1  }
0x119: {  	s2 =	smul.u32 $0x5, s2  }
0x11a: {  	s7 =	sshrl.u32 s0, $0x4  }
0x11b: {  	s7 =	smul.u32 $0xFA000, s7;
	s2 =	ssub.s32 s31, s2  }
0x11c: {  	s2 =	smul.u32 $0x32000, s2  }
0x11d: {  	s0 =	sshll.u32 s0, $0x9  }
0x11e: {  	s0 =	sand.u32 $0x1C00, s0;
	s2 =	sadd.s32 s2, s7  }
0x11f: {  	s0 =	sor.u32 s0, s2;
	s2 =	sadd.s32 s9, s30  }
0x120: {  	s0 =	sshrl.u32 s0, $0x3;
	p2 =	sgt.u32 s2, $0x7CF  }
0x121: {  	s0 =	sadd.s32 s3, s0;
	s7 =	smul.u32 @!p2 $0xCCCD, s2  }
0x122: {  	[hbm4b:s0+s17] =	stream.strided.scatter [tilespmem:s19], [sflag:$0x3], $0x6400, s18, s17, $0x38;
	[tilespmem:$0x19100] =	vst v63  }
0x123: {  	s0 =	sshrl.u32 @!p2 s7, $0xE  }
0x124: {  	s7 =	sshrl.u32 @!p2 s7, $0x12;
	s0 =	sand.u32 @!p2 $0xFFF0, s0  }
0x125: {  	s10 =	simm.s32 @!p2 $0x0;
	s7 =	smul.u32 @!p2 $0x5, s7;
	s0 =	sadd.s32 @!p2 s0, s6  }
0x126: {  	[tilespmem:s10], [sflag:$0x5] =	stream.linear.gather @!p2 [hbm4b:s0+s10], $0x80, $0x38;
	[tilespmem:$0x19100] =	vst v63  }
0x127: {  	s2 =	ssub.s32 @!p2 s2, s7  }
0x128: {  	s0 =	simm.s32 @!p2 $0x5;
	s2 =	sand.u32 @!p2 $0xFFFF, s2  }
0x129: {  	_ =	swait.ge @!p2 [sflag:s0], $0x80;
	s2 =	smul.u32 @!p2 $0x61A8, s2  }
0x12a: {  	s7 =	simm.s32 @!p2 $0x100;
	[sflag:s0] =	ssyncset.done @!p2 $0x0  }
0x12b: {  	[sflag:s0] =	ssyncadd.s32 @!p2 $0xFFFFFF80;
	s0 =	sadd.s32 @!p2 s5, s2;
	s2 =	simm.s32 @!p2 $0x80  }
0x12c: {  	[tilespmem:s7], [sflag:$0x1] =	stream.indirect.gather @!p2 [hbm4b:s0+s2], $0xC8, s10, s2, $0xb8;
	[tilespmem:$0x19100] =	vst v63  }
0x12d: {  	_ =	swait.ge [sflag:s20], $0x6400  }
0x12e: {  	[sflag:s20] =	ssyncset.done $0x0  }
0x12f: {  	s0 =	simm.s32 @!p1 $0x4;
	[sflag:s20] =	ssyncadd.s32 $0xFFFF9C00  }
0x130: {  	_ =	swait.ge @!p1 [sflag:s0], $0x6400  }
0x131: {  	[sflag:s0] =	ssyncset.done @!p1 $0x0  }
0x132: {  	v1 =	vimm.s32 $0x0;
	s30 =	simm.s32 $0x0;
	[sflag:s0] =	ssyncadd.s32 @!p1 $0xFFFF9C00  }
.LBB2_5:
0x133: {  	v2 =	vadd.s32 $0x6400, v0  }
0x134: {  	v3 =	vadd.s32 $0x7080, v0;
	v2 =	vadd.s32 v2, v1  }
0x135: {  	v4 =	vadd.s32 $0x7D00, v0;
	v3 =	vadd.s32 v3, v1  }
0x136: {  	v5 =	vadd.s32 $0x8980, v0;
	v4 =	vadd.s32 v4, v1  }
0x137: {  	v6 =	vadd.s32 $0x9600, v0;
	v5 =	vadd.s32 v5, v1  }
0x138: {  	v7 =	vadd.s32 $0xA280, v0;
	v6 =	vadd.s32 v6, v1  }
0x139: {  	v8 =	vadd.s32 $0xAF00, v0;
	v7 =	vadd.s32 v7, v1;
	v2 =	vld.idx.msk [tilespmem:v2+s14+$0x0], $0xffff  }
0x13a: {  	v9 =	vadd.s32 $0xBB80, v0;
	v8 =	vadd.s32 v8, v1;
	v3 =	vld.idx.msk [tilespmem:v3+s14+$0x0], $0xffff  }
0x13b: {  	v9 =	vadd.s32 v9, v1;
	v4 =	vld.idx.msk [tilespmem:v4+s14+$0x0], $0xffff  }
0x13c: {  	v5 =	vld.idx.msk [tilespmem:v5+s14+$0x0], $0xffff  }
0x13d: {  	v6 =	vld.idx.msk [tilespmem:v6+s14+$0x0], $0xffff  }
0x13e: {  	v7 =	vld.idx.msk [tilespmem:v7+s14+$0x0], $0xffff  }
0x13f: {  	s31 =	sshra.s32 s30, $0x2;
	v8 =	vld.idx.msk [tilespmem:v8+s14+$0x0], $0xffff  }
0x140: {  	v9 =	vld.idx.msk [tilespmem:v9+s14+$0x0], $0xffff;
	[tilespmem:s31+$0x12D00] =	vst v2  }
0x141: {  	[tilespmem:s31+$0x12D10] =	vst v3  }
0x142: {  	v21 =	vadd.s32 $0x7D01, v0;
	[tilespmem:s31+$0x12D20] =	vst v4  }
0x143: {  	v22 =	vadd.s32 $0x8981, v0;
	[tilespmem:s31+$0x12D30] =	vst v5;
	v4 =	vadd.s32 v21, v1  }
0x144: {  	v23 =	vadd.s32 $0x9601, v0;
	[tilespmem:s31+$0x12D40] =	vst v6;
	v5 =	vadd.s32 v22, v1  }
0x145: {  	v24 =	vadd.s32 $0xA281, v0;
	[tilespmem:s31+$0x12D50] =	vst v7;
	v6 =	vadd.s32 v23, v1  }
0x146: {  	v25 =	vadd.s32 $0xAF01, v0;
	[tilespmem:s31+$0x12D60] =	vst v8;
	v7 =	vadd.s32 v24, v1  }
0x147: {  	v26 =	vadd.s32 $0xBB81, v0;
	[tilespmem:s31+$0x12D70] =	vst v9;
	v8 =	vadd.s32 v25, v1  }
0x148: {  	v2 =	vadd.s32 $0x6401, v0;
	v9 =	vadd.s32 v26, v1;
	v4 =	vld.idx.msk [tilespmem:v4+s14+$0x0], $0xffff  }
0x149: {  	v3 =	vadd.s32 $0x7081, v0;
	v2 =	vadd.s32 v2, v1;
	v5 =	vld.idx.msk [tilespmem:v5+s14+$0x0], $0xffff  }
0x14a: {  	v3 =	vadd.s32 v3, v1;
	v6 =	vld.idx.msk [tilespmem:v6+s14+$0x0], $0xffff  }
0x14b: {  	v7 =	vld.idx.msk [tilespmem:v7+s14+$0x0], $0xffff  }
0x14c: {  	v8 =	vld.idx.msk [tilespmem:v8+s14+$0x0], $0xffff  }
0x14d: {  	v9 =	vld.idx.msk [tilespmem:v9+s14+$0x0], $0xffff  }
0x14e: {  	v2 =	vld.idx.msk [tilespmem:v2+s14+$0x0], $0xffff  }
0x14f: {  	v3 =	vld.idx.msk [tilespmem:v3+s14+$0x0], $0xffff;
	[tilespmem:s31+$0x12DA0] =	vst v4  }
0x150: {  	[tilespmem:s31+$0x12DB0] =	vst v5  }
0x151: {  	v27 =	vadd.s32 $0x7D02, v0;
	[tilespmem:s31+$0x12DC0] =	vst v6  }
0x152: {  	v28 =	vadd.s32 $0x8982, v0;
	[tilespmem:s31+$0x12DD0] =	vst v7;
	v4 =	vadd.s32 v27, v1  }
0x153: {  	v29 =	vadd.s32 $0x9602, v0;
	[tilespmem:s31+$0x12DE0] =	vst v8;
	v5 =	vadd.s32 v28, v1  }
0x154: {  	v30 =	vadd.s32 $0xA282, v0;
	[tilespmem:s31+$0x12DF0] =	vst v9;
	v6 =	vadd.s32 v29, v1  }
0x155: {  	v31 =	vadd.s32 $0xAF02, v0;
	v7 =	vadd.s32 v30, v1;
	[tilespmem:s31+$0x12D80] =	vst v2  }
0x156: {  	v32 =	vadd.s32 $0xBB82, v0;
	v8 =	vadd.s32 v31, v1;
	[tilespmem:s31+$0x12D90] =	vst v3  }
0x157: {  	v9 =	vadd.s32 v32, v1;
	v2 =	vadd.s32 $0x6402, v0;
	v4 =	vld.idx.msk [tilespmem:v4+s14+$0x0], $0xffff  }
0x158: {  	v3 =	vadd.s32 $0x7082, v0;
	v2 =	vadd.s32 v2, v1;
	v5 =	vld.idx.msk [tilespmem:v5+s14+$0x0], $0xffff  }
0x159: {  	v3 =	vadd.s32 v3, v1;
	v6 =	vld.idx.msk [tilespmem:v6+s14+$0x0], $0xffff  }
0x15a: {  	v7 =	vld.idx.msk [tilespmem:v7+s14+$0x0], $0xffff  }
0x15b: {  	v8 =	vld.idx.msk [tilespmem:v8+s14+$0x0], $0xffff  }
0x15c: {  	v9 =	vld.idx.msk [tilespmem:v9+s14+$0x0], $0xffff  }
0x15d: {  	v2 =	vld.idx.msk [tilespmem:v2+s14+$0x0], $0xffff  }
0x15e: {  	v3 =	vld.idx.msk [tilespmem:v3+s14+$0x0], $0xffff;
	[tilespmem:s31+$0x12E20] =	vst v4  }
0x15f: {  	[tilespmem:s31+$0x12E30] =	vst v5  }
0x160: {  	v33 =	vadd.s32 $0x7D03, v0;
	[tilespmem:s31+$0x12E40] =	vst v6  }
0x161: {  	v34 =	vadd.s32 $0x8983, v0;
	[tilespmem:s31+$0x12E50] =	vst v7;
	v4 =	vadd.s32 v33, v1  }
0x162: {  	v35 =	vadd.s32 $0x9603, v0;
	[tilespmem:s31+$0x12E60] =	vst v8;
	v5 =	vadd.s32 v34, v1  }
0x163: {  	v36 =	vadd.s32 $0xA283, v0;
	[tilespmem:s31+$0x12E70] =	vst v9;
	v6 =	vadd.s32 v35, v1  }
0x164: {  	v37 =	vadd.s32 $0xAF03, v0;
	v7 =	vadd.s32 v36, v1;
	[tilespmem:s31+$0x12E00] =	vst v2  }
0x165: {  	v38 =	vadd.s32 $0xBB83, v0;
	v8 =	vadd.s32 v37, v1;
	[tilespmem:s31+$0x12E10] =	vst v3  }
0x166: {  	v9 =	vadd.s32 v38, v1;
	v2 =	vadd.s32 $0x6403, v0;
	v4 =	vld.idx.msk [tilespmem:v4+s14+$0x0], $0xffff  }
0x167: {  	v3 =	vadd.s32 $0x7083, v0;
	v2 =	vadd.s32 v2, v1;
	v5 =	vld.idx.msk [tilespmem:v5+s14+$0x0], $0xffff  }
0x168: {  	v3 =	vadd.s32 v3, v1;
	v6 =	vld.idx.msk [tilespmem:v6+s14+$0x0], $0xffff  }
0x169: {  	v7 =	vld.idx.msk [tilespmem:v7+s14+$0x0], $0xffff  }
0x16a: {  	v8 =	vld.idx.msk [tilespmem:v8+s14+$0x0], $0xffff  }
0x16b: {  	v9 =	vld.idx.msk [tilespmem:v9+s14+$0x0], $0xffff  }
0x16c: {  	v2 =	vld.idx.msk [tilespmem:v2+s14+$0x0], $0xffff  }
0x16d: {  	v3 =	vld.idx.msk [tilespmem:v3+s14+$0x0], $0xffff;
	[tilespmem:s31+$0x12EA0] =	vst v4  }
0x16e: {  	[tilespmem:s31+$0x12EB0] =	vst v5  }
0x16f: {  	v39 =	vadd.s32 $0x7D04, v0;
	[tilespmem:s31+$0x12EC0] =	vst v6  }
0x170: {  	v40 =	vadd.s32 $0x8984, v0;
	[tilespmem:s31+$0x12ED0] =	vst v7;
	v4 =	vadd.s32 v39, v1  }
0x171: {  	v41 =	vadd.s32 $0x9604, v0;
	[tilespmem:s31+$0x12EE0] =	vst v8;
	v5 =	vadd.s32 v40, v1  }
0x172: {  	v42 =	vadd.s32 $0xA284, v0;
	[tilespmem:s31+$0x12EF0] =	vst v9;
	v6 =	vadd.s32 v41, v1  }
0x173: {  	v43 =	vadd.s32 $0xAF04, v0;
	v7 =	vadd.s32 v42, v1;
	[tilespmem:s31+$0x12E80] =	vst v2  }
0x174: {  	v44 =	vadd.s32 $0xBB84, v0;
	v8 =	vadd.s32 v43, v1;
	[tilespmem:s31+$0x12E90] =	vst v3  }
0x175: {  	v9 =	vadd.s32 v44, v1;
	v2 =	vadd.s32 $0x6404, v0;
	v4 =	vld.idx.msk [tilespmem:v4+s14+$0x0], $0xffff  }
0x176: {  	v3 =	vadd.s32 $0x7084, v0;
	v2 =	vadd.s32 v2, v1;
	v5 =	vld.idx.msk [tilespmem:v5+s14+$0x0], $0xffff  }
0x177: {  	v3 =	vadd.s32 v3, v1;
	v6 =	vld.idx.msk [tilespmem:v6+s14+$0x0], $0xffff  }
0x178: {  	v7 =	vld.idx.msk [tilespmem:v7+s14+$0x0], $0xffff  }
0x179: {  	v8 =	vld.idx.msk [tilespmem:v8+s14+$0x0], $0xffff  }
0x17a: {  	v9 =	vld.idx.msk [tilespmem:v9+s14+$0x0], $0xffff  }
0x17b: {  	v2 =	vld.idx.msk [tilespmem:v2+s14+$0x0], $0xffff  }
0x17c: {  	v3 =	vld.idx.msk [tilespmem:v3+s14+$0x0], $0xffff;
	[tilespmem:s31+$0x12F20] =	vst v4  }
0x17d: {  	[tilespmem:s31+$0x12F30] =	vst v5  }
0x17e: {  	v45 =	vadd.s32 $0x7D05, v0;
	[tilespmem:s31+$0x12F40] =	vst v6  }
0x17f: {  	v46 =	vadd.s32 $0x8985, v0;
	[tilespmem:s31+$0x12F50] =	vst v7;
	v4 =	vadd.s32 v45, v1  }
0x180: {  	v47 =	vadd.s32 $0x9605, v0;
	[tilespmem:s31+$0x12F60] =	vst v8;
	v5 =	vadd.s32 v46, v1  }
0x181: {  	v48 =	vadd.s32 $0xA285, v0;
	[tilespmem:s31+$0x12F70] =	vst v9;
	v6 =	vadd.s32 v47, v1  }
0x182: {  	v49 =	vadd.s32 $0xAF05, v0;
	v7 =	vadd.s32 v48, v1;
	[tilespmem:s31+$0x12F00] =	vst v2  }
0x183: {  	v50 =	vadd.s32 $0xBB85, v0;
	v8 =	vadd.s32 v49, v1;
	[tilespmem:s31+$0x12F10] =	vst v3  }
0x184: {  	v9 =	vadd.s32 v50, v1;
	v2 =	vadd.s32 $0x6405, v0;
	v4 =	vld.idx.msk [tilespmem:v4+s14+$0x0], $0xffff  }
0x185: {  	v3 =	vadd.s32 $0x7085, v0;
	v2 =	vadd.s32 v2, v1;
	v5 =	vld.idx.msk [tilespmem:v5+s14+$0x0], $0xffff  }
0x186: {  	v3 =	vadd.s32 v3, v1;
	v6 =	vld.idx.msk [tilespmem:v6+s14+$0x0], $0xffff  }
0x187: {  	v7 =	vld.idx.msk [tilespmem:v7+s14+$0x0], $0xffff  }
0x188: {  	v8 =	vld.idx.msk [tilespmem:v8+s14+$0x0], $0xffff  }
0x189: {  	v9 =	vld.idx.msk [tilespmem:v9+s14+$0x0], $0xffff  }
0x18a: {  	v2 =	vld.idx.msk [tilespmem:v2+s14+$0x0], $0xffff  }
0x18b: {  	v3 =	vld.idx.msk [tilespmem:v3+s14+$0x0], $0xffff;
	[tilespmem:s31+$0x12FA0] =	vst v4  }
0x18c: {  	[tilespmem:s31+$0x12FB0] =	vst v5  }
0x18d: {  	v51 =	vadd.s32 $0x7D06, v0;
	[tilespmem:s31+$0x12FC0] =	vst v6  }
0x18e: {  	v52 =	vadd.s32 $0x8986, v0;
	[tilespmem:s31+$0x12FD0] =	vst v7;
	v4 =	vadd.s32 v51, v1  }
0x18f: {  	v53 =	vadd.s32 $0x9606, v0;
	[tilespmem:s31+$0x12FE0] =	vst v8;
	v5 =	vadd.s32 v52, v1  }
0x190: {  	v54 =	vadd.s32 $0xA286, v0;
	[tilespmem:s31+$0x12FF0] =	vst v9;
	v6 =	vadd.s32 v53, v1  }
0x191: {  	v55 =	vadd.s32 $0xAF06, v0;
	v7 =	vadd.s32 v54, v1;
	[tilespmem:s31+$0x12F80] =	vst v2  }
0x192: {  	v56 =	vadd.s32 $0xBB86, v0;
	v8 =	vadd.s32 v55, v1;
	[tilespmem:s31+$0x12F90] =	vst v3  }
0x193: {  	v9 =	vadd.s32 v56, v1;
	v2 =	vadd.s32 $0x6406, v0;
	v4 =	vld.idx.msk [tilespmem:v4+s14+$0x0], $0xffff  }
0x194: {  	v3 =	vadd.s32 $0x7086, v0;
	v2 =	vadd.s32 v2, v1;
	v5 =	vld.idx.msk [tilespmem:v5+s14+$0x0], $0xffff  }
0x195: {  	v3 =	vadd.s32 v3, v1;
	v6 =	vld.idx.msk [tilespmem:v6+s14+$0x0], $0xffff  }
0x196: {  	v7 =	vld.idx.msk [tilespmem:v7+s14+$0x0], $0xffff  }
0x197: {  	v8 =	vld.idx.msk [tilespmem:v8+s14+$0x0], $0xffff  }
0x198: {  	v9 =	vld.idx.msk [tilespmem:v9+s14+$0x0], $0xffff  }
0x199: {  	v2 =	vld.idx.msk [tilespmem:v2+s14+$0x0], $0xffff  }
0x19a: {  	v3 =	vld.idx.msk [tilespmem:v3+s14+$0x0], $0xffff;
	[tilespmem:s31+$0x13020] =	vst v4  }
0x19b: {  	[tilespmem:s31+$0x13030] =	vst v5  }
0x19c: {  	v57 =	vadd.s32 $0x7D07, v0;
	[tilespmem:s31+$0x13040] =	vst v6  }
0x19d: {  	v58 =	vadd.s32 $0x8987, v0;
	[tilespmem:s31+$0x13050] =	vst v7;
	v4 =	vadd.s32 v57, v1  }
0x19e: {  	v59 =	vadd.s32 $0x9607, v0;
	[tilespmem:s31+$0x13060] =	vst v8;
	v5 =	vadd.s32 v58, v1  }
0x19f: {  	v60 =	vadd.s32 $0xA287, v0;
	[tilespmem:s31+$0x13070] =	vst v9;
	v6 =	vadd.s32 v59, v1  }
0x1a0: {  	v61 =	vadd.s32 $0xAF07, v0;
	v7 =	vadd.s32 v60, v1;
	[tilespmem:s31+$0x13000] =	vst v2  }
0x1a1: {  	v62 =	vadd.s32 $0xBB87, v0;
	v8 =	vadd.s32 v61, v1;
	[tilespmem:s31+$0x13010] =	vst v3  }
0x1a2: {  	v9 =	vadd.s32 v62, v1;
	v2 =	vadd.s32 $0x6407, v0;
	v4 =	vld.idx.msk [tilespmem:v4+s14+$0x0], $0xffff  }
0x1a3: {  	v3 =	vadd.s32 $0x7087, v0;
	v2 =	vadd.s32 v2, v1;
	v5 =	vld.idx.msk [tilespmem:v5+s14+$0x0], $0xffff  }
0x1a4: {  	v3 =	vadd.s32 v3, v1;
	v6 =	vld.idx.msk [tilespmem:v6+s14+$0x0], $0xffff  }
0x1a5: {  	v7 =	vld.idx.msk [tilespmem:v7+s14+$0x0], $0xffff  }
0x1a6: {  	v8 =	vld.idx.msk [tilespmem:v8+s14+$0x0], $0xffff  }
0x1a7: {  	v9 =	vld.idx.msk [tilespmem:v9+s14+$0x0], $0xffff  }
0x1a8: {  	v2 =	vld.idx.msk [tilespmem:v2+s14+$0x0], $0xffff  }
0x1a9: {  	v3 =	vld.idx.msk [tilespmem:v3+s14+$0x0], $0xffff;
	[tilespmem:s31+$0x130A0] =	vst v4  }
0x1aa: {  	[tilespmem:s31+$0x130B0] =	vst v5  }
0x1ab: {  	p1 =	sne.s32 s30, $0x18000;
	[tilespmem:s31+$0x130C0] =	vst v6  }
.Ltmp3:
0x1ac: {  	[tilespmem:s31+$0x130D0] =	vst v7;
	(pc) =	sbr.rel @p1 .LBB2_5-.Ltmp3, $4  }
0x1ad: {  	[tilespmem:s31+$0x130E0] =	vst v8  }
0x1ae: {  	[tilespmem:s31+$0x130F0] =	vst v9  }
0x1af: {  	[tilespmem:s31+$0x13080] =	vst v2  }
0x1b0: {  	s30 =	sadd.s32 $0x1000, s30;
	v1 =	vadd.s32 $0x8, v1;
	[tilespmem:s31+$0x13090] =	vst v3  }
0x1b1: {  	s0 =	smul.u32 $0xFA000, s28  }
0x1b2: {  	s2 =	smul.u32 $0x32000, s29;
	s25 =	sadd.s32 $0x1, s25  }
0x1b3: {  	p1 =	sne.s32 s25, $0x1F  }
.Ltmp4:
0x1b4: {  	s31 =	sshll.u32 s26, $0xA;
	s0 =	sadd.s32 s2, s0;
	(pc) =	sbr.rel @p1 .LBB2_2-.Ltmp4, $4  }
0x1b5: {  	s0 =	sor.u32 s31, s0  }
0x1b6: {  	s0 =	sshrl.u32 s0, $0x3  }
0x1b7: {  	s0 =	sadd.s32 s3, s0  }
0x1b8: {  	[hbm4b:s0+s17] =	stream.strided.scatter [tilespmem:s21], [sflag:$0x4], $0x6400, s18, s17, $0x38;
	[tilespmem:$0x19100] =	vst v63  }
0x1b9: {  	v18 =	vld [tilespmem:$0x1FCB0]  }
0x1ba: {  	v19 =	vld [tilespmem:$0x1FCC0]  }
0x1bb: {  	v20 =	vld [tilespmem:$0x1FCD0]  }
0x1bc: {  	v21 =	vld [tilespmem:$0x1FCE0]  }
0x1bd: {  	v22 =	vld [tilespmem:$0x1FCF0]  }
0x1be: {  	v23 =	vld [tilespmem:$0x1FD00]  }
0x1bf: {  	v24 =	vld [tilespmem:$0x1FD10]  }
0x1c0: {  	v25 =	vld [tilespmem:$0x1FD20]  }
0x1c1: {  	v26 =	vld [tilespmem:$0x1FD30]  }
0x1c2: {  	v27 =	vld [tilespmem:$0x1FD40]  }
0x1c3: {  	v28 =	vld [tilespmem:$0x1FD50]  }
0x1c4: {  	v29 =	vld [tilespmem:$0x1FD60]  }
0x1c5: {  	v30 =	vld [tilespmem:$0x1FD70]  }
0x1c6: {  	v31 =	vld [tilespmem:$0x1FD80]  }
0x1c7: {  	v32 =	vld [tilespmem:$0x1FD90]  }
0x1c8: {  	v33 =	vld [tilespmem:$0x1FDA0]  }
0x1c9: {  	v34 =	vld [tilespmem:$0x1FDB0]  }
0x1ca: {  	v35 =	vld [tilespmem:$0x1FDC0]  }
0x1cb: {  	v36 =	vld [tilespmem:$0x1FDD0]  }
0x1cc: {  	v37 =	vld [tilespmem:$0x1FDE0]  }
0x1cd: {  	v38 =	vld [tilespmem:$0x1FDF0]  }
0x1ce: {  	v39 =	vld [tilespmem:$0x1FE00]  }
0x1cf: {  	v40 =	vld [tilespmem:$0x1FE10]  }
0x1d0: {  	v41 =	vld [tilespmem:$0x1FE20]  }
0x1d1: {  	v42 =	vld [tilespmem:$0x1FE30]  }
0x1d2: {  	v43 =	vld [tilespmem:$0x1FE40]  }
0x1d3: {  	v44 =	vld [tilespmem:$0x1FE50]  }
0x1d4: {  	v45 =	vld [tilespmem:$0x1FE60]  }
0x1d5: {  	v46 =	vld [tilespmem:$0x1FE70]  }
0x1d6: {  	v47 =	vld [tilespmem:$0x1FE80]  }
0x1d7: {  	v48 =	vld [tilespmem:$0x1FE90]  }
0x1d8: {  	v49 =	vld [tilespmem:$0x1FEA0]  }
0x1d9: {  	v50 =	vld [tilespmem:$0x1FEB0]  }
0x1da: {  	v51 =	vld [tilespmem:$0x1FEC0]  }
0x1db: {  	v52 =	vld [tilespmem:$0x1FED0]  }
0x1dc: {  	v53 =	vld [tilespmem:$0x1FEE0]  }
0x1dd: {  	v54 =	vld [tilespmem:$0x1FEF0]  }
0x1de: {  	v55 =	vld [tilespmem:$0x1FF00]  }
0x1df: {  	v56 =	vld [tilespmem:$0x1FF10]  }
0x1e0: {  	v57 =	vld [tilespmem:$0x1FF20]  }
0x1e1: {  	v58 =	vld [tilespmem:$0x1FF30]  }
0x1e2: {  	v59 =	vld [tilespmem:$0x1FF40]  }
0x1e3: {  	v60 =	vld [tilespmem:$0x1FF50]  }
0x1e4: {  	v61 =	vld [tilespmem:$0x1FF60]  }
0x1e5: {  	v62 =	vld [tilespmem:$0x1FF70]  }
0x1e6: {  	v10 =	vld [tilespmem:$0x1FF80]  }
0x1e7: {  	v11 =	vld [tilespmem:$0x1FF90]  }
0x1e8: {  	v12 =	vld [tilespmem:$0x1FFA0]  }
.Ltmp5:
0x1e9: {  	v13 =	vld [tilespmem:$0x1FFB0];
	(pc) =	sbr.rel @p0 .LBB2_11-.Ltmp5, $4  }
0x1ea: {  	v14 =	vld [tilespmem:$0x1FFC0]  }
0x1eb: {  	v15 =	vld [tilespmem:$0x1FFD0]  }
0x1ec: {  	v16 =	vld [tilespmem:$0x1FFE0]  }
0x1ed: {  	v17 =	vld [tilespmem:$0x1FFF0]  }
0x1ee: {  	_ =	swait.ge [sflag:s16], $0x6400  }
0x1ef: {  	[sflag:s16] =	ssyncset.done $0x0  }
0x1f0: {  	[sflag:s16] =	ssyncadd.s32 $0xFFFF9C00  }
0x1f1: {  	_ =	swait.ge [sflag:s22], $0x6400  }
0x1f2: {  	[sflag:s22] =	ssyncset.done $0x0  }
0x1f3: {  	v1 =	vimm.s32 $0x0;
	s2 =	simm.s32 $0x0;
	[sflag:s22] =	ssyncadd.s32 $0xFFFF9C00  }
.LBB2_9:
0x1f4: {  	v2 =	vadd.s32 v0, v1  }
0x1f5: {  	v4 =	vadd.s32 v18, v1  }
0x1f6: {  	v3 =	vld [tilespmem:$0x1FCA0];
	v5 =	vadd.s32 v19, v1  }
0x1f7: {  	v6 =	vadd.s32 v20, v1  }
0x1f8: {  	v7 =	vadd.s32 v21, v1  }
0x1f9: {  	v8 =	vadd.s32 v22, v1;
	v2 =	vld.idx.msk [tilespmem:v2+s14+$0x0], $0xffff  }
0x1fa: {  	v9 =	vadd.s32 v23, v1;
	v4 =	vld.idx.msk [tilespmem:v4+s14+$0x0], $0xffff  }
0x1fb: {  	v3 =	vadd.s32 v3, v1;
	v5 =	vld.idx.msk [tilespmem:v5+s14+$0x0], $0xffff  }
0x1fc: {  	v6 =	vld.idx.msk [tilespmem:v6+s14+$0x0], $0xffff  }
0x1fd: {  	v7 =	vld.idx.msk [tilespmem:v7+s14+$0x0], $0xffff  }
0x1fe: {  	v8 =	vld.idx.msk [tilespmem:v8+s14+$0x0], $0xffff  }
0x1ff: {  	s0 =	sshra.s32 s2, $0x2;
	v9 =	vld.idx.msk [tilespmem:v9+s14+$0x0], $0xffff  }
0x200: {  	v3 =	vld.idx.msk [tilespmem:v3+s14+$0x0], $0xffff;
	[tilespmem:s0+$0xC900] =	vst v2  }
0x201: {  	[tilespmem:s0+$0xC920] =	vst v4  }
0x202: {  	[tilespmem:s0+$0xC930] =	vst v5  }
0x203: {  	v2 =	vadd.s32 v24, v1;
	[tilespmem:s0+$0xC940] =	vst v6  }
0x204: {  	[tilespmem:s0+$0xC950] =	vst v7;
	v4 =	vadd.s32 v26, v1  }
0x205: {  	[tilespmem:s0+$0xC960] =	vst v8;
	v5 =	vadd.s32 v27, v1  }
0x206: {  	[tilespmem:s0+$0xC970] =	vst v9;
	v6 =	vadd.s32 v28, v1  }
0x207: {  	v7 =	vadd.s32 v29, v1;
	[tilespmem:s0+$0xC910] =	vst v3  }
0x208: {  	v8 =	vadd.s32 v30, v1;
	v2 =	vld.idx.msk [tilespmem:v2+s14+$0x0], $0xffff  }
0x209: {  	v9 =	vadd.s32 v31, v1;
	v4 =	vld.idx.msk [tilespmem:v4+s14+$0x0], $0xffff  }
0x20a: {  	v3 =	vadd.s32 v25, v1;
	v5 =	vld.idx.msk [tilespmem:v5+s14+$0x0], $0xffff  }
0x20b: {  	v6 =	vld.idx.msk [tilespmem:v6+s14+$0x0], $0xffff  }
0x20c: {  	v7 =	vld.idx.msk [tilespmem:v7+s14+$0x0], $0xffff  }
0x20d: {  	v8 =	vld.idx.msk [tilespmem:v8+s14+$0x0], $0xffff  }
0x20e: {  	v9 =	vld.idx.msk [tilespmem:v9+s14+$0x0], $0xffff  }
0x20f: {  	v3 =	vld.idx.msk [tilespmem:v3+s14+$0x0], $0xffff;
	[tilespmem:s0+$0xC980] =	vst v2  }
0x210: {  	[tilespmem:s0+$0xC9A0] =	vst v4  }
0x211: {  	[tilespmem:s0+$0xC9B0] =	vst v5  }
0x212: {  	v2 =	vadd.s32 v32, v1;
	[tilespmem:s0+$0xC9C0] =	vst v6  }
0x213: {  	[tilespmem:s0+$0xC9D0] =	vst v7;
	v4 =	vadd.s32 v34, v1  }
0x214: {  	[tilespmem:s0+$0xC9E0] =	vst v8;
	v5 =	vadd.s32 v35, v1  }
0x215: {  	[tilespmem:s0+$0xC9F0] =	vst v9;
	v6 =	vadd.s32 v36, v1  }
0x216: {  	v7 =	vadd.s32 v37, v1;
	[tilespmem:s0+$0xC990] =	vst v3  }
0x217: {  	v8 =	vadd.s32 v38, v1;
	v2 =	vld.idx.msk [tilespmem:v2+s14+$0x0], $0xffff  }
0x218: {  	v9 =	vadd.s32 v39, v1;
	v4 =	vld.idx.msk [tilespmem:v4+s14+$0x0], $0xffff  }
0x219: {  	v3 =	vadd.s32 v33, v1;
	v5 =	vld.idx.msk [tilespmem:v5+s14+$0x0], $0xffff  }
0x21a: {  	v6 =	vld.idx.msk [tilespmem:v6+s14+$0x0], $0xffff  }
0x21b: {  	v7 =	vld.idx.msk [tilespmem:v7+s14+$0x0], $0xffff  }
0x21c: {  	v8 =	vld.idx.msk [tilespmem:v8+s14+$0x0], $0xffff  }
0x21d: {  	v9 =	vld.idx.msk [tilespmem:v9+s14+$0x0], $0xffff  }
0x21e: {  	v3 =	vld.idx.msk [tilespmem:v3+s14+$0x0], $0xffff;
	[tilespmem:s0+$0xCA00] =	vst v2  }
0x21f: {  	[tilespmem:s0+$0xCA20] =	vst v4  }
0x220: {  	[tilespmem:s0+$0xCA30] =	vst v5  }
0x221: {  	v2 =	vadd.s32 v40, v1;
	[tilespmem:s0+$0xCA40] =	vst v6  }
0x222: {  	[tilespmem:s0+$0xCA50] =	vst v7;
	v4 =	vadd.s32 v42, v1  }
0x223: {  	[tilespmem:s0+$0xCA60] =	vst v8;
	v5 =	vadd.s32 v43, v1  }
0x224: {  	[tilespmem:s0+$0xCA70] =	vst v9;
	v6 =	vadd.s32 v44, v1  }
0x225: {  	v7 =	vadd.s32 v45, v1;
	[tilespmem:s0+$0xCA10] =	vst v3  }
0x226: {  	v8 =	vadd.s32 v46, v1;
	v2 =	vld.idx.msk [tilespmem:v2+s14+$0x0], $0xffff  }
0x227: {  	v9 =	vadd.s32 v47, v1;
	v4 =	vld.idx.msk [tilespmem:v4+s14+$0x0], $0xffff  }
0x228: {  	v3 =	vadd.s32 v41, v1;
	v5 =	vld.idx.msk [tilespmem:v5+s14+$0x0], $0xffff  }
0x229: {  	v6 =	vld.idx.msk [tilespmem:v6+s14+$0x0], $0xffff  }
0x22a: {  	v7 =	vld.idx.msk [tilespmem:v7+s14+$0x0], $0xffff  }
0x22b: {  	v8 =	vld.idx.msk [tilespmem:v8+s14+$0x0], $0xffff  }
0x22c: {  	v9 =	vld.idx.msk [tilespmem:v9+s14+$0x0], $0xffff  }
0x22d: {  	v3 =	vld.idx.msk [tilespmem:v3+s14+$0x0], $0xffff;
	[tilespmem:s0+$0xCA80] =	vst v2  }
0x22e: {  	[tilespmem:s0+$0xCAA0] =	vst v4  }
0x22f: {  	[tilespmem:s0+$0xCAB0] =	vst v5  }
0x230: {  	v2 =	vadd.s32 v48, v1;
	[tilespmem:s0+$0xCAC0] =	vst v6  }
0x231: {  	[tilespmem:s0+$0xCAD0] =	vst v7;
	v4 =	vadd.s32 v50, v1  }
0x232: {  	[tilespmem:s0+$0xCAE0] =	vst v8;
	v5 =	vadd.s32 v51, v1  }
0x233: {  	[tilespmem:s0+$0xCAF0] =	vst v9;
	v6 =	vadd.s32 v52, v1  }
0x234: {  	v7 =	vadd.s32 v53, v1;
	[tilespmem:s0+$0xCA90] =	vst v3  }
0x235: {  	v8 =	vadd.s32 v54, v1;
	v2 =	vld.idx.msk [tilespmem:v2+s14+$0x0], $0xffff  }
0x236: {  	v9 =	vadd.s32 v55, v1;
	v4 =	vld.idx.msk [tilespmem:v4+s14+$0x0], $0xffff  }
0x237: {  	v3 =	vadd.s32 v49, v1;
	v5 =	vld.idx.msk [tilespmem:v5+s14+$0x0], $0xffff  }
0x238: {  	v6 =	vld.idx.msk [tilespmem:v6+s14+$0x0], $0xffff  }
0x239: {  	v7 =	vld.idx.msk [tilespmem:v7+s14+$0x0], $0xffff  }
0x23a: {  	v8 =	vld.idx.msk [tilespmem:v8+s14+$0x0], $0xffff  }
0x23b: {  	v9 =	vld.idx.msk [tilespmem:v9+s14+$0x0], $0xffff  }
0x23c: {  	v3 =	vld.idx.msk [tilespmem:v3+s14+$0x0], $0xffff;
	[tilespmem:s0+$0xCB00] =	vst v2  }
0x23d: {  	[tilespmem:s0+$0xCB20] =	vst v4  }
0x23e: {  	[tilespmem:s0+$0xCB30] =	vst v5  }
0x23f: {  	v2 =	vadd.s32 v56, v1;
	[tilespmem:s0+$0xCB40] =	vst v6  }
0x240: {  	[tilespmem:s0+$0xCB50] =	vst v7;
	v4 =	vadd.s32 v58, v1  }
0x241: {  	[tilespmem:s0+$0xCB60] =	vst v8;
	v5 =	vadd.s32 v59, v1  }
0x242: {  	[tilespmem:s0+$0xCB70] =	vst v9;
	v6 =	vadd.s32 v60, v1  }
0x243: {  	v7 =	vadd.s32 v61, v1;
	[tilespmem:s0+$0xCB10] =	vst v3  }
0x244: {  	v8 =	vadd.s32 v62, v1;
	v2 =	vld.idx.msk [tilespmem:v2+s14+$0x0], $0xffff  }
0x245: {  	v9 =	vadd.s32 v10, v1;
	v4 =	vld.idx.msk [tilespmem:v4+s14+$0x0], $0xffff  }
0x246: {  	v3 =	vadd.s32 v57, v1;
	v5 =	vld.idx.msk [tilespmem:v5+s14+$0x0], $0xffff  }
0x247: {  	v6 =	vld.idx.msk [tilespmem:v6+s14+$0x0], $0xffff  }
0x248: {  	v7 =	vld.idx.msk [tilespmem:v7+s14+$0x0], $0xffff  }
0x249: {  	v8 =	vld.idx.msk [tilespmem:v8+s14+$0x0], $0xffff  }
0x24a: {  	v9 =	vld.idx.msk [tilespmem:v9+s14+$0x0], $0xffff  }
0x24b: {  	v3 =	vld.idx.msk [tilespmem:v3+s14+$0x0], $0xffff;
	[tilespmem:s0+$0xCB80] =	vst v2  }
0x24c: {  	[tilespmem:s0+$0xCBA0] =	vst v4  }
0x24d: {  	[tilespmem:s0+$0xCBB0] =	vst v5  }
0x24e: {  	v2 =	vadd.s32 v11, v1;
	[tilespmem:s0+$0xCBC0] =	vst v6  }
0x24f: {  	[tilespmem:s0+$0xCBD0] =	vst v7;
	v4 =	vadd.s32 v13, v1  }
0x250: {  	v5 =	vadd.s32 v14, v1;
	[tilespmem:s0+$0xCBF0] =	vst v9;
	v9 =	vld [tilespmem:$0x1FC20]  }
0x251: {  	[tilespmem:s0+$0xCBE0] =	vst v8;
	v6 =	vadd.s32 v15, v1  }
0x252: {  	v7 =	vadd.s32 v16, v1;
	[tilespmem:s0+$0xCB90] =	vst v3  }
0x253: {  	v8 =	vadd.s32 v17, v1;
	v2 =	vld.idx.msk [tilespmem:v2+s14+$0x0], $0xffff  }
0x254: {  	v3 =	vadd.s32 v12, v1;
	v4 =	vld.idx.msk [tilespmem:v4+s14+$0x0], $0xffff  }
0x255: {  	v9 =	vadd.s32 v9, v1;
	v5 =	vld.idx.msk [tilespmem:v5+s14+$0x0], $0xffff  }
0x256: {  	v6 =	vld.idx.msk [tilespmem:v6+s14+$0x0], $0xffff  }
0x257: {  	v7 =	vld.idx.msk [tilespmem:v7+s14+$0x0], $0xffff  }
0x258: {  	v8 =	vld.idx.msk [tilespmem:v8+s14+$0x0], $0xffff  }
0x259: {  	v3 =	vld.idx.msk [tilespmem:v3+s14+$0x0], $0xffff  }
0x25a: {  	v9 =	vld.idx.msk [tilespmem:v9+s14+$0x0], $0xffff  }
0x25b: {  	[tilespmem:s0+$0xCC00] =	vst v2;
	v2 =	vld [tilespmem:$0x1FC30]  }
0x25c: {  	[tilespmem:s0+$0xCC20] =	vst v4;
	v4 =	vld [tilespmem:$0x1FC50]  }
0x25d: {  	[tilespmem:s0+$0xCC30] =	vst v5;
	v5 =	vld [tilespmem:$0x1FC60]  }
0x25e: {  	[tilespmem:s0+$0xCC40] =	vst v6;
	v6 =	vld [tilespmem:$0x1FC70]  }
0x25f: {  	[tilespmem:s0+$0xCC50] =	vst v7;
	v7 =	vld [tilespmem:$0x1FC80]  }
0x260: {  	[tilespmem:s0+$0xCC60] =	vst v8;
	v8 =	vld [tilespmem:$0x1FC90];
	v2 =	vadd.s32 v2, v1  }
0x261: {  	v4 =	vadd.s32 v4, v1  }
0x262: {  	[tilespmem:s0+$0xCC10] =	vst v3;
	v3 =	vld [tilespmem:$0x1FC40];
	v5 =	vadd.s32 v5, v1  }
0x263: {  	v6 =	vadd.s32 v6, v1  }
0x264: {  	[tilespmem:s0+$0xCC70] =	vst v9;
	v7 =	vadd.s32 v7, v1  }
0x265: {  	v8 =	vadd.s32 v8, v1;
	v2 =	vld.idx.msk [tilespmem:v2+s14+$0x0], $0xffff  }
0x266: {  	v9 =	vadd.s32 v63, v1;
	v4 =	vld.idx.msk [tilespmem:v4+s14+$0x0], $0xffff  }
0x267: {  	v3 =	vadd.s32 v3, v1;
	v5 =	vld.idx.msk [tilespmem:v5+s14+$0x0], $0xffff  }
0x268: {  	v6 =	vld.idx.msk [tilespmem:v6+s14+$0x0], $0xffff  }
0x269: {  	v7 =	vld.idx.msk [tilespmem:v7+s14+$0x0], $0xffff  }
0x26a: {  	v8 =	vld.idx.msk [tilespmem:v8+s14+$0x0], $0xffff  }
0x26b: {  	v9 =	vld.idx.msk [tilespmem:v9+s14+$0x0], $0xffff  }
0x26c: {  	v3 =	vld.idx.msk [tilespmem:v3+s14+$0x0], $0xffff;
	[tilespmem:s0+$0xCC80] =	vst v2  }
0x26d: {  	[tilespmem:s0+$0xCCA0] =	vst v4  }
0x26e: {  	p1 =	sne.s32 s2, $0x18000;
	[tilespmem:s0+$0xCCB0] =	vst v5  }
.Ltmp6:
0x26f: {  	[tilespmem:s0+$0xCCC0] =	vst v6;
	(pc) =	sbr.rel @p1 .LBB2_9-.Ltmp6, $4  }
0x270: {  	[tilespmem:s0+$0xCCD0] =	vst v7  }
0x271: {  	[tilespmem:s0+$0xCCE0] =	vst v8  }
0x272: {  	[tilespmem:s0+$0xCCF0] =	vst v9  }
0x273: {  	s2 =	sadd.s32 $0x1000, s2;
	v1 =	vadd.s32 $0x8, v1;
	[tilespmem:s0+$0xCC90] =	vst v3  }
.Ltmp7:
0x274: {  	(pc) =	sbr.rel .LBB2_11-.Ltmp7, $3  }
0x275: {  	_ =	sdelay $0x1  }
0x276: {  	s0 =	rddreg [dreg:$0x4]  }
0x277: {  	[hbm4b:s0+s17] =	stream.strided.scatter [tilespmem:s19], [sflag:$0x3], $0x6400, s18, s17, $0x38;
	[tilespmem:$0x19100] =	vst v63  }
.LBB2_12:
0x278: {  	_ =	sfence.sel $0x180000  }
0x279: {  	[bflag:$0x0] =	sbarrier.arrive $0xFFFF  }
0x27a: {  	_ =	strace $0x90000047  }
0x27b: {  	s0 =	stileid.u32;
	[bflag:$0x2] =	sbarrier.arrive $0xFFFF  }
0x27c: {  	p0 =	sne.s32 s0, $0x0;
	s0 =	rddreg [dreg:$0x2]  }
0x27d: {  	s0 =	sadd.s32 @!p0 $0x100000, s0  }
0x27e: {  	[sflag:s0] =	ssyncadd.tile.s32 @!p0 $0x1;
	_ =	shalt  }
.Lfunc_end2:
_tile_overlayer_lowered:
.L_overlay_start_2:
0x27f: {  	(tag) =	ssettag $0x2  }
0x280: {  	s0 =	rddreg [dreg:$0x0];
	s2 =	stileid.u32  }
0x281: {  	s1 =	rddreg [dreg:$0x1];
	p0 =	sne.s32 s2, $0x0  }
0x282: {  	s3 =	rddreg [dreg:$0x2];
	[bflag:$0x3] =	sbarrier.arrive $0xFFFF;
	s2 =	simm.s32 @!p0 $0x1C05  }
0x283: {  	[timem:s3], [sflag:s2] =	dma.local @!p0 [hbm:s0], s1  }
0x284: {  	s0 =	simm.s32 @!p0 $0x5  }
0x285: {  	_ =	swait.ge @!p0 [sflag:s0], s1  }
0x286: {  	s1 =	ssub.s32 @!p0 $0x0, s1;
	[sflag:s0] =	ssyncset.done @!p0 $0x0  }
0x287: {  	[sflag:s0] =	ssyncadd.s32 @!p0 s1  }
0x288: {  	[bflag:$0x3] =	sbarrier.arrive $0xFFFF  }
0x289: {  	_ =	shalt  }

</sc_bundles>
